<compile_context>
chip_gen: v7x
topology: tpu7x:2x2x1
jax: 0.10.2.dev20260603
libtpu: 0.0.44.dev20260713+nightly
codegen_flags: <defaults>
</compile_context>

<pallas_src>
import functools

import jax
import jax.numpy as jnp
from jax import lax
from jax.experimental import pallas as pl
from jax.experimental.pallas import tpu as pltpu
from jax.experimental.pallas import tpu_sc as plsc

N = 100000
E = 1600000
H = 32
HH = 16
G = 64
NCLS = 8

CH = 128
SUPR = 56
NSUP = 14
RING = 6
RPS = SUPR * NSUP
E_PAD = 16 * RPS * CH
NROW = E_PAD // CH
OUTR = 6256
OUTR_LAST = N - 15 * OUTR
ACCR = 16 * OUTR
DSUPR = 56
DNSUP = 7
DRPW = DSUPR * DNSUP
DRING = 4

BN = 4000
GRID = N // BN

_mesh = plsc.VectorSubcoreMesh(core_axis_name="c", subcore_axis_name="s")
_sc_params = pltpu.CompilerParams(use_tc_tiling_on_sc=False)
_f32 = jnp.float32
_out_sh = jax.ShapeDtypeStruct((N, HH), _f32)


def _zero_acc(acc, zeros_hbm, s):
    pltpu.sync_copy(zeros_hbm, acc.at[pl.ds(s * OUTR, OUTR)])


def _copy_out(acc, c, s, o0_hbm, o1_hbm):
    ob = s * OUTR

    def emit(o_hbm, nrows):
        pltpu.sync_copy(acc.at[pl.ds(ob, nrows)], o_hbm.at[pl.ds(ob, nrows)])

    for core, o_hbm in ((0, o0_hbm), (1, o1_hbm)):
        @pl.when(jnp.logical_and(c == core, s < 15))
        def _():
            emit(o_hbm, OUTR)

        @pl.when(jnp.logical_and(c == core, s == 15))
        def _():
            emit(o_hbm, OUTR_LAST)


@jax.jit
def _sc_deg(dst2d, zeros_hbm, ones_hbm):

    @functools.partial(
        pl.kernel,
        out_type=(_out_sh, _out_sh),
        mesh=_mesh,
        compiler_params=_sc_params,
        scratch_types=[
            pltpu.VMEM_SHARED((ACCR, HH), _f32),
            pltpu.VMEM((DSUPR, CH), jnp.int32),
            pltpu.VMEM((CH, HH), _f32),
            [pltpu.SemaphoreType.DMA] * DRING,
        ],
    )
    def k(dst_hbm, z_hbm, one_hbm, o0_hbm, o1_hbm, acc, didx, ones, ssems):
        c = lax.axis_index("c")
        s = lax.axis_index("s")
        _zero_acc(acc, z_hbm, s)
        pltpu.sync_copy(one_hbm, ones)
        plsc.subcore_barrier()

        w = s * 2 + c
        rbase = w * DRPW

        @pl.loop(0, DNSUP)
        def _(q):
            pltpu.sync_copy(dst_hbm.at[pl.ds(rbase + q * DSUPR, DSUPR)],
                            didx)
            sd = [None] * DRING
            for kk in range(DSUPR):
                slot = kk % DRING
                if sd[slot] is not None:
                    sd[slot].wait()
                sd[slot] = pltpu.async_copy(ones, acc.at[didx.at[kk]],
                                            ssems[slot], add=True)
            for slot in range(DRING):
                if sd[slot] is not None:
                    sd[slot].wait()

        plsc.subcore_barrier()
        _copy_out(acc, c, s, o0_hbm, o1_hbm)

    return k(dst2d, zeros_hbm, ones_hbm)


@jax.jit
def _sc_scatter(g0, g1, ed2d, zeros_hbm):

    @functools.partial(
        pl.kernel,
        out_type=(_out_sh, _out_sh),
        mesh=_mesh,
        compiler_params=_sc_params,
        scratch_types=[
            pltpu.VMEM_SHARED((ACCR, HH), _f32),
            pltpu.VMEM((2 * SUPR, CH), jnp.int32),
            pltpu.VMEM((RING, CH, HH), _f32),
            [pltpu.SemaphoreType.DMA] * RING,
            [pltpu.SemaphoreType.DMA] * RING,
        ],
    )
    def k(g0_hbm, g1_hbm, ed_hbm, z_hbm, o0_hbm, o1_hbm,
          acc, eidx, rows, gsems, ssems):
        c = lax.axis_index("c")
        s = lax.axis_index("s")
        _zero_acc(acc, z_hbm, s)
        plsc.subcore_barrier()

        rbase = 2 * s * RPS

        def run(g_hbm):
            @pl.loop(0, NSUP)
            def _(q):
                r0 = rbase + q * 2 * SUPR
                pltpu.sync_copy(ed_hbm.at[pl.ds(r0, 2 * SUPR)], eidx)
                gd = [None] * RING
                sd = [None] * RING
                for u in range(RING - 1):
                    gd[u] = pltpu.async_copy(g_hbm.at[eidx.at[2 * u]],
                                             rows.at[u], gsems[u])
                for kk in range(SUPR):
                    slot = kk % RING
                    pslot = (kk - 1) % RING
                    gd[slot].wait()
                    sd[slot] = pltpu.async_copy(
                        rows.at[slot], acc.at[eidx.at[2 * kk + 1]],
                        ssems[slot], add=True)
                    nxt = kk + RING - 1
                    if nxt < SUPR:
                        if sd[pslot] is not None:
                            sd[pslot].wait()
                        gd[pslot] = pltpu.async_copy(
                            g_hbm.at[eidx.at[2 * nxt]], rows.at[pslot],
                            gsems[pslot])
                for i in range(SUPR - RING, SUPR):
                    sd[i % RING].wait()

        @pl.when(c == 0)
        def _():
            run(g0_hbm)

        @pl.when(c == 1)
        def _():
            run(g1_hbm)

        plsc.subcore_barrier()
        _copy_out(acc, c, s, o0_hbm, o1_hbm)

    return k(g0, g1, ed2d, zeros_hbm)


def _full_spec(shape):
    return pl.BlockSpec(shape, lambda i: tuple(0 for _ in shape))


def _row_spec(w):
    return pl.BlockSpec((BN, w), lambda i: (i, 0))


@jax.jit
def _tc_init(nt2, xnum, d0, d1, W1, b1r, W2, b2r, Wg0):

    def body(nt_ref, xn_ref, d0_ref, d1_ref, W1_ref, b1_ref, W2_ref, b2_ref,
             Wg_ref, g0_ref, g1_ref, dv_ref):
        nt = nt_ref[...]
        oh = (nt == lax.broadcasted_iota(jnp.int32, (BN, NCLS), 1)
              ).astype(_f32)
        xt = jnp.dot(oh, W1_ref[...], preferred_element_type=_f32) + b1_ref[...]
        xn = jnp.dot(xn_ref[...], W2_ref[...], preferred_element_type=_f32) + b2_ref[...]
        deg = d0_ref[...][:, 0:1] + d1_ref[...][:, 0:1] + 1.0
        dinv = lax.rsqrt(deg)
        Wg = Wg_ref[...]
        h = (jnp.dot(xt, Wg[:H, :], preferred_element_type=_f32)
             + jnp.dot(xn, Wg[H:, :], preferred_element_type=_f32))
        g = h * dinv
        g0_ref[...] = g[:, :HH]
        g1_ref[...] = g[:, HH:]
        dv_ref[...] = dinv

    return pl.pallas_call(
        body,
        grid=(GRID,),
        in_specs=[
            _row_spec(1), _row_spec(4), _row_spec(HH), _row_spec(HH),
            _full_spec((NCLS, H)), _full_spec((1, H)),
            _full_spec((4, H)), _full_spec((1, H)),
            _full_spec((2 * H, H)),
        ],
        out_specs=[_row_spec(HH), _row_spec(HH), _row_spec(1)],
        out_shape=[
            jax.ShapeDtypeStruct((N, HH), _f32),
            jax.ShapeDtypeStruct((N, HH), _f32),
            jax.ShapeDtypeStruct((N, 1), _f32),
        ],
    )(nt2, xnum, d0, d1, W1, b1r, W2, b2r, Wg0)


@jax.jit
def _tc_layer(s0, s1, g0, g1, dv, br, W):

    def body(s0_ref, s1_ref, g0_ref, g1_ref, dv_ref, b_ref, W_ref,
             o0_ref, o1_ref):
        zl = s0_ref[...] + g0_ref[...]
        zr = s1_ref[...] + g1_ref[...]
        dinv = dv_ref[...]
        z = jnp.concatenate([zl, zr], axis=1) * dinv + b_ref[...]
        z = jnp.maximum(z, 0.0)
        h = jnp.dot(z, W_ref[...], preferred_element_type=_f32)
        g = h * dinv
        o0_ref[...] = g[:, :HH]
        o1_ref[...] = g[:, HH:]

    return pl.pallas_call(
        body,
        grid=(GRID,),
        in_specs=[
            _row_spec(HH), _row_spec(HH), _row_spec(HH), _row_spec(HH),
            _row_spec(1), _full_spec((1, H)), _full_spec((H, H)),
        ],
        out_specs=[_row_spec(HH), _row_spec(HH)],
        out_shape=[
            jax.ShapeDtypeStruct((N, HH), _f32),
            jax.ShapeDtypeStruct((N, HH), _f32),
        ],
    )(s0, s1, g0, g1, dv, br, W)


@jax.jit
def _tc_final(s0, s1, g0, g1, dv, br, bt2, Wout, boutr):

    def body(s0_ref, s1_ref, g0_ref, g1_ref, dv_ref, b_ref, bt_ref,
             Wo_ref, bo_ref, out_ref, sums, cnts):
        i = pl.program_id(0)

        @pl.when(i == 0)
        def _():
            sums[...] = jnp.zeros((G, H), _f32)
            cnts[...] = jnp.zeros((G, 1), _f32)

        zl = s0_ref[...] + g0_ref[...]
        zr = s1_ref[...] + g1_ref[...]
        z = jnp.concatenate([zl, zr], axis=1) * dv_ref[...] + b_ref[...]
        bt = bt_ref[...]
        oh = (bt == lax.broadcasted_iota(jnp.int32, (BN, G), 1)).astype(_f32)
        dn = (((0,), (0,)), ((), ()))
        sums[...] += lax.dot_general(oh, z, dn, preferred_element_type=_f32)
        cnts[...] += lax.dot_general(oh, jnp.ones((BN, 1), _f32), dn,
                                     preferred_element_type=_f32)

        @pl.when(i == GRID - 1)
        def _():
            mean = sums[...] / jnp.maximum(cnts[...], 1.0)
            out_ref[...] = (jnp.dot(mean, Wo_ref[...],
                                    preferred_element_type=_f32) + bo_ref[...])

    return pl.pallas_call(
        body,
        grid=(GRID,),
        in_specs=[
            _row_spec(HH), _row_spec(HH), _row_spec(HH), _row_spec(HH),
            _row_spec(1), _full_spec((1, H)), _row_spec(1),
            _full_spec((H, 1)), _full_spec((1, 1)),
        ],
        out_specs=pl.BlockSpec((G, 1), lambda i: (0, 0)),
        out_shape=jax.ShapeDtypeStruct((G, 1), _f32),
        scratch_shapes=[
            pltpu.VMEM((G, H), _f32),
            pltpu.VMEM((G, 1), _f32),
        ],
    )(s0, s1, g0, g1, dv, br, bt2, Wout, boutr)


def kernel(node_type, c, gm, pos, r, edge_index, batch, W1, b1, W2, b2,
           Wg0, bg0, Wg1, bg1, Wg2, bg2, Wg3, bg3, Wg4, bg4, Wout, bout):
    src = edge_index[0].astype(jnp.int32)
    dst = edge_index[1].astype(jnp.int32)
    pad = E_PAD - E
    src2d = jnp.concatenate(
        [src, jnp.zeros((pad,), jnp.int32)]).reshape(NROW, CH)
    dst2d = jnp.concatenate(
        [dst, jnp.full((pad,), N, jnp.int32)]).reshape(NROW, CH)
    ed2d = jnp.stack([src2d, dst2d], axis=1).reshape(2 * NROW, CH)
    xnum = jnp.stack([c, gm, pos, r], axis=-1)
    nt2 = node_type.astype(jnp.int32).reshape(N, 1)
    bt2 = batch.astype(jnp.int32).reshape(N, 1)

    zeros_hbm = jnp.zeros((OUTR, HH), _f32)
    ones_hbm = jnp.ones((CH, HH), _f32)

    d0, d1 = _sc_deg(dst2d, zeros_hbm, ones_hbm)
    g0, g1, dv = _tc_init(nt2, xnum, d0, d1, W1, b1.reshape(1, H),
                          W2, b2.reshape(1, H), Wg0)
    Ws = [Wg1, Wg2, Wg3, Wg4]
    bs = [bg0, bg1, bg2, bg3]
    for i in range(4):
        s0, s1 = _sc_scatter(g0, g1, ed2d, zeros_hbm)
        g0, g1 = _tc_layer(s0, s1, g0, g1, dv, bs[i].reshape(1, H), Ws[i])
    s0, s1 = _sc_scatter(g0, g1, ed2d, zeros_hbm)
    return _tc_final(s0, s1, g0, g1, dv, bg4.reshape(1, H), bt2,
                     Wout, bout.reshape(1, 1))

# --- scband reference (transcript-rebuilt; emitter-appended) ---
"""Pipeline reference for scband-model-22368189678194 (READ-ONLY COPY).

The authoritative reference and input builder live on the scoring server;
editing this copy changes nothing except your own understanding.
"""

import jax, jax.numpy as jnp
import numpy as np

N = 100000
E = 1600000
H = 32
NC = 8
G = 64
L = 5

def setup_inputs(seed: int = 0) -> dict:
    key = jax.random.key(seed)
    ks = jax.random.split(key, 24)
    inp = {}
    inp["node_type"] = jax.random.randint(ks[0], (N,), 0, NC)
    inp["c"] = jax.random.normal(ks[1], (N,), dtype=jnp.float32)
    inp["gm"] = jax.random.normal(ks[2], (N,), dtype=jnp.float32)
    inp["pos"] = jax.random.normal(ks[3], (N,), dtype=jnp.float32)
    inp["r"] = jax.random.normal(ks[4], (N,), dtype=jnp.float32)
    inp["edge_index"] = jax.random.randint(ks[5], (2, E), 0, N)
    inp["batch"] = jnp.sort(jax.random.randint(ks[6], (N,), 0, G))
    inp["W1"] = jax.random.normal(ks[7], (NC, H), dtype=jnp.float32) * 0.1
    inp["b1"] = jnp.zeros((H,), dtype=jnp.float32)
    inp["W2"] = jax.random.normal(ks[8], (4, H), dtype=jnp.float32) * 0.1
    inp["b2"] = jnp.zeros((H,), dtype=jnp.float32)
    for i in range(L):
        in_d = 2 * H if i == 0 else H
        inp["Wg%d" % i] = jax.random.normal(ks[9 + i], (in_d, H), dtype=jnp.float32) * (1.0 / np.sqrt(in_d))
        inp["bg%d" % i] = jnp.zeros((H,), dtype=jnp.float32)
    inp["Wout"] = jax.random.normal(ks[20], (H, 1), dtype=jnp.float32) * 0.1
    inp["bout"] = jnp.zeros((1,), dtype=jnp.float32)
    return inp

def gcn_conv(x, W, b, src, dst):
    # GCNConv with symmetric normalization and self-loops (PyG default)
    h = x @ W
    n = x.shape[0]
    deg = jnp.zeros((n,), dtype=jnp.float32).at[dst].add(1.0) + 1.0
    dinv = 1.0 / jnp.sqrt(deg)
    coef = dinv[src] * dinv[dst]
    agg = jnp.zeros_like(h).at[dst].add(h[src] * coef[:, None])
    agg = agg + h * (dinv * dinv)[:, None]  # self-loop contribution
    return agg + b

def reference(node_type, c, gm, pos, r, edge_index, batch,
              W1, b1, W2, b2,
              Wg0, bg0, Wg1, bg1, Wg2, bg2, Wg3, bg3, Wg4, bg4,
              Wout, bout):
    x_t = jax.nn.one_hot(node_type, NC, dtype=jnp.float32) @ W1 + b1
    x_num = jnp.stack([c, gm, pos, r], axis=-1) @ W2 + b2
    z = jnp.concatenate([x_t, x_num], axis=-1)
    src = edge_index[0]
    dst = edge_index[1]
    Ws = [Wg0, Wg1, Wg2, Wg3, Wg4]
    bs = [bg0, bg1, bg2, bg3, bg4]
    for i in range(L):
        z = gcn_conv(z, Ws[i], bs[i], src, dst)
        if i < L - 1:
            z = jax.nn.relu(z)  # dropout=0.2 is identity in eval mode
    sums = jnp.zeros((G, H), dtype=jnp.float32).at[batch].add(z)
    cnt = jnp.zeros((G,), dtype=jnp.float32).at[batch].add(1.0)
    mean = sums / jnp.clip(cnt, 1.0)[:, None]
    pred = mean @ Wout + bout
    return pred

if __name__ == "__main__":
    import jax
    _d = setup_inputs()
    print(jax.jit(kernel)(*tuple(_d.values())))

</pallas_src>

<mosaic_0001>
#map = affine_map<(d0, d1) -> (0, 0)>
module attributes {stable_mosaic.version = 14 : i64} {
  func.func @k(%arg0: i32, %arg1: i32, %arg2: memref<12544x128xi32, #tpu.memory_space<hbm>>, %arg3: memref<6256x16xf32, #tpu.memory_space<hbm>>, %arg4: memref<128x16xf32, #tpu.memory_space<hbm>>, %arg5: memref<100000x16xf32, #tpu.memory_space<hbm>>, %arg6: memref<100000x16xf32, #tpu.memory_space<hbm>>, %arg7: memref<100096x16xf32, #tpu.memory_space<vmem_shared>>, %arg8: memref<56x128xi32, #tpu.memory_space<vmem>>, %arg9: memref<128x16xf32, #tpu.memory_space<vmem>>, %arg10: memref<!tpu.dma_semaphore, #tpu.memory_space<semaphore_mem>>, %arg11: memref<!tpu.dma_semaphore, #tpu.memory_space<semaphore_mem>>, %arg12: memref<!tpu.dma_semaphore, #tpu.memory_space<semaphore_mem>>, %arg13: memref<!tpu.dma_semaphore, #tpu.memory_space<semaphore_mem>>) attributes {dimension_semantics = [#tpu.dimension_semantics<core_parallel>, #tpu.dimension_semantics<subcore_parallel>], iteration_bounds = array<i64: 2, 16>, scalar_prefetch = 0 : i64, scratch_operands = 7 : i64, tpu.core_type = #tpu.core_type<sc_vector_subcore>, window_params = [{transform_indices = #map}, {transform_indices = #map}, {transform_indices = #map}, {transform_indices = #map}, {transform_indices = #map}]} {
    %mul3A = arith.constant 6256 : i32
    %mul3A_0 = arith.muli %arg1, %mul3A : i32
    "tpu.region"() ({
      %run_scoped3A = tpu.sem_alloc : memref<!tpu.dma_semaphore, #tpu.memory_space<semaphore_mem>>
      %dma_start3A = arith.constant 0 : i32
      %dma_start3A_39 = tpu.memref_slice %arg7[%mul3A_0, %dma_start3A] : memref<100096x16xf32, #tpu.memory_space<vmem_shared>> -> memref<6256x16xf32, #tpu.memory_space<vmem_shared>>
      tpu.enqueue_dma source(%arg3 : memref<6256x16xf32, #tpu.memory_space<hbm>>) target(%dma_start3A_39 : memref<6256x16xf32, #tpu.memory_space<vmem_shared>>) target_semaphore(%run_scoped3A : memref<!tpu.dma_semaphore, #tpu.memory_space<semaphore_mem>>)
      %dma_wait3A = arith.constant 0 : i32
      %dma_wait3A_40 = tpu.memref_slice %arg7[%mul3A_0, %dma_wait3A] : memref<100096x16xf32, #tpu.memory_space<vmem_shared>> -> memref<6256x16xf32, #tpu.memory_space<vmem_shared>>
      tpu.wait_dma2 semaphore(%run_scoped3A : memref<!tpu.dma_semaphore, #tpu.memory_space<semaphore_mem>>) src(%arg3 : memref<6256x16xf32, #tpu.memory_space<hbm>>) dst(%dma_wait3A_40 : memref<6256x16xf32, #tpu.memory_space<vmem_shared>>)
      tpu.yield
    }) : () -> ()
    "tpu.region"() ({
      %run_scoped3A = tpu.sem_alloc : memref<!tpu.dma_semaphore, #tpu.memory_space<semaphore_mem>>
      tpu.enqueue_dma source(%arg4 : memref<128x16xf32, #tpu.memory_space<hbm>>) target(%arg9 : memref<128x16xf32, #tpu.memory_space<vmem>>) target_semaphore(%run_scoped3A : memref<!tpu.dma_semaphore, #tpu.memory_space<semaphore_mem>>)
      tpu.wait_dma2 semaphore(%run_scoped3A : memref<!tpu.dma_semaphore, #tpu.memory_space<semaphore_mem>>) src(%arg4 : memref<128x16xf32, #tpu.memory_space<hbm>>) dst(%arg9 : memref<128x16xf32, #tpu.memory_space<vmem>>)
      tpu.yield
    }) : () -> ()
    %barrier3A = arith.constant 0 : index
    tpu.barrier barrier_id(%barrier3A)
    %mul3A_1 = arith.constant 2 : i32
    %mul3A_2 = arith.muli %arg1, %mul3A_1 : i32
    %add3A = arith.addi %mul3A_2, %arg0 : i32
    %mul3A_3 = arith.constant 392 : i32
    %mul3A_4 = arith.muli %add3A, %mul3A_3 : i32
    %scan3A = arith.constant 0 : i32
    %scan3A_5 = arith.constant 7 : i32
    %scan3A_6 = arith.addi %scan3A, %scan3A_5 : i32
    %scan3A_7 = arith.constant 1 : i32
    scf.for %scan3A_39 = %scan3A to %scan3A_6 step %scan3A_7  : i32 {
      %mul3A_40 = arith.constant 1 : i32
      %mul3A_41 = arith.muli %scan3A_39, %mul3A_40 : i32
      %add3A_42 = arith.constant 0 : i32
      %add3A_43 = arith.addi %add3A_42, %mul3A_41 : i32
      %mul3A_44 = arith.constant 56 : i32
      %mul3A_45 = arith.muli %add3A_43, %mul3A_44 : i32
      %add3A_46 = arith.addi %mul3A_4, %mul3A_45 : i32
      "tpu.region"() ({
        %run_scoped3A = tpu.sem_alloc : memref<!tpu.dma_semaphore, #tpu.memory_space<semaphore_mem>>
        %dma_start3A_829 = arith.constant 0 : i32
        %dma_start3A_830 = tpu.memref_slice %arg2[%add3A_46, %dma_start3A_829] : memref<12544x128xi32, #tpu.memory_space<hbm>> -> memref<56x128xi32, #tpu.memory_space<hbm>>
        %dma_start3A_831 = arith.constant 0 : i32
        %dma_start3A_832 = tpu.memref_slice %arg2[%add3A_46, %dma_start3A_831] : memref<12544x128xi32, #tpu.memory_space<hbm>> -> memref<56x128xi32, #tpu.memory_space<hbm>>
        tpu.enqueue_dma source(%dma_start3A_832 : memref<56x128xi32, #tpu.memory_space<hbm>>) target(%arg8 : memref<56x128xi32, #tpu.memory_space<vmem>>) target_semaphore(%run_scoped3A : memref<!tpu.dma_semaphore, #tpu.memory_space<semaphore_mem>>)
        %dma_wait3A_833 = arith.constant 0 : i32
        %dma_wait3A_834 = tpu.memref_slice %arg2[%add3A_46, %dma_wait3A_833] : memref<12544x128xi32, #tpu.memory_space<hbm>> -> memref<56x128xi32, #tpu.memory_space<hbm>>
        %dma_wait3A_835 = arith.constant 0 : i32
        %dma_wait3A_836 = tpu.memref_slice %arg2[%add3A_46, %dma_wait3A_835] : memref<12544x128xi32, #tpu.memory_space<hbm>> -> memref<56x128xi32, #tpu.memory_space<hbm>>
        tpu.wait_dma2 semaphore(%run_scoped3A : memref<!tpu.dma_semaphore, #tpu.memory_space<semaphore_mem>>) src(%dma_wait3A_836 : memref<56x128xi32, #tpu.memory_space<hbm>>) dst(%arg8 : memref<56x128xi32, #tpu.memory_space<vmem>>)
        tpu.yield
      }) : () -> ()
      %dma_start3A = arith.constant 0 : i32
      %dma_start3A_47 = arith.constant 0 : i32
      %dma_start3A_48 = tpu.memref_slice %arg8[%dma_start3A, %dma_start3A_47] : memref<56x128xi32, #tpu.memory_space<vmem>> -> memref<1x128xi32, #tpu.memory_space<vmem>>
      %dma_start3A_49 = tpu.memref_squeeze %dma_start3A_48 : memref<1x128xi32, #tpu.memory_space<vmem>> -> memref<128xi32, #tpu.memory_space<vmem>>
      %dma_start3A_50 = arith.constant 0 : i32
      %dma_start3A_51 = arith.constant 0 : i32
      %dma_start3A_52 = tpu.memref_slice %arg7[%dma_start3A_50, %dma_start3A_51] : memref<100096x16xf32, #tpu.memory_space<vmem_shared>> -> memref<100096x16xf32, #tpu.memory_space<vmem_shared>>
      tpu.enqueue_indirect_dma source(%arg9 : memref<128x16xf32, #tpu.memory_space<vmem>>) target(%dma_start3A_52 : memref<100096x16xf32, #tpu.memory_space<vmem_shared>>) offsets(%dma_start3A_49 : memref<128xi32, #tpu.memory_space<vmem>>) semaphore(%arg10 : memref<!tpu.dma_semaphore, #tpu.memory_space<semaphore_mem>>) {add = true}
      %dma_start3A_53 = arith.constant 1 : i32
      %dma_start3A_54 = arith.constant 0 : i32
      %dma_start3A_55 = tpu.memref_slice %arg8[%dma_start3A_53, %dma_start3A_54] : memref<56x128xi32, #tpu.memory_space<vmem>> -> memref<1x128xi32, #tpu.memory_space<vmem>>
      %dma_start3A_56 = tpu.memref_squeeze %dma_start3A_55 : memref<1x128xi32, #tpu.memory_space<vmem>> -> memref<128xi32, #tpu.memory_space<vmem>>
      %dma_start3A_57 = arith.constant 0 : i32
      %dma_start3A_58 = arith.constant 0 : i32
      %dma_start3A_59 = tpu.memref_slice %arg7[%dma_start3A_57, %dma_start3A_58] : memref<100096x16xf32, #tpu.memory_space<vmem_shared>> -> memref<100096x16xf32, #tpu.memory_space<vmem_shared>>
      tpu.enqueue_indirect_dma source(%arg9 : memref<128x16xf32, #tpu.memory_space<vmem>>) target(%dma_start3A_59 : memref<100096x16xf32, #tpu.memory_space<vmem_shared>>) offsets(%dma_start3A_56 : memref<128xi32, #tpu.memory_space<vmem>>) semaphore(%arg11 : memref<!tpu.dma_semaphore, #tpu.memory_space<semaphore_mem>>) {add = true}
      %dma_start3A_60 = arith.constant 2 : i32
      %dma_start3A_61 = arith.constant 0 : i32
      %dma_start3A_62 = tpu.memref_slice %arg8[%dma_start3A_60, %dma_start3A_61] : memref<56x128xi32, #tpu.memory_space<vmem>> -> memref<1x128xi32, #tpu.memory_space<vmem>>
      %dma_start3A_63 = tpu.memref_squeeze %dma_start3A_62 : memref<1x128xi32, #tpu.memory_space<vmem>> -> memref<128xi32, #tpu.memory_space<vmem>>
      %dma_start3A_64 = arith.constant 0 : i32
      %dma_start3A_65 = arith.constant 0 : i32
      %dma_start3A_66 = tpu.memref_slice %arg7[%dma_start3A_64, %dma_start3A_65] : memref<100096x16xf32, #tpu.memory_space<vmem_shared>> -> memref<100096x16xf32, #tpu.memory_space<vmem_shared>>
      tpu.enqueue_indirect_dma source(%arg9 : memref<128x16xf32, #tpu.memory_space<vmem>>) target(%dma_start3A_66 : memref<100096x16xf32, #tpu.memory_space<vmem_shared>>) offsets(%dma_start3A_63 : memref<128xi32, #tpu.memory_space<vmem>>) semaphore(%arg12 : memref<!tpu.dma_semaphore, #tpu.memory_space<semaphore_mem>>) {add = true}
      %dma_start3A_67 = arith.constant 3 : i32
      %dma_start3A_68 = arith.constant 0 : i32
      %dma_start3A_69 = tpu.memref_slice %arg8[%dma_start3A_67, %dma_start3A_68] : memref<56x128xi32, #tpu.memory_space<vmem>> -> memref<1x128xi32, #tpu.memory_space<vmem>>
      %dma_start3A_70 = tpu.memref_squeeze %dma_start3A_69 : memref<1x128xi32, #tpu.memory_space<vmem>> -> memref<128xi32, #tpu.memory_space<vmem>>
      %dma_start3A_71 = arith.constant 0 : i32
      %dma_start3A_72 = arith.constant 0 : i32
      %dma_start3A_73 = tpu.memref_slice %arg7[%dma_start3A_71, %dma_start3A_72] : memref<100096x16xf32, #tpu.memory_space<vmem_shared>> -> memref<100096x16xf32, #tpu.memory_space<vmem_shared>>
      tpu.enqueue_indirect_dma source(%arg9 : memref<128x16xf32, #tpu.memory_space<vmem>>) target(%dma_start3A_73 : memref<100096x16xf32, #tpu.memory_space<vmem_shared>>) offsets(%dma_start3A_70 : memref<128xi32, #tpu.memory_space<vmem>>) semaphore(%arg13 : memref<!tpu.dma_semaphore, #tpu.memory_space<semaphore_mem>>) {add = true}
      %dma_wait3A = arith.constant 0 : i32
      %dma_wait3A_74 = arith.constant 0 : i32
      %dma_wait3A_75 = tpu.memref_slice %arg8[%dma_wait3A, %dma_wait3A_74] : memref<56x128xi32, #tpu.memory_space<vmem>> -> memref<1x128xi32, #tpu.memory_space<vmem>>
      %dma_wait3A_76 = tpu.memref_squeeze %dma_wait3A_75 : memref<1x128xi32, #tpu.memory_space<vmem>> -> memref<128xi32, #tpu.memory_space<vmem>>
      %dma_wait3A_77 = arith.constant 0 : i32
      %dma_wait3A_78 = arith.constant 0 : i32
      %dma_wait3A_79 = tpu.memref_slice %arg7[%dma_wait3A_77, %dma_wait3A_78] : memref<100096x16xf32, #tpu.memory_space<vmem_shared>> -> memref<100096x16xf32, #tpu.memory_space<vmem_shared>>
      tpu.wait_indirect_dma semaphore(%arg10 : memref<!tpu.dma_semaphore, #tpu.memory_space<semaphore_mem>>) src(%arg9 : memref<128x16xf32, #tpu.memory_space<vmem>>) dst(%dma_wait3A_79 : memref<100096x16xf32, #tpu.memory_space<vmem_shared>>)
      %dma_start3A_80 = arith.constant 4 : i32
      %dma_start3A_81 = arith.constant 0 : i32
      %dma_start3A_82 = tpu.memref_slice %arg8[%dma_start3A_80, %dma_start3A_81] : memref<56x128xi32, #tpu.memory_space<vmem>> -> memref<1x128xi32, #tpu.memory_space<vmem>>
      %dma_start3A_83 = tpu.memref_squeeze %dma_start3A_82 : memref<1x128xi32, #tpu.memory_space<vmem>> -> memref<128xi32, #tpu.memory_space<vmem>>
      %dma_start3A_84 = arith.constant 0 : i32
      %dma_start3A_85 = arith.constant 0 : i32
      %dma_start3A_86 = tpu.memref_slice %arg7[%dma_start3A_84, %dma_start3A_85] : memref<100096x16xf32, #tpu.memory_space<vmem_shared>> -> memref<100096x16xf32, #tpu.memory_space<vmem_shared>>
      tpu.enqueue_indirect_dma source(%arg9 : memref<128x16xf32, #tpu.memory_space<vmem>>) target(%dma_start3A_86 : memref<100096x16xf32, #tpu.memory_space<vmem_shared>>) offsets(%dma_start3A_83 : memref<128xi32, #tpu.memory_space<vmem>>) semaphore(%arg10 : memref<!tpu.dma_semaphore, #tpu.memory_space<semaphore_mem>>) {add = true}
      %dma_wait3A_87 = arith.constant 1 : i32
      %dma_wait3A_88 = arith.constant 0 : i32
      %dma_wait3A_89 = tpu.memref_slice %arg8[%dma_wait3A_87, %dma_wait3A_88] : memref<56x128xi32, #tpu.memory_space<vmem>> -> memref<1x128xi32, #tpu.memory_space<vmem>>
      %dma_wait3A_90 = tpu.memref_squeeze %dma_wait3A_89 : memref<1x128xi32, #tpu.memory_space<vmem>> -> memref<128xi32, #tpu.memory_space<vmem>>
      %dma_wait3A_91 = arith.constant 0 : i32
      %dma_wait3A_92 = arith.constant 0 : i32
      %dma_wait3A_93 = tpu.memref_slice %arg7[%dma_wait3A_91, %dma_wait3A_92] : memref<100096x16xf32, #tpu.memory_space<vmem_shared>> -> memref<100096x16xf32, #tpu.memory_space<vmem_shared>>
      tpu.wait_indirect_dma semaphore(%arg11 : memref<!tpu.dma_semaphore, #tpu.memory_space<semaphore_mem>>) src(%arg9 : memref<128x16xf32, #tpu.memory_space<vmem>>) dst(%dma_wait3A_93 : memref<100096x16xf32, #tpu.memory_space<vmem_shared>>)
      %dma_start3A_94 = arith.constant 5 : i32
      %dma_start3A_95 = arith.constant 0 : i32
      %dma_start3A_96 = tpu.memref_slice %arg8[%dma_start3A_94, %dma_start3A_95] : memref<56x128xi32, #tpu.memory_space<vmem>> -> memref<1x128xi32, #tpu.memory_space<vmem>>
      %dma_start3A_97 = tpu.memref_squeeze %dma_start3A_96 : memref<1x128xi32, #tpu.memory_space<vmem>> -> memref<128xi32, #tpu.memory_space<vmem>>
      %dma_start3A_98 = arith.constant 0 : i32
      %dma_start3A_99 = arith.constant 0 : i32
      %dma_start3A_100 = tpu.memref_slice %arg7[%dma_start3A_98, %dma_start3A_99] : memref<100096x16xf32, #tpu.memory_space<vmem_shared>> -> memref<100096x16xf32, #tpu.memory_space<vmem_shared>>
      tpu.enqueue_indirect_dma source(%arg9 : memref<128x16xf32, #tpu.memory_space<vmem>>) target(%dma_start3A_100 : memref<100096x16xf32, #tpu.memory_space<vmem_shared>>) offsets(%dma_start3A_97 : memref<128xi32, #tpu.memory_space<vmem>>) semaphore(%arg11 : memref<!tpu.dma_semaphore, #tpu.memory_space<semaphore_mem>>) {add = true}
      %dma_wait3A_101 = arith.constant 2 : i32
      %dma_wait3A_102 = arith.constant 0 : i32
      %dma_wait3A_103 = tpu.memref_slice %arg8[%dma_wait3A_101, %dma_wait3A_102] : memref<56x128xi32, #tpu.memory_space<vmem>> -> memref<1x128xi32, #tpu.memory_space<vmem>>
      %dma_wait3A_104 = tpu.memref_squeeze %dma_wait3A_103 : memref<1x128xi32, #tpu.memory_space<vmem>> -> memref<128xi32, #tpu.memory_space<vmem>>
      %dma_wait3A_105 = arith.constant 0 : i32
      %dma_wait3A_106 = arith.constant 0 : i32
      %dma_wait3A_107 = tpu.memref_slice %arg7[%dma_wait3A_105, %dma_wait3A_106] : memref<100096x16xf32, #tpu.memory_space<vmem_shared>> -> memref<100096x16xf32, #tpu.memory_space<vmem_shared>>
      tpu.wait_indirect_dma semaphore(%arg12 : memref<!tpu.dma_semaphore, #tpu.memory_space<semaphore_mem>>) src(%arg9 : memref<128x16xf32, #tpu.memory_space<vmem>>) dst(%dma_wait3A_107 : memref<100096x16xf32, #tpu.memory_space<vmem_shared>>)
      %dma_start3A_108 = arith.constant 6 : i32
      %dma_start3A_109 = arith.constant 0 : i32
      %dma_start3A_110 = tpu.memref_slice %arg8[%dma_start3A_108, %dma_start3A_109] : memref<56x128xi32, #tpu.memory_space<vmem>> -> memref<1x128xi32, #tpu.memory_space<vmem>>
      %dma_start3A_111 = tpu.memref_squeeze %dma_start3A_110 : memref<1x128xi32, #tpu.memory_space<vmem>> -> memref<128xi32, #tpu.memory_space<vmem>>
      %dma_start3A_112 = arith.constant 0 : i32
      %dma_start3A_113 = arith.constant 0 : i32
      %dma_start3A_114 = tpu.memref_slice %arg7[%dma_start3A_112, %dma_start3A_113] : memref<100096x16xf32, #tpu.memory_space<vmem_shared>> -> memref<100096x16xf32, #tpu.memory_space<vmem_shared>>
      tpu.enqueue_indirect_dma source(%arg9 : memref<128x16xf32, #tpu.memory_space<vmem>>) target(%dma_start3A_114 : memref<100096x16xf32, #tpu.memory_space<vmem_shared>>) offsets(%dma_start3A_111 : memref<128xi32, #tpu.memory_space<vmem>>) semaphore(%arg12 : memref<!tpu.dma_semaphore, #tpu.memory_space<semaphore_mem>>) {add = true}
      %dma_wait3A_115 = arith.constant 3 : i32
      %dma_wait3A_116 = arith.constant 0 : i32
      %dma_wait3A_117 = tpu.memref_slice %arg8[%dma_wait3A_115, %dma_wait3A_116] : memref<56x128xi32, #tpu.memory_space<vmem>> -> memref<1x128xi32, #tpu.memory_space<vmem>>
      %dma_wait3A_118 = tpu.memref_squeeze %dma_wait3A_117 : memref<1x128xi32, #tpu.memory_space<vmem>> -> memref<128xi32, #tpu.memory_space<vmem>>
      %dma_wait3A_119 = arith.constant 0 : i32
      %dma_wait3A_120 = arith.constant 0 : i32
      %dma_wait3A_121 = tpu.memref_slice %arg7[%dma_wait3A_119, %dma_wait3A_120] : memref<100096x16xf32, #tpu.memory_space<vmem_shared>> -> memref<100096x16xf32, #tpu.memory_space<vmem_shared>>
      tpu.wait_indirect_dma semaphore(%arg13 : memref<!tpu.dma_semaphore, #tpu.memory_space<semaphore_mem>>) src(%arg9 : memref<128x16xf32, #tpu.memory_space<vmem>>) dst(%dma_wait3A_121 : memref<100096x16xf32, #tpu.memory_space<vmem_shared>>)
      %dma_start3A_122 = arith.constant 7 : i32
      %dma_start3A_123 = arith.constant 0 : i32
      %dma_start3A_124 = tpu.memref_slice %arg8[%dma_start3A_122, %dma_start3A_123] : memref<56x128xi32, #tpu.memory_space<vmem>> -> memref<1x128xi32, #tpu.memory_space<vmem>>
      %dma_start3A_125 = tpu.memref_squeeze %dma_start3A_124 : memref<1x128xi32, #tpu.memory_space<vmem>> -> memref<128xi32, #tpu.memory_space<vmem>>
      %dma_start3A_126 = arith.constant 0 : i32
      %dma_start3A_127 = arith.constant 0 : i32
      %dma_start3A_128 = tpu.memref_slice %arg7[%dma_start3A_126, %dma_start3A_127] : memref<100096x16xf32, #tpu.memory_space<vmem_shared>> -> memref<100096x16xf32, #tpu.memory_space<vmem_shared>>
      tpu.enqueue_indirect_dma source(%arg9 : memref<128x16xf32, #tpu.memory_space<vmem>>) target(%dma_start3A_128 : memref<100096x16xf32, #tpu.memory_space<vmem_shared>>) offsets(%dma_start3A_125 : memref<128xi32, #tpu.memory_space<vmem>>) semaphore(%arg13 : memref<!tpu.dma_semaphore, #tpu.memory_space<semaphore_mem>>) {add = true}
      %dma_wait3A_129 = arith.constant 4 : i32
      %dma_wait3A_130 = arith.constant 0 : i32
      %dma_wait3A_131 = tpu.memref_slice %arg8[%dma_wait3A_129, %dma_wait3A_130] : memref<56x128xi32, #tpu.memory_space<vmem>> -> memref<1x128xi32, #tpu.memory_space<vmem>>
      %dma_wait3A_132 = tpu.memref_squeeze %dma_wait3A_131 : memref<1x128xi32, #tpu.memory_space<vmem>> -> memref<128xi32, #tpu.memory_space<vmem>>
      %dma_wait3A_133 = arith.constant 0 : i32
      %dma_wait3A_134 = arith.constant 0 : i32
      %dma_wait3A_135 = tpu.memref_slice %arg7[%dma_wait3A_133, %dma_wait3A_134] : memref<100096x16xf32, #tpu.memory_space<vmem_shared>> -> memref<100096x16xf32, #tpu.memory_space<vmem_shared>>
      tpu.wait_indirect_dma semaphore(%arg10 : memref<!tpu.dma_semaphore, #tpu.memory_space<semaphore_mem>>) src(%arg9 : memref<128x16xf32, #tpu.memory_space<vmem>>) dst(%dma_wait3A_135 : memref<100096x16xf32, #tpu.memory_space<vmem_shared>>)
      %dma_start3A_136 = arith.constant 8 : i32
      %dma_start3A_137 = arith.constant 0 : i32
      %dma_start3A_138 = tpu.memref_slice %arg8[%dma_start3A_136, %dma_start3A_137] : memref<56x128xi32, #tpu.memory_space<vmem>> -> memref<1x128xi32, #tpu.memory_space<vmem>>
      %dma_start3A_139 = tpu.memref_squeeze %dma_start3A_138 : memref<1x128xi32, #tpu.memory_space<vmem>> -> memref<128xi32, #tpu.memory_space<vmem>>
      %dma_start3A_140 = arith.constant 0 : i32
      %dma_start3A_141 = arith.constant 0 : i32
      %dma_start3A_142 = tpu.memref_slice %arg7[%dma_start3A_140, %dma_start3A_141] : memref<100096x16xf32, #tpu.memory_space<vmem_shared>> -> memref<100096x16xf32, #tpu.memory_space<vmem_shared>>
      tpu.enqueue_indirect_dma source(%arg9 : memref<128x16xf32, #tpu.memory_space<vmem>>) target(%dma_start3A_142 : memref<100096x16xf32, #tpu.memory_space<vmem_shared>>) offsets(%dma_start3A_139 : memref<128xi32, #tpu.memory_space<vmem>>) semaphore(%arg10 : memref<!tpu.dma_semaphore, #tpu.memory_space<semaphore_mem>>) {add = true}
      %dma_wait3A_143 = arith.constant 5 : i32
      %dma_wait3A_144 = arith.constant 0 : i32
      %dma_wait3A_145 = tpu.memref_slice %arg8[%dma_wait3A_143, %dma_wait3A_144] : memref<56x128xi32, #tpu.memory_space<vmem>> -> memref<1x128xi32, #tpu.memory_space<vmem>>
      %dma_wait3A_146 = tpu.memref_squeeze %dma_wait3A_145 : memref<1x128xi32, #tpu.memory_space<vmem>> -> memref<128xi32, #tpu.memory_space<vmem>>
      %dma_wait3A_147 = arith.constant 0 : i32
      %dma_wait3A_148 = arith.constant 0 : i32
      %dma_wait3A_149 = tpu.memref_slice %arg7[%dma_wait3A_147, %dma_wait3A_148] : memref<100096x16xf32, #tpu.memory_space<vmem_shared>> -> memref<100096x16xf32, #tpu.memory_space<vmem_shared>>
      tpu.wait_indirect_dma semaphore(%arg11 : memref<!tpu.dma_semaphore, #tpu.memory_space<semaphore_mem>>) src(%arg9 : memref<128x16xf32, #tpu.memory_space<vmem>>) dst(%dma_wait3A_149 : memref<100096x16xf32, #tpu.memory_space<vmem_shared>>)
      %dma_start3A_150 = arith.constant 9 : i32
      %dma_start3A_151 = arith.constant 0 : i32
      %dma_start3A_152 = tpu.memref_slice %arg8[%dma_start3A_150, %dma_start3A_151] : memref<56x128xi32, #tpu.memory_space<vmem>> -> memref<1x128xi32, #tpu.memory_space<vmem>>
      %dma_start3A_153 = tpu.memref_squeeze %dma_start3A_152 : memref<1x128xi32, #tpu.memory_space<vmem>> -> memref<128xi32, #tpu.memory_space<vmem>>
      %dma_start3A_154 = arith.constant 0 : i32
      %dma_start3A_155 = arith.constant 0 : i32
      %dma_start3A_156 = tpu.memref_slice %arg7[%dma_start3A_154, %dma_start3A_155] : memref<100096x16xf32, #tpu.memory_space<vmem_shared>> -> memref<100096x16xf32, #tpu.memory_space<vmem_shared>>
      tpu.enqueue_indirect_dma source(%arg9 : memref<128x16xf32, #tpu.memory_space<vmem>>) target(%dma_start3A_156 : memref<100096x16xf32, #tpu.memory_space<vmem_shared>>) offsets(%dma_start3A_153 : memref<128xi32, #tpu.memory_space<vmem>>) semaphore(%arg11 : memref<!tpu.dma_semaphore, #tpu.memory_space<semaphore_mem>>) {add = true}
      %dma_wait3A_157 = arith.constant 6 : i32
      %dma_wait3A_158 = arith.constant 0 : i32
      %dma_wait3A_159 = tpu.memref_slice %arg8[%dma_wait3A_157, %dma_wait3A_158] : memref<56x128xi32, #tpu.memory_space<vmem>> -> memref<1x128xi32, #tpu.memory_space<vmem>>
      %dma_wait3A_160 = tpu.memref_squeeze %dma_wait3A_159 : memref<1x128xi32, #tpu.memory_space<vmem>> -> memref<128xi32, #tpu.memory_space<vmem>>
      %dma_wait3A_161 = arith.constant 0 : i32
      %dma_wait3A_162 = arith.constant 0 : i32
      %dma_wait3A_163 = tpu.memref_slice %arg7[%dma_wait3A_161, %dma_wait3A_162] : memref<100096x16xf32, #tpu.memory_space<vmem_shared>> -> memref<100096x16xf32, #tpu.memory_space<vmem_shared>>
      tpu.wait_indirect_dma semaphore(%arg12 : memref<!tpu.dma_semaphore, #tpu.memory_space<semaphore_mem>>) src(%arg9 : memref<128x16xf32, #tpu.memory_space<vmem>>) dst(%dma_wait3A_163 : memref<100096x16xf32, #tpu.memory_space<vmem_shared>>)
      %dma_start3A_164 = arith.constant 10 : i32
      %dma_start3A_165 = arith.constant 0 : i32
      %dma_start3A_166 = tpu.memref_slice %arg8[%dma_start3A_164, %dma_start3A_165] : memref<56x128xi32, #tpu.memory_space<vmem>> -> memref<1x128xi32, #tpu.memory_space<vmem>>
      %dma_start3A_167 = tpu.memref_squeeze %dma_start3A_166 : memref<1x128xi32, #tpu.memory_space<vmem>> -> memref<128xi32, #tpu.memory_space<vmem>>
      %dma_start3A_168 = arith.constant 0 : i32
      %dma_start3A_169 = arith.constant 0 : i32
      %dma_start3A_170 = tpu.memref_slice %arg7[%dma_start3A_168, %dma_start3A_169] : memref<100096x16xf32, #tpu.memory_space<vmem_shared>> -> memref<100096x16xf32, #tpu.memory_space<vmem_shared>>
      tpu.enqueue_indirect_dma source(%arg9 : memref<128x16xf32, #tpu.memory_space<vmem>>) target(%dma_start3A_170 : memref<100096x16xf32, #tpu.memory_space<vmem_shared>>) offsets(%dma_start3A_167 : memref<128xi32, #tpu.memory_space<vmem>>) semaphore(%arg12 : memref<!tpu.dma_semaphore, #tpu.memory_space<semaphore_mem>>) {add = true}
      %dma_wait3A_171 = arith.constant 7 : i32
      %dma_wait3A_172 = arith.constant 0 : i32
      %dma_wait3A_173 = tpu.memref_slice %arg8[%dma_wait3A_171, %dma_wait3A_172] : memref<56x128xi32, #tpu.memory_space<vmem>> -> memref<1x128xi32, #tpu.memory_space<vmem>>
      %dma_wait3A_174 = tpu.memref_squeeze %dma_wait3A_173 : memref<1x128xi32, #tpu.memory_space<vmem>> -> memref<128xi32, #tpu.memory_space<vmem>>
      %dma_wait3A_175 = arith.constant 0 : i32
      %dma_wait3A_176 = arith.constant 0 : i32
      %dma_wait3A_177 = tpu.memref_slice %arg7[%dma_wait3A_175, %dma_wait3A_176] : memref<100096x16xf32, #tpu.memory_space<vmem_shared>> -> memref<100096x16xf32, #tpu.memory_space<vmem_shared>>
      tpu.wait_indirect_dma semaphore(%arg13 : memref<!tpu.dma_semaphore, #tpu.memory_space<semaphore_mem>>) src(%arg9 : memref<128x16xf32, #tpu.memory_space<vmem>>) dst(%dma_wait3A_177 : memref<100096x16xf32, #tpu.memory_space<vmem_shared>>)
      %dma_start3A_178 = arith.constant 11 : i32
      %dma_start3A_179 = arith.constant 0 : i32
      %dma_start3A_180 = tpu.memref_slice %arg8[%dma_start3A_178, %dma_start3A_179] : memref<56x128xi32, #tpu.memory_space<vmem>> -> memref<1x128xi32, #tpu.memory_space<vmem>>
      %dma_start3A_181 = tpu.memref_squeeze %dma_start3A_180 : memref<1x128xi32, #tpu.memory_space<vmem>> -> memref<128xi32, #tpu.memory_space<vmem>>
      %dma_start3A_182 = arith.constant 0 : i32
      %dma_start3A_183 = arith.constant 0 : i32
      %dma_start3A_184 = tpu.memref_slice %arg7[%dma_start3A_182, %dma_start3A_183] : memref<100096x16xf32, #tpu.memory_space<vmem_shared>> -> memref<100096x16xf32, #tpu.memory_space<vmem_shared>>
      tpu.enqueue_indirect_dma source(%arg9 : memref<128x16xf32, #tpu.memory_space<vmem>>) target(%dma_start3A_184 : memref<100096x16xf32, #tpu.memory_space<vmem_shared>>) offsets(%dma_start3A_181 : memref<128xi32, #tpu.memory_space<vmem>>) semaphore(%arg13 : memref<!tpu.dma_semaphore, #tpu.memory_space<semaphore_mem>>) {add = true}
      %dma_wait3A_185 = arith.constant 8 : i32
      %dma_wait3A_186 = arith.constant 0 : i32
      %dma_wait3A_187 = tpu.memref_slice %arg8[%dma_wait3A_185, %dma_wait3A_186] : memref<56x128xi32, #tpu.memory_space<vmem>> -> memref<1x128xi32, #tpu.memory_space<vmem>>
      %dma_wait3A_188 = tpu.memref_squeeze %dma_wait3A_187 : memref<1x128xi32, #tpu.memory_space<vmem>> -> memref<128xi32, #tpu.memory_space<vmem>>
      %dma_wait3A_189 = arith.constant 0 : i32
      %dma_wait3A_190 = arith.constant 0 : i32
      %dma_wait3A_191 = tpu.memref_slice %arg7[%dma_wait3A_189, %dma_wait3A_190] : memref<100096x16xf32, #tpu.memory_space<vmem_shared>> -> memref<100096x16xf32, #tpu.memory_space<vmem_shared>>
      tpu.wait_indirect_dma semaphore(%arg10 : memref<!tpu.dma_semaphore, #tpu.memory_space<semaphore_mem>>) src(%arg9 : memref<128x16xf32, #tpu.memory_space<vmem>>) dst(%dma_wait3A_191 : memref<100096x16xf32, #tpu.memory_space<vmem_shared>>)
      %dma_start3A_192 = arith.constant 12 : i32
      %dma_start3A_193 = arith.constant 0 : i32
      %dma_start3A_194 = tpu.memref_slice %arg8[%dma_start3A_192, %dma_start3A_193] : memref<56x128xi32, #tpu.memory_space<vmem>> -> memref<1x128xi32, #tpu.memory_space<vmem>>
      %dma_start3A_195 = tpu.memref_squeeze %dma_start3A_194 : memref<1x128xi32, #tpu.memory_space<vmem>> -> memref<128xi32, #tpu.memory_space<vmem>>
      %dma_start3A_196 = arith.constant 0 : i32
      %dma_start3A_197 = arith.constant 0 : i32
      %dma_start3A_198 = tpu.memref_slice %arg7[%dma_start3A_196, %dma_start3A_197] : memref<100096x16xf32, #tpu.memory_space<vmem_shared>> -> memref<100096x16xf32, #tpu.memory_space<vmem_shared>>
      tpu.enqueue_indirect_dma source(%arg9 : memref<128x16xf32, #tpu.memory_space<vmem>>) target(%dma_start3A_198 : memref<100096x16xf32, #tpu.memory_space<vmem_shared>>) offsets(%dma_start3A_195 : memref<128xi32, #tpu.memory_space<vmem>>) semaphore(%arg10 : memref<!tpu.dma_semaphore, #tpu.memory_space<semaphore_mem>>) {add = true}
      %dma_wait3A_199 = arith.constant 9 : i32
      %dma_wait3A_200 = arith.constant 0 : i32
      %dma_wait3A_201 = tpu.memref_slice %arg8[%dma_wait3A_199, %dma_wait3A_200] : memref<56x128xi32, #tpu.memory_space<vmem>> -> memref<1x128xi32, #tpu.memory_space<vmem>>
      %dma_wait3A_202 = tpu.memref_squeeze %dma_wait3A_201 : memref<1x128xi32, #tpu.memory_space<vmem>> -> memref<128xi32, #tpu.memory_space<vmem>>
      %dma_wait3A_203 = arith.constant 0 : i32
      %dma_wait3A_204 = arith.constant 0 : i32
      %dma_wait3A_205 = tpu.memref_slice %arg7[%dma_wait3A_203, %dma_wait3A_204] : memref<100096x16xf32, #tpu.memory_space<vmem_shared>> -> memref<100096x16xf32, #tpu.memory_space<vmem_shared>>
      tpu.wait_indirect_dma semaphore(%arg11 : memref<!tpu.dma_semaphore, #tpu.memory_space<semaphore_mem>>) src(%arg9 : memref<128x16xf32, #tpu.memory_space<vmem>>) dst(%dma_wait3A_205 : memref<100096x16xf32, #tpu.memory_space<vmem_shared>>)
      %dma_start3A_206 = arith.constant 13 : i32
      %dma_start3A_207 = arith.constant 0 : i32
      %dma_start3A_208 = tpu.memref_slice %arg8[%dma_start3A_206, %dma_start3A_207] : memref<56x128xi32, #tpu.memory_space<vmem>> -> memref<1x128xi32, #tpu.memory_space<vmem>>
      %dma_start3A_209 = tpu.memref_squeeze %dma_start3A_208 : memref<1x128xi32, #tpu.memory_space<vmem>> -> memref<128xi32, #tpu.memory_space<vmem>>
      %dma_start3A_210 = arith.constant 0 : i32
      %dma_start3A_211 = arith.constant 0 : i32
      %dma_start3A_212 = tpu.memref_slice %arg7[%dma_start3A_210, %dma_start3A_211] : memref<100096x16xf32, #tpu.memory_space<vmem_shared>> -> memref<100096x16xf32, #tpu.memory_space<vmem_shared>>
      tpu.enqueue_indirect_dma source(%arg9 : memref<128x16xf32, #tpu.memory_space<vmem>>) target(%dma_start3A_212 : memref<100096x16xf32, #tpu.memory_space<vmem_shared>>) offsets(%dma_start3A_209 : memref<128xi32, #tpu.memory_space<vmem>>) semaphore(%arg11 : memref<!tpu.dma_semaphore, #tpu.memory_space<semaphore_mem>>) {add = true}
      %dma_wait3A_213 = arith.constant 10 : i32
      %dma_wait3A_214 = arith.constant 0 : i32
      %dma_wait3A_215 = tpu.memref_slice %arg8[%dma_wait3A_213, %dma_wait3A_214] : memref<56x128xi32, #tpu.memory_space<vmem>> -> memref<1x128xi32, #tpu.memory_space<vmem>>
      %dma_wait3A_216 = tpu.memref_squeeze %dma_wait3A_215 : memref<1x128xi32, #tpu.memory_space<vmem>> -> memref<128xi32, #tpu.memory_space<vmem>>
      %dma_wait3A_217 = arith.constant 0 : i32
      %dma_wait3A_218 = arith.constant 0 : i32
      %dma_wait3A_219 = tpu.memref_slice %arg7[%dma_wait3A_217, %dma_wait3A_218] : memref<100096x16xf32, #tpu.memory_space<vmem_shared>> -> memref<100096x16xf32, #tpu.memory_space<vmem_shared>>
      tpu.wait_indirect_dma semaphore(%arg12 : memref<!tpu.dma_semaphore, #tpu.memory_space<semaphore_mem>>) src(%arg9 : memref<128x16xf32, #tpu.memory_space<vmem>>) dst(%dma_wait3A_219 : memref<100096x16xf32, #tpu.memory_space<vmem_shared>>)
      %dma_start3A_220 = arith.constant 14 : i32
      %dma_start3A_221 = arith.constant 0 : i32
      %dma_start3A_222 = tpu.memref_slice %arg8[%dma_start3A_220, %dma_start3A_221] : memref<56x128xi32, #tpu.memory_space<vmem>> -> memref<1x128xi32, #tpu.memory_space<vmem>>
      %dma_start3A_223 = tpu.memref_squeeze %dma_start3A_222 : memref<1x128xi32, #tpu.memory_space<vmem>> -> memref<128xi32, #tpu.memory_space<vmem>>
      %dma_start3A_224 = arith.constant 0 : i32
      %dma_start3A_225 = arith.constant 0 : i32
      %dma_start3A_226 = tpu.memref_slice %arg7[%dma_start3A_224, %dma_start3A_225] : memref<100096x16xf32, #tpu.memory_space<vmem_shared>> -> memref<100096x16xf32, #tpu.memory_space<vmem_shared>>
      tpu.enqueue_indirect_dma source(%arg9 : memref<128x16xf32, #tpu.memory_space<vmem>>) target(%dma_start3A_226 : memref<100096x16xf32, #tpu.memory_space<vmem_shared>>) offsets(%dma_start3A_223 : memref<128xi32, #tpu.memory_space<vmem>>) semaphore(%arg12 : memref<!tpu.dma_semaphore, #tpu.memory_space<semaphore_mem>>) {add = true}
      %dma_wait3A_227 = arith.constant 11 : i32
      %dma_wait3A_228 = arith.constant 0 : i32
      %dma_wait3A_229 = tpu.memref_slice %arg8[%dma_wait3A_227, %dma_wait3A_228] : memref<56x128xi32, #tpu.memory_space<vmem>> -> memref<1x128xi32, #tpu.memory_space<vmem>>
      %dma_wait3A_230 = tpu.memref_squeeze %dma_wait3A_229 : memref<1x128xi32, #tpu.memory_space<vmem>> -> memref<128xi32, #tpu.memory_space<vmem>>
      %dma_wait3A_231 = arith.constant 0 : i32
      %dma_wait3A_232 = arith.constant 0 : i32
      %dma_wait3A_233 = tpu.memref_slice %arg7[%dma_wait3A_231, %dma_wait3A_232] : memref<100096x16xf32, #tpu.memory_space<vmem_shared>> -> memref<100096x16xf32, #tpu.memory_space<vmem_shared>>
      tpu.wait_indirect_dma semaphore(%arg13 : memref<!tpu.dma_semaphore, #tpu.memory_space<semaphore_mem>>) src(%arg9 : memref<128x16xf32, #tpu.memory_space<vmem>>) dst(%dma_wait3A_233 : memref<100096x16xf32, #tpu.memory_space<vmem_shared>>)
      %dma_start3A_234 = arith.constant 15 : i32
      %dma_start3A_235 = arith.constant 0 : i32
      %dma_start3A_236 = tpu.memref_slice %arg8[%dma_start3A_234, %dma_start3A_235] : memref<56x128xi32, #tpu.memory_space<vmem>> -> memref<1x128xi32, #tpu.memory_space<vmem>>
      %dma_start3A_237 = tpu.memref_squeeze %dma_start3A_236 : memref<1x128xi32, #tpu.memory_space<vmem>> -> memref<128xi32, #tpu.memory_space<vmem>>
      %dma_start3A_238 = arith.constant 0 : i32
      %dma_start3A_239 = arith.constant 0 : i32
      %dma_start3A_240 = tpu.memref_slice %arg7[%dma_start3A_238, %dma_start3A_239] : memref<100096x16xf32, #tpu.memory_space<vmem_shared>> -> memref<100096x16xf32, #tpu.memory_space<vmem_shared>>
      tpu.enqueue_indirect_dma source(%arg9 : memref<128x16xf32, #tpu.memory_space<vmem>>) target(%dma_start3A_240 : memref<100096x16xf32, #tpu.memory_space<vmem_shared>>) offsets(%dma_start3A_237 : memref<128xi32, #tpu.memory_space<vmem>>) semaphore(%arg13 : memref<!tpu.dma_semaphore, #tpu.memory_space<semaphore_mem>>) {add = true}
      %dma_wait3A_241 = arith.constant 12 : i32
      %dma_wait3A_242 = arith.constant 0 : i32
      %dma_wait3A_243 = tpu.memref_slice %arg8[%dma_wait3A_241, %dma_wait3A_242] : memref<56x128xi32, #tpu.memory_space<vmem>> -> memref<1x128xi32, #tpu.memory_space<vmem>>
      %dma_wait3A_244 = tpu.memref_squeeze %dma_wait3A_243 : memref<1x128xi32, #tpu.memory_space<vmem>> -> memref<128xi32, #tpu.memory_space<vmem>>
      %dma_wait3A_245 = arith.constant 0 : i32
      %dma_wait3A_246 = arith.constant 0 : i32
      %dma_wait3A_247 = tpu.memref_slice %arg7[%dma_wait3A_245, %dma_wait3A_246] : memref<100096x16xf32, #tpu.memory_space<vmem_shared>> -> memref<100096x16xf32, #tpu.memory_space<vmem_shared>>
      tpu.wait_indirect_dma semaphore(%arg10 : memref<!tpu.dma_semaphore, #tpu.memory_space<semaphore_mem>>) src(%arg9 : memref<128x16xf32, #tpu.memory_space<vmem>>) dst(%dma_wait3A_247 : memref<100096x16xf32, #tpu.memory_space<vmem_shared>>)
      %dma_start3A_248 = arith.constant 16 : i32
      %dma_start3A_249 = arith.constant 0 : i32
      %dma_start3A_250 = tpu.memref_slice %arg8[%dma_start3A_248, %dma_start3A_249] : memref<56x128xi32, #tpu.memory_space<vmem>> -> memref<1x128xi32, #tpu.memory_space<vmem>>
      %dma_start3A_251 = tpu.memref_squeeze %dma_start3A_250 : memref<1x128xi32, #tpu.memory_space<vmem>> -> memref<128xi32, #tpu.memory_space<vmem>>
      %dma_start3A_252 = arith.constant 0 : i32
      %dma_start3A_253 = arith.constant 0 : i32
      %dma_start3A_254 = tpu.memref_slice %arg7[%dma_start3A_252, %dma_start3A_253] : memref<100096x16xf32, #tpu.memory_space<vmem_shared>> -> memref<100096x16xf32, #tpu.memory_space<vmem_shared>>
      tpu.enqueue_indirect_dma source(%arg9 : memref<128x16xf32, #tpu.memory_space<vmem>>) target(%dma_start3A_254 : memref<100096x16xf32, #tpu.memory_space<vmem_shared>>) offsets(%dma_start3A_251 : memref<128xi32, #tpu.memory_space<vmem>>) semaphore(%arg10 : memref<!tpu.dma_semaphore, #tpu.memory_space<semaphore_mem>>) {add = true}
      %dma_wait3A_255 = arith.constant 13 : i32
      %dma_wait3A_256 = arith.constant 0 : i32
      %dma_wait3A_257 = tpu.memref_slice %arg8[%dma_wait3A_255, %dma_wait3A_256] : memref<56x128xi32, #tpu.memory_space<vmem>> -> memref<1x128xi32, #tpu.memory_space<vmem>>
      %dma_wait3A_258 = tpu.memref_squeeze %dma_wait3A_257 : memref<1x128xi32, #tpu.memory_space<vmem>> -> memref<128xi32, #tpu.memory_space<vmem>>
      %dma_wait3A_259 = arith.constant 0 : i32
      %dma_wait3A_260 = arith.constant 0 : i32
      %dma_wait3A_261 = tpu.memref_slice %arg7[%dma_wait3A_259, %dma_wait3A_260] : memref<100096x16xf32, #tpu.memory_space<vmem_shared>> -> memref<100096x16xf32, #tpu.memory_space<vmem_shared>>
      tpu.wait_indirect_dma semaphore(%arg11 : memref<!tpu.dma_semaphore, #tpu.memory_space<semaphore_mem>>) src(%arg9 : memref<128x16xf32, #tpu.memory_space<vmem>>) dst(%dma_wait3A_261 : memref<100096x16xf32, #tpu.memory_space<vmem_shared>>)
      %dma_start3A_262 = arith.constant 17 : i32
      %dma_start3A_263 = arith.constant 0 : i32
      %dma_start3A_264 = tpu.memref_slice %arg8[%dma_start3A_262, %dma_start3A_263] : memref<56x128xi32, #tpu.memory_space<vmem>> -> memref<1x128xi32, #tpu.memory_space<vmem>>
      %dma_start3A_265 = tpu.memref_squeeze %dma_start3A_264 : memref<1x128xi32, #tpu.memory_space<vmem>> -> memref<128xi32, #tpu.memory_space<vmem>>
      %dma_start3A_266 = arith.constant 0 : i32
      %dma_start3A_267 = arith.constant 0 : i32
      %dma_start3A_268 = tpu.memref_slice %arg7[%dma_start3A_266, %dma_start3A_267] : memref<100096x16xf32, #tpu.memory_space<vmem_shared>> -> memref<100096x16xf32, #tpu.memory_space<vmem_shared>>
      tpu.enqueue_indirect_dma source(%arg9 : memref<128x16xf32, #tpu.memory_space<vmem>>) target(%dma_start3A_268 : memref<100096x16xf32, #tpu.memory_space<vmem_shared>>) offsets(%dma_start3A_265 : memref<128xi32, #tpu.memory_space<vmem>>) semaphore(%arg11 : memref<!tpu.dma_semaphore, #tpu.memory_space<semaphore_mem>>) {add = true}
      %dma_wait3A_269 = arith.constant 14 : i32
      %dma_wait3A_270 = arith.constant 0 : i32
      %dma_wait3A_271 = tpu.memref_slice %arg8[%dma_wait3A_269, %dma_wait3A_270] : memref<56x128xi32, #tpu.memory_space<vmem>> -> memref<1x128xi32, #tpu.memory_space<vmem>>
      %dma_wait3A_272 = tpu.memref_squeeze %dma_wait3A_271 : memref<1x128xi32, #tpu.memory_space<vmem>> -> memref<128xi32, #tpu.memory_space<vmem>>
      %dma_wait3A_273 = arith.constant 0 : i32
      %dma_wait3A_274 = arith.constant 0 : i32
      %dma_wait3A_275 = tpu.memref_slice %arg7[%dma_wait3A_273, %dma_wait3A_274] : memref<100096x16xf32, #tpu.memory_space<vmem_shared>> -> memref<100096x16xf32, #tpu.memory_space<vmem_shared>>
      tpu.wait_indirect_dma semaphore(%arg12 : memref<!tpu.dma_semaphore, #tpu.memory_space<semaphore_mem>>) src(%arg9 : memref<128x16xf32, #tpu.memory_space<vmem>>) dst(%dma_wait3A_275 : memref<100096x16xf32, #tpu.memory_space<vmem_shared>>)
      %dma_start3A_276 = arith.constant 18 : i32
      %dma_start3A_277 = arith.constant 0 : i32
      %dma_start3A_278 = tpu.memref_slice %arg8[%dma_start3A_276, %dma_start3A_277] : memref<56x128xi32, #tpu.memory_space<vmem>> -> memref<1x128xi32, #tpu.memory_space<vmem>>
      %dma_start3A_279 = tpu.memref_squeeze %dma_start3A_278 : memref<1x128xi32, #tpu.memory_space<vmem>> -> memref<128xi32, #tpu.memory_space<vmem>>
      %dma_start3A_280 = arith.constant 0 : i32
      %dma_start3A_281 = arith.constant 0 : i32
      %dma_start3A_282 = tpu.memref_slice %arg7[%dma_start3A_280, %dma_start3A_281] : memref<100096x16xf32, #tpu.memory_space<vmem_shared>> -> memref<100096x16xf32, #tpu.memory_space<vmem_shared>>
      tpu.enqueue_indirect_dma source(%arg9 : memref<128x16xf32, #tpu.memory_space<vmem>>) target(%dma_start3A_282 : memref<100096x16xf32, #tpu.memory_space<vmem_shared>>) offsets(%dma_start3A_279 : memref<128xi32, #tpu.memory_space<vmem>>) semaphore(%arg12 : memref<!tpu.dma_semaphore, #tpu.memory_space<semaphore_mem>>) {add = true}
      %dma_wait3A_283 = arith.constant 15 : i32
      %dma_wait3A_284 = arith.constant 0 : i32
      %dma_wait3A_285 = tpu.memref_slice %arg8[%dma_wait3A_283, %dma_wait3A_284] : memref<56x128xi32, #tpu.memory_space<vmem>> -> memref<1x128xi32, #tpu.memory_space<vmem>>
      %dma_wait3A_286 = tpu.memref_squeeze %dma_wait3A_285 : memref<1x128xi32, #tpu.memory_space<vmem>> -> memref<128xi32, #tpu.memory_space<vmem>>
      %dma_wait3A_287 = arith.constant 0 : i32
      %dma_wait3A_288 = arith.constant 0 : i32
      %dma_wait3A_289 = tpu.memref_slice %arg7[%dma_wait3A_287, %dma_wait3A_288] : memref<100096x16xf32, #tpu.memory_space<vmem_shared>> -> memref<100096x16xf32, #tpu.memory_space<vmem_shared>>
      tpu.wait_indirect_dma semaphore(%arg13 : memref<!tpu.dma_semaphore, #tpu.memory_space<semaphore_mem>>) src(%arg9 : memref<128x16xf32, #tpu.memory_space<vmem>>) dst(%dma_wait3A_289 : memref<100096x16xf32, #tpu.memory_space<vmem_shared>>)
      %dma_start3A_290 = arith.constant 19 : i32
      %dma_start3A_291 = arith.constant 0 : i32
      %dma_start3A_292 = tpu.memref_slice %arg8[%dma_start3A_290, %dma_start3A_291] : memref<56x128xi32, #tpu.memory_space<vmem>> -> memref<1x128xi32, #tpu.memory_space<vmem>>
      %dma_start3A_293 = tpu.memref_squeeze %dma_start3A_292 : memref<1x128xi32, #tpu.memory_space<vmem>> -> memref<128xi32, #tpu.memory_space<vmem>>
      %dma_start3A_294 = arith.constant 0 : i32
      %dma_start3A_295 = arith.constant 0 : i32
      %dma_start3A_296 = tpu.memref_slice %arg7[%dma_start3A_294, %dma_start3A_295] : memref<100096x16xf32, #tpu.memory_space<vmem_shared>> -> memref<100096x16xf32, #tpu.memory_space<vmem_shared>>
      tpu.enqueue_indirect_dma source(%arg9 : memref<128x16xf32, #tpu.memory_space<vmem>>) target(%dma_start3A_296 : memref<100096x16xf32, #tpu.memory_space<vmem_shared>>) offsets(%dma_start3A_293 : memref<128xi32, #tpu.memory_space<vmem>>) semaphore(%arg13 : memref<!tpu.dma_semaphore, #tpu.memory_space<semaphore_mem>>) {add = true}
      %dma_wait3A_297 = arith.constant 16 : i32
      %dma_wait3A_298 = arith.constant 0 : i32
      %dma_wait3A_299 = tpu.memref_slice %arg8[%dma_wait3A_297, %dma_wait3A_298] : memref<56x128xi32, #tpu.memory_space<vmem>> -> memref<1x128xi32, #tpu.memory_space<vmem>>
      %dma_wait3A_300 = tpu.memref_squeeze %dma_wait3A_299 : memref<1x128xi32, #tpu.memory_space<vmem>> -> memref<128xi32, #tpu.memory_space<vmem>>
      %dma_wait3A_301 = arith.constant 0 : i32
      %dma_wait3A_302 = arith.constant 0 : i32
      %dma_wait3A_303 = tpu.memref_slice %arg7[%dma_wait3A_301, %dma_wait3A_302] : memref<100096x16xf32, #tpu.memory_space<vmem_shared>> -> memref<100096x16xf32, #tpu.memory_space<vmem_shared>>
      tpu.wait_indirect_dma semaphore(%arg10 : memref<!tpu.dma_semaphore, #tpu.memory_space<semaphore_mem>>) src(%arg9 : memref<128x16xf32, #tpu.memory_space<vmem>>) dst(%dma_wait3A_303 : memref<100096x16xf32, #tpu.memory_space<vmem_shared>>)
      %dma_start3A_304 = arith.constant 20 : i32
      %dma_start3A_305 = arith.constant 0 : i32
      %dma_start3A_306 = tpu.memref_slice %arg8[%dma_start3A_304, %dma_start3A_305] : memref<56x128xi32, #tpu.memory_space<vmem>> -> memref<1x128xi32, #tpu.memory_space<vmem>>
      %dma_start3A_307 = tpu.memref_squeeze %dma_start3A_306 : memref<1x128xi32, #tpu.memory_space<vmem>> -> memref<128xi32, #tpu.memory_space<vmem>>
      %dma_start3A_308 = arith.constant 0 : i32
      %dma_start3A_309 = arith.constant 0 : i32
      %dma_start3A_310 = tpu.memref_slice %arg7[%dma_start3A_308, %dma_start3A_309] : memref<100096x16xf32, #tpu.memory_space<vmem_shared>> -> memref<100096x16xf32, #tpu.memory_space<vmem_shared>>
      tpu.enqueue_indirect_dma source(%arg9 : memref<128x16xf32, #tpu.memory_space<vmem>>) target(%dma_start3A_310 : memref<100096x16xf32, #tpu.memory_space<vmem_shared>>) offsets(%dma_start3A_307 : memref<128xi32, #tpu.memory_space<vmem>>) semaphore(%arg10 : memref<!tpu.dma_semaphore, #tpu.memory_space<semaphore_mem>>) {add = true}
      %dma_wait3A_311 = arith.constant 17 : i32
      %dma_wait3A_312 = arith.constant 0 : i32
      %dma_wait3A_313 = tpu.memref_slice %arg8[%dma_wait3A_311, %dma_wait3A_312] : memref<56x128xi32, #tpu.memory_space<vmem>> -> memref<1x128xi32, #tpu.memory_space<vmem>>
      %dma_wait3A_314 = tpu.memref_squeeze %dma_wait3A_313 : memref<1x128xi32, #tpu.memory_space<vmem>> -> memref<128xi32, #tpu.memory_space<vmem>>
      %dma_wait3A_315 = arith.constant 0 : i32
      %dma_wait3A_316 = arith.constant 0 : i32
      %dma_wait3A_317 = tpu.memref_slice %arg7[%dma_wait3A_315, %dma_wait3A_316] : memref<100096x16xf32, #tpu.memory_space<vmem_shared>> -> memref<100096x16xf32, #tpu.memory_space<vmem_shared>>
      tpu.wait_indirect_dma semaphore(%arg11 : memref<!tpu.dma_semaphore, #tpu.memory_space<semaphore_mem>>) src(%arg9 : memref<128x16xf32, #tpu.memory_space<vmem>>) dst(%dma_wait3A_317 : memref<100096x16xf32, #tpu.memory_space<vmem_shared>>)
      %dma_start3A_318 = arith.constant 21 : i32
      %dma_start3A_319 = arith.constant 0 : i32
      %dma_start3A_320 = tpu.memref_slice %arg8[%dma_start3A_318, %dma_start3A_319] : memref<56x128xi32, #tpu.memory_space<vmem>> -> memref<1x128xi32, #tpu.memory_space<vmem>>
      %dma_start3A_321 = tpu.memref_squeeze %dma_start3A_320 : memref<1x128xi32, #tpu.memory_space<vmem>> -> memref<128xi32, #tpu.memory_space<vmem>>
      %dma_start3A_322 = arith.constant 0 : i32
      %dma_start3A_323 = arith.constant 0 : i32
      %dma_start3A_324 = tpu.memref_slice %arg7[%dma_start3A_322, %dma_start3A_323] : memref<100096x16xf32, #tpu.memory_space<vmem_shared>> -> memref<100096x16xf32, #tpu.memory_space<vmem_shared>>
      tpu.enqueue_indirect_dma source(%arg9 : memref<128x16xf32, #tpu.memory_space<vmem>>) target(%dma_start3A_324 : memref<100096x16xf32, #tpu.memory_space<vmem_shared>>) offsets(%dma_start3A_321 : memref<128xi32, #tpu.memory_space<vmem>>) semaphore(%arg11 : memref<!tpu.dma_semaphore, #tpu.memory_space<semaphore_mem>>) {add = true}
      %dma_wait3A_325 = arith.constant 18 : i32
      %dma_wait3A_326 = arith.constant 0 : i32
      %dma_wait3A_327 = tpu.memref_slice %arg8[%dma_wait3A_325, %dma_wait3A_326] : memref<56x128xi32, #tpu.memory_space<vmem>> -> memref<1x128xi32, #tpu.memory_space<vmem>>
      %dma_wait3A_328 = tpu.memref_squeeze %dma_wait3A_327 : memref<1x128xi32, #tpu.memory_space<vmem>> -> memref<128xi32, #tpu.memory_space<vmem>>
      %dma_wait3A_329 = arith.constant 0 : i32
      %dma_wait3A_330 = arith.constant 0 : i32
      %dma_wait3A_331 = tpu.memref_slice %arg7[%dma_wait3A_329, %dma_wait3A_330] : memref<100096x16xf32, #tpu.memory_space<vmem_shared>> -> memref<100096x16xf32, #tpu.memory_space<vmem_shared>>
      tpu.wait_indirect_dma semaphore(%arg12 : memref<!tpu.dma_semaphore, #tpu.memory_space<semaphore_mem>>) src(%arg9 : memref<128x16xf32, #tpu.memory_space<vmem>>) dst(%dma_wait3A_331 : memref<100096x16xf32, #tpu.memory_space<vmem_shared>>)
      %dma_start3A_332 = arith.constant 22 : i32
      %dma_start3A_333 = arith.constant 0 : i32
      %dma_start3A_334 = tpu.memref_slice %arg8[%dma_start3A_332, %dma_start3A_333] : memref<56x128xi32, #tpu.memory_space<vmem>> -> memref<1x128xi32, #tpu.memory_space<vmem>>
      %dma_start3A_335 = tpu.memref_squeeze %dma_start3A_334 : memref<1x128xi32, #tpu.memory_space<vmem>> -> memref<128xi32, #tpu.memory_space<vmem>>
      %dma_start3A_336 = arith.constant 0 : i32
      %dma_start3A_337 = arith.constant 0 : i32
      %dma_start3A_338 = tpu.memref_slice %arg7[%dma_start3A_336, %dma_start3A_337] : memref<100096x16xf32, #tpu.memory_space<vmem_shared>> -> memref<100096x16xf32, #tpu.memory_space<vmem_shared>>
      tpu.enqueue_indirect_dma source(%arg9 : memref<128x16xf32, #tpu.memory_space<vmem>>) target(%dma_start3A_338 : memref<100096x16xf32, #tpu.memory_space<vmem_shared>>) offsets(%dma_start3A_335 : memref<128xi32, #tpu.memory_space<vmem>>) semaphore(%arg12 : memref<!tpu.dma_semaphore, #tpu.memory_space<semaphore_mem>>) {add = true}
      %dma_wait3A_339 = arith.constant 19 : i32
      %dma_wait3A_340 = arith.constant 0 : i32
      %dma_wait3A_341 = tpu.memref_slice %arg8[%dma_wait3A_339, %dma_wait3A_340] : memref<56x128xi32, #tpu.memory_space<vmem>> -> memref<1x128xi32, #tpu.memory_space<vmem>>
      %dma_wait3A_342 = tpu.memref_squeeze %dma_wait3A_341 : memref<1x128xi32, #tpu.memory_space<vmem>> -> memref<128xi32, #tpu.memory_space<vmem>>
      %dma_wait3A_343 = arith.constant 0 : i32
      %dma_wait3A_344 = arith.constant 0 : i32
      %dma_wait3A_345 = tpu.memref_slice %arg7[%dma_wait3A_343, %dma_wait3A_344] : memref<100096x16xf32, #tpu.memory_space<vmem_shared>> -> memref<100096x16xf32, #tpu.memory_space<vmem_shared>>
      tpu.wait_indirect_dma semaphore(%arg13 : memref<!tpu.dma_semaphore, #tpu.memory_space<semaphore_mem>>) src(%arg9 : memref<128x16xf32, #tpu.memory_space<vmem>>) dst(%dma_wait3A_345 : memref<100096x16xf32, #tpu.memory_space<vmem_shared>>)
      %dma_start3A_346 = arith.constant 23 : i32
      %dma_start3A_347 = arith.constant 0 : i32
      %dma_start3A_348 = tpu.memref_slice %arg8[%dma_start3A_346, %dma_start3A_347] : memref<56x128xi32, #tpu.memory_space<vmem>> -> memref<1x128xi32, #tpu.memory_space<vmem>>
      %dma_start3A_349 = tpu.memref_squeeze %dma_start3A_348 : memref<1x128xi32, #tpu.memory_space<vmem>> -> memref<128xi32, #tpu.memory_space<vmem>>
      %dma_start3A_350 = arith.constant 0 : i32
      %dma_start3A_351 = arith.constant 0 : i32
      %dma_start3A_352 = tpu.memref_slice %arg7[%dma_start3A_350, %dma_start3A_351] : memref<100096x16xf32, #tpu.memory_space<vmem_shared>> -> memref<100096x16xf32, #tpu.memory_space<vmem_shared>>
      tpu.enqueue_indirect_dma source(%arg9 : memref<128x16xf32, #tpu.memory_space<vmem>>) target(%dma_start3A_352 : memref<100096x16xf32, #tpu.memory_space<vmem_shared>>) offsets(%dma_start3A_349 : memref<128xi32, #tpu.memory_space<vmem>>) semaphore(%arg13 : memref<!tpu.dma_semaphore, #tpu.memory_space<semaphore_mem>>) {add = true}
      %dma_wait3A_353 = arith.constant 20 : i32
      %dma_wait3A_354 = arith.constant 0 : i32
      %dma_wait3A_355 = tpu.memref_slice %arg8[%dma_wait3A_353, %dma_wait3A_354] : memref<56x128xi32, #tpu.memory_space<vmem>> -> memref<1x128xi32, #tpu.memory_space<vmem>>
      %dma_wait3A_356 = tpu.memref_squeeze %dma_wait3A_355 : memref<1x128xi32, #tpu.memory_space<vmem>> -> memref<128xi32, #tpu.memory_space<vmem>>
      %dma_wait3A_357 = arith.constant 0 : i32
      %dma_wait3A_358 = arith.constant 0 : i32
      %dma_wait3A_359 = tpu.memref_slice %arg7[%dma_wait3A_357, %dma_wait3A_358] : memref<100096x16xf32, #tpu.memory_space<vmem_shared>> -> memref<100096x16xf32, #tpu.memory_space<vmem_shared>>
      tpu.wait_indirect_dma semaphore(%arg10 : memref<!tpu.dma_semaphore, #tpu.memory_space<semaphore_mem>>) src(%arg9 : memref<128x16xf32, #tpu.memory_space<vmem>>) dst(%dma_wait3A_359 : memref<100096x16xf32, #tpu.memory_space<vmem_shared>>)
      %dma_start3A_360 = arith.constant 24 : i32
      %dma_start3A_361 = arith.constant 0 : i32
      %dma_start3A_362 = tpu.memref_slice %arg8[%dma_start3A_360, %dma_start3A_361] : memref<56x128xi32, #tpu.memory_space<vmem>> -> memref<1x128xi32, #tpu.memory_space<vmem>>
      %dma_start3A_363 = tpu.memref_squeeze %dma_start3A_362 : memref<1x128xi32, #tpu.memory_space<vmem>> -> memref<128xi32, #tpu.memory_space<vmem>>
      %dma_start3A_364 = arith.constant 0 : i32
      %dma_start3A_365 = arith.constant 0 : i32
      %dma_start3A_366 = tpu.memref_slice %arg7[%dma_start3A_364, %dma_start3A_365] : memref<100096x16xf32, #tpu.memory_space<vmem_shared>> -> memref<100096x16xf32, #tpu.memory_space<vmem_shared>>
      tpu.enqueue_indirect_dma source(%arg9 : memref<128x16xf32, #tpu.memory_space<vmem>>) target(%dma_start3A_366 : memref<100096x16xf32, #tpu.memory_space<vmem_shared>>) offsets(%dma_start3A_363 : memref<128xi32, #tpu.memory_space<vmem>>) semaphore(%arg10 : memref<!tpu.dma_semaphore, #tpu.memory_space<semaphore_mem>>) {add = true}
      %dma_wait3A_367 = arith.constant 21 : i32
      %dma_wait3A_368 = arith.constant 0 : i32
      %dma_wait3A_369 = tpu.memref_slice %arg8[%dma_wait3A_367, %dma_wait3A_368] : memref<56x128xi32, #tpu.memory_space<vmem>> -> memref<1x128xi32, #tpu.memory_space<vmem>>
      %dma_wait3A_370 = tpu.memref_squeeze %dma_wait3A_369 : memref<1x128xi32, #tpu.memory_space<vmem>> -> memref<128xi32, #tpu.memory_space<vmem>>
      %dma_wait3A_371 = arith.constant 0 : i32
      %dma_wait3A_372 = arith.constant 0 : i32
      %dma_wait3A_373 = tpu.memref_slice %arg7[%dma_wait3A_371, %dma_wait3A_372] : memref<100096x16xf32, #tpu.memory_space<vmem_shared>> -> memref<100096x16xf32, #tpu.memory_space<vmem_shared>>
      tpu.wait_indirect_dma semaphore(%arg11 : memref<!tpu.dma_semaphore, #tpu.memory_space<semaphore_mem>>) src(%arg9 : memref<128x16xf32, #tpu.memory_space<vmem>>) dst(%dma_wait3A_373 : memref<100096x16xf32, #tpu.memory_space<vmem_shared>>)
      %dma_start3A_374 = arith.constant 25 : i32
      %dma_start3A_375 = arith.constant 0 : i32
      %dma_start3A_376 = tpu.memref_slice %arg8[%dma_start3A_374, %dma_start3A_375] : memref<56x128xi32, #tpu.memory_space<vmem>> -> memref<1x128xi32, #tpu.memory_space<vmem>>
      %dma_start3A_377 = tpu.memref_squeeze %dma_start3A_376 : memref<1x128xi32, #tpu.memory_space<vmem>> -> memref<128xi32, #tpu.memory_space<vmem>>
      %dma_start3A_378 = arith.constant 0 : i32
      %dma_start3A_379 = arith.constant 0 : i32
      %dma_start3A_380 = tpu.memref_slice %arg7[%dma_start3A_378, %dma_start3A_379] : memref<100096x16xf32, #tpu.memory_space<vmem_shared>> -> memref<100096x16xf32, #tpu.memory_space<vmem_shared>>
      tpu.enqueue_indirect_dma source(%arg9 : memref<128x16xf32, #tpu.memory_space<vmem>>) target(%dma_start3A_380 : memref<100096x16xf32, #tpu.memory_space<vmem_shared>>) offsets(%dma_start3A_377 : memref<128xi32, #tpu.memory_space<vmem>>) semaphore(%arg11 : memref<!tpu.dma_semaphore, #tpu.memory_space<semaphore_mem>>) {add = true}
      %dma_wait3A_381 = arith.constant 22 : i32
      %dma_wait3A_382 = arith.constant 0 : i32
      %dma_wait3A_383 = tpu.memref_slice %arg8[%dma_wait3A_381, %dma_wait3A_382] : memref<56x128xi32, #tpu.memory_space<vmem>> -> memref<1x128xi32, #tpu.memory_space<vmem>>
      %dma_wait3A_384 = tpu.memref_squeeze %dma_wait3A_383 : memref<1x128xi32, #tpu.memory_space<vmem>> -> memref<128xi32, #tpu.memory_space<vmem>>
      %dma_wait3A_385 = arith.constant 0 : i32
      %dma_wait3A_386 = arith.constant 0 : i32
      %dma_wait3A_387 = tpu.memref_slice %arg7[%dma_wait3A_385, %dma_wait3A_386] : memref<100096x16xf32, #tpu.memory_space<vmem_shared>> -> memref<100096x16xf32, #tpu.memory_space<vmem_shared>>
      tpu.wait_indirect_dma semaphore(%arg12 : memref<!tpu.dma_semaphore, #tpu.memory_space<semaphore_mem>>) src(%arg9 : memref<128x16xf32, #tpu.memory_space<vmem>>) dst(%dma_wait3A_387 : memref<100096x16xf32, #tpu.memory_space<vmem_shared>>)
      %dma_start3A_388 = arith.constant 26 : i32
      %dma_start3A_389 = arith.constant 0 : i32
      %dma_start3A_390 = tpu.memref_slice %arg8[%dma_start3A_388, %dma_start3A_389] : memref<56x128xi32, #tpu.memory_space<vmem>> -> memref<1x128xi32, #tpu.memory_space<vmem>>
      %dma_start3A_391 = tpu.memref_squeeze %dma_start3A_390 : memref<1x128xi32, #tpu.memory_space<vmem>> -> memref<128xi32, #tpu.memory_space<vmem>>
      %dma_start3A_392 = arith.constant 0 : i32
      %dma_start3A_393 = arith.constant 0 : i32
      %dma_start3A_394 = tpu.memref_slice %arg7[%dma_start3A_392, %dma_start3A_393] : memref<100096x16xf32, #tpu.memory_space<vmem_shared>> -> memref<100096x16xf32, #tpu.memory_space<vmem_shared>>
      tpu.enqueue_indirect_dma source(%arg9 : memref<128x16xf32, #tpu.memory_space<vmem>>) target(%dma_start3A_394 : memref<100096x16xf32, #tpu.memory_space<vmem_shared>>) offsets(%dma_start3A_391 : memref<128xi32, #tpu.memory_space<vmem>>) semaphore(%arg12 : memref<!tpu.dma_semaphore, #tpu.memory_space<semaphore_mem>>) {add = true}
      %dma_wait3A_395 = arith.constant 23 : i32
      %dma_wait3A_396 = arith.constant 0 : i32
      %dma_wait3A_397 = tpu.memref_slice %arg8[%dma_wait3A_395, %dma_wait3A_396] : memref<56x128xi32, #tpu.memory_space<vmem>> -> memref<1x128xi32, #tpu.memory_space<vmem>>
      %dma_wait3A_398 = tpu.memref_squeeze %dma_wait3A_397 : memref<1x128xi32, #tpu.memory_space<vmem>> -> memref<128xi32, #tpu.memory_space<vmem>>
      %dma_wait3A_399 = arith.constant 0 : i32
      %dma_wait3A_400 = arith.constant 0 : i32
      %dma_wait3A_401 = tpu.memref_slice %arg7[%dma_wait3A_399, %dma_wait3A_400] : memref<100096x16xf32, #tpu.memory_space<vmem_shared>> -> memref<100096x16xf32, #tpu.memory_space<vmem_shared>>
      tpu.wait_indirect_dma semaphore(%arg13 : memref<!tpu.dma_semaphore, #tpu.memory_space<semaphore_mem>>) src(%arg9 : memref<128x16xf32, #tpu.memory_space<vmem>>) dst(%dma_wait3A_401 : memref<100096x16xf32, #tpu.memory_space<vmem_shared>>)
      %dma_start3A_402 = arith.constant 27 : i32
      %dma_start3A_403 = arith.constant 0 : i32
      %dma_start3A_404 = tpu.memref_slice %arg8[%dma_start3A_402, %dma_start3A_403] : memref<56x128xi32, #tpu.memory_space<vmem>> -> memref<1x128xi32, #tpu.memory_space<vmem>>
      %dma_start3A_405 = tpu.memref_squeeze %dma_start3A_404 : memref<1x128xi32, #tpu.memory_space<vmem>> -> memref<128xi32, #tpu.memory_space<vmem>>
      %dma_start3A_406 = arith.constant 0 : i32
      %dma_start3A_407 = arith.constant 0 : i32
      %dma_start3A_408 = tpu.memref_slice %arg7[%dma_start3A_406, %dma_start3A_407] : memref<100096x16xf32, #tpu.memory_space<vmem_shared>> -> memref<100096x16xf32, #tpu.memory_space<vmem_shared>>
      tpu.enqueue_indirect_dma source(%arg9 : memref<128x16xf32, #tpu.memory_space<vmem>>) target(%dma_start3A_408 : memref<100096x16xf32, #tpu.memory_space<vmem_shared>>) offsets(%dma_start3A_405 : memref<128xi32, #tpu.memory_space<vmem>>) semaphore(%arg13 : memref<!tpu.dma_semaphore, #tpu.memory_space<semaphore_mem>>) {add = true}
      %dma_wait3A_409 = arith.constant 24 : i32
      %dma_wait3A_410 = arith.constant 0 : i32
      %dma_wait3A_411 = tpu.memref_slice %arg8[%dma_wait3A_409, %dma_wait3A_410] : memref<56x128xi32, #tpu.memory_space<vmem>> -> memref<1x128xi32, #tpu.memory_space<vmem>>
      %dma_wait3A_412 = tpu.memref_squeeze %dma_wait3A_411 : memref<1x128xi32, #tpu.memory_space<vmem>> -> memref<128xi32, #tpu.memory_space<vmem>>
      %dma_wait3A_413 = arith.constant 0 : i32
      %dma_wait3A_414 = arith.constant 0 : i32
      %dma_wait3A_415 = tpu.memref_slice %arg7[%dma_wait3A_413, %dma_wait3A_414] : memref<100096x16xf32, #tpu.memory_space<vmem_shared>> -> memref<100096x16xf32, #tpu.memory_space<vmem_shared>>
      tpu.wait_indirect_dma semaphore(%arg10 : memref<!tpu.dma_semaphore, #tpu.memory_space<semaphore_mem>>) src(%arg9 : memref<128x16xf32, #tpu.memory_space<vmem>>) dst(%dma_wait3A_415 : memref<100096x16xf32, #tpu.memory_space<vmem_shared>>)
      %dma_start3A_416 = arith.constant 28 : i32
      %dma_start3A_417 = arith.constant 0 : i32
      %dma_start3A_418 = tpu.memref_slice %arg8[%dma_start3A_416, %dma_start3A_417] : memref<56x128xi32, #tpu.memory_space<vmem>> -> memref<1x128xi32, #tpu.memory_space<vmem>>
      %dma_start3A_419 = tpu.memref_squeeze %dma_start3A_418 : memref<1x128xi32, #tpu.memory_space<vmem>> -> memref<128xi32, #tpu.memory_space<vmem>>
      %dma_start3A_420 = arith.constant 0 : i32
      %dma_start3A_421 = arith.constant 0 : i32
      %dma_start3A_422 = tpu.memref_slice %arg7[%dma_start3A_420, %dma_start3A_421] : memref<100096x16xf32, #tpu.memory_space<vmem_shared>> -> memref<100096x16xf32, #tpu.memory_space<vmem_shared>>
      tpu.enqueue_indirect_dma source(%arg9 : memref<128x16xf32, #tpu.memory_space<vmem>>) target(%dma_start3A_422 : memref<100096x16xf32, #tpu.memory_space<vmem_shared>>) offsets(%dma_start3A_419 : memref<128xi32, #tpu.memory_space<vmem>>) semaphore(%arg10 : memref<!tpu.dma_semaphore, #tpu.memory_space<semaphore_mem>>) {add = true}
      %dma_wait3A_423 = arith.constant 25 : i32
      %dma_wait3A_424 = arith.constant 0 : i32
      %dma_wait3A_425 = tpu.memref_slice %arg8[%dma_wait3A_423, %dma_wait3A_424] : memref<56x128xi32, #tpu.memory_space<vmem>> -> memref<1x128xi32, #tpu.memory_space<vmem>>
      %dma_wait3A_426 = tpu.memref_squeeze %dma_wait3A_425 : memref<1x128xi32, #tpu.memory_space<vmem>> -> memref<128xi32, #tpu.memory_space<vmem>>
      %dma_wait3A_427 = arith.constant 0 : i32
      %dma_wait3A_428 = arith.constant 0 : i32
      %dma_wait3A_429 = tpu.memref_slice %arg7[%dma_wait3A_427, %dma_wait3A_428] : memref<100096x16xf32, #tpu.memory_space<vmem_shared>> -> memref<100096x16xf32, #tpu.memory_space<vmem_shared>>
      tpu.wait_indirect_dma semaphore(%arg11 : memref<!tpu.dma_semaphore, #tpu.memory_space<semaphore_mem>>) src(%arg9 : memref<128x16xf32, #tpu.memory_space<vmem>>) dst(%dma_wait3A_429 : memref<100096x16xf32, #tpu.memory_space<vmem_shared>>)
      %dma_start3A_430 = arith.constant 29 : i32
      %dma_start3A_431 = arith.constant 0 : i32
      %dma_start3A_432 = tpu.memref_slice %arg8[%dma_start3A_430, %dma_start3A_431] : memref<56x128xi32, #tpu.memory_space<vmem>> -> memref<1x128xi32, #tpu.memory_space<vmem>>
      %dma_start3A_433 = tpu.memref_squeeze %dma_start3A_432 : memref<1x128xi32, #tpu.memory_space<vmem>> -> memref<128xi32, #tpu.memory_space<vmem>>
      %dma_start3A_434 = arith.constant 0 : i32
      %dma_start3A_435 = arith.constant 0 : i32
      %dma_start3A_436 = tpu.memref_slice %arg7[%dma_start3A_434, %dma_start3A_435] : memref<100096x16xf32, #tpu.memory_space<vmem_shared>> -> memref<100096x16xf32, #tpu.memory_space<vmem_shared>>
      tpu.enqueue_indirect_dma source(%arg9 : memref<128x16xf32, #tpu.memory_space<vmem>>) target(%dma_start3A_436 : memref<100096x16xf32, #tpu.memory_space<vmem_shared>>) offsets(%dma_start3A_433 : memref<128xi32, #tpu.memory_space<vmem>>) semaphore(%arg11 : memref<!tpu.dma_semaphore, #tpu.memory_space<semaphore_mem>>) {add = true}
      %dma_wait3A_437 = arith.constant 26 : i32
      %dma_wait3A_438 = arith.constant 0 : i32
      %dma_wait3A_439 = tpu.memref_slice %arg8[%dma_wait3A_437, %dma_wait3A_438] : memref<56x128xi32, #tpu.memory_space<vmem>> -> memref<1x128xi32, #tpu.memory_space<vmem>>
      %dma_wait3A_440 = tpu.memref_squeeze %dma_wait3A_439 : memref<1x128xi32, #tpu.memory_space<vmem>> -> memref<128xi32, #tpu.memory_space<vmem>>
      %dma_wait3A_441 = arith.constant 0 : i32
      %dma_wait3A_442 = arith.constant 0 : i32
      %dma_wait3A_443 = tpu.memref_slice %arg7[%dma_wait3A_441, %dma_wait3A_442] : memref<100096x16xf32, #tpu.memory_space<vmem_shared>> -> memref<100096x16xf32, #tpu.memory_space<vmem_shared>>
      tpu.wait_indirect_dma semaphore(%arg12 : memref<!tpu.dma_semaphore, #tpu.memory_space<semaphore_mem>>) src(%arg9 : memref<128x16xf32, #tpu.memory_space<vmem>>) dst(%dma_wait3A_443 : memref<100096x16xf32, #tpu.memory_space<vmem_shared>>)
      %dma_start3A_444 = arith.constant 30 : i32
      %dma_start3A_445 = arith.constant 0 : i32
      %dma_start3A_446 = tpu.memref_slice %arg8[%dma_start3A_444, %dma_start3A_445] : memref<56x128xi32, #tpu.memory_space<vmem>> -> memref<1x128xi32, #tpu.memory_space<vmem>>
      %dma_start3A_447 = tpu.memref_squeeze %dma_start3A_446 : memref<1x128xi32, #tpu.memory_space<vmem>> -> memref<128xi32, #tpu.memory_space<vmem>>
      %dma_start3A_448 = arith.constant 0 : i32
      %dma_start3A_449 = arith.constant 0 : i32
      %dma_start3A_450 = tpu.memref_slice %arg7[%dma_start3A_448, %dma_start3A_449] : memref<100096x16xf32, #tpu.memory_space<vmem_shared>> -> memref<100096x16xf32, #tpu.memory_space<vmem_shared>>
      tpu.enqueue_indirect_dma source(%arg9 : memref<128x16xf32, #tpu.memory_space<vmem>>) target(%dma_start3A_450 : memref<100096x16xf32, #tpu.memory_space<vmem_shared>>) offsets(%dma_start3A_447 : memref<128xi32, #tpu.memory_space<vmem>>) semaphore(%arg12 : memref<!tpu.dma_semaphore, #tpu.memory_space<semaphore_mem>>) {add = true}
      %dma_wait3A_451 = arith.constant 27 : i32
      %dma_wait3A_452 = arith.constant 0 : i32
      %dma_wait3A_453 = tpu.memref_slice %arg8[%dma_wait3A_451, %dma_wait3A_452] : memref<56x128xi32, #tpu.memory_space<vmem>> -> memref<1x128xi32, #tpu.memory_space<vmem>>
      %dma_wait3A_454 = tpu.memref_squeeze %dma_wait3A_453 : memref<1x128xi32, #tpu.memory_space<vmem>> -> memref<128xi32, #tpu.memory_space<vmem>>
      %dma_wait3A_455 = arith.constant 0 : i32
      %dma_wait3A_456 = arith.constant 0 : i32
      %dma_wait3A_457 = tpu.memref_slice %arg7[%dma_wait3A_455, %dma_wait3A_456] : memref<100096x16xf32, #tpu.memory_space<vmem_shared>> -> memref<100096x16xf32, #tpu.memory_space<vmem_shared>>
      tpu.wait_indirect_dma semaphore(%arg13 : memref<!tpu.dma_semaphore, #tpu.memory_space<semaphore_mem>>) src(%arg9 : memref<128x16xf32, #tpu.memory_space<vmem>>) dst(%dma_wait3A_457 : memref<100096x16xf32, #tpu.memory_space<vmem_shared>>)
      %dma_start3A_458 = arith.constant 31 : i32
      %dma_start3A_459 = arith.constant 0 : i32
      %dma_start3A_460 = tpu.memref_slice %arg8[%dma_start3A_458, %dma_start3A_459] : memref<56x128xi32, #tpu.memory_space<vmem>> -> memref<1x128xi32, #tpu.memory_space<vmem>>
      %dma_start3A_461 = tpu.memref_squeeze %dma_start3A_460 : memref<1x128xi32, #tpu.memory_space<vmem>> -> memref<128xi32, #tpu.memory_space<vmem>>
      %dma_start3A_462 = arith.constant 0 : i32
      %dma_start3A_463 = arith.constant 0 : i32
      %dma_start3A_464 = tpu.memref_slice %arg7[%dma_start3A_462, %dma_start3A_463] : memref<100096x16xf32, #tpu.memory_space<vmem_shared>> -> memref<100096x16xf32, #tpu.memory_space<vmem_shared>>
      tpu.enqueue_indirect_dma source(%arg9 : memref<128x16xf32, #tpu.memory_space<vmem>>) target(%dma_start3A_464 : memref<100096x16xf32, #tpu.memory_space<vmem_shared>>) offsets(%dma_start3A_461 : memref<128xi32, #tpu.memory_space<vmem>>) semaphore(%arg13 : memref<!tpu.dma_semaphore, #tpu.memory_space<semaphore_mem>>) {add = true}
      %dma_wait3A_465 = arith.constant 28 : i32
      %dma_wait3A_466 = arith.constant 0 : i32
      %dma_wait3A_467 = tpu.memref_slice %arg8[%dma_wait3A_465, %dma_wait3A_466] : memref<56x128xi32, #tpu.memory_space<vmem>> -> memref<1x128xi32, #tpu.memory_space<vmem>>
      %dma_wait3A_468 = tpu.memref_squeeze %dma_wait3A_467 : memref<1x128xi32, #tpu.memory_space<vmem>> -> memref<128xi32, #tpu.memory_space<vmem>>
      %dma_wait3A_469 = arith.constant 0 : i32
      %dma_wait3A_470 = arith.constant 0 : i32
      %dma_wait3A_471 = tpu.memref_slice %arg7[%dma_wait3A_469, %dma_wait3A_470] : memref<100096x16xf32, #tpu.memory_space<vmem_shared>> -> memref<100096x16xf32, #tpu.memory_space<vmem_shared>>
      tpu.wait_indirect_dma semaphore(%arg10 : memref<!tpu.dma_semaphore, #tpu.memory_space<semaphore_mem>>) src(%arg9 : memref<128x16xf32, #tpu.memory_space<vmem>>) dst(%dma_wait3A_471 : memref<100096x16xf32, #tpu.memory_space<vmem_shared>>)
      %dma_start3A_472 = arith.constant 32 : i32
      %dma_start3A_473 = arith.constant 0 : i32
      %dma_start3A_474 = tpu.memref_slice %arg8[%dma_start3A_472, %dma_start3A_473] : memref<56x128xi32, #tpu.memory_space<vmem>> -> memref<1x128xi32, #tpu.memory_space<vmem>>
      %dma_start3A_475 = tpu.memref_squeeze %dma_start3A_474 : memref<1x128xi32, #tpu.memory_space<vmem>> -> memref<128xi32, #tpu.memory_space<vmem>>
      %dma_start3A_476 = arith.constant 0 : i32
      %dma_start3A_477 = arith.constant 0 : i32
      %dma_start3A_478 = tpu.memref_slice %arg7[%dma_start3A_476, %dma_start3A_477] : memref<100096x16xf32, #tpu.memory_space<vmem_shared>> -> memref<100096x16xf32, #tpu.memory_space<vmem_shared>>
      tpu.enqueue_indirect_dma source(%arg9 : memref<128x16xf32, #tpu.memory_space<vmem>>) target(%dma_start3A_478 : memref<100096x16xf32, #tpu.memory_space<vmem_shared>>) offsets(%dma_start3A_475 : memref<128xi32, #tpu.memory_space<vmem>>) semaphore(%arg10 : memref<!tpu.dma_semaphore, #tpu.memory_space<semaphore_mem>>) {add = true}
      %dma_wait3A_479 = arith.constant 29 : i32
      %dma_wait3A_480 = arith.constant 0 : i32
      %dma_wait3A_481 = tpu.memref_slice %arg8[%dma_wait3A_479, %dma_wait3A_480] : memref<56x128xi32, #tpu.memory_space<vmem>> -> memref<1x128xi32, #tpu.memory_space<vmem>>
      %dma_wait3A_482 = tpu.memref_squeeze %dma_wait3A_481 : memref<1x128xi32, #tpu.memory_space<vmem>> -> memref<128xi32, #tpu.memory_space<vmem>>
      %dma_wait3A_483 = arith.constant 0 : i32
      %dma_wait3A_484 = arith.constant 0 : i32
      %dma_wait3A_485 = tpu.memref_slice %arg7[%dma_wait3A_483, %dma_wait3A_484] : memref<100096x16xf32, #tpu.memory_space<vmem_shared>> -> memref<100096x16xf32, #tpu.memory_space<vmem_shared>>
      tpu.wait_indirect_dma semaphore(%arg11 : memref<!tpu.dma_semaphore, #tpu.memory_space<semaphore_mem>>) src(%arg9 : memref<128x16xf32, #tpu.memory_space<vmem>>) dst(%dma_wait3A_485 : memref<100096x16xf32, #tpu.memory_space<vmem_shared>>)
      %dma_start3A_486 = arith.constant 33 : i32
      %dma_start3A_487 = arith.constant 0 : i32
      %dma_start3A_488 = tpu.memref_slice %arg8[%dma_start3A_486, %dma_start3A_487] : memref<56x128xi32, #tpu.memory_space<vmem>> -> memref<1x128xi32, #tpu.memory_space<vmem>>
      %dma_start3A_489 = tpu.memref_squeeze %dma_start3A_488 : memref<1x128xi32, #tpu.memory_space<vmem>> -> memref<128xi32, #tpu.memory_space<vmem>>
      %dma_start3A_490 = arith.constant 0 : i32
      %dma_start3A_491 = arith.constant 0 : i32
      %dma_start3A_492 = tpu.memref_slice %arg7[%dma_start3A_490, %dma_start3A_491] : memref<100096x16xf32, #tpu.memory_space<vmem_shared>> -> memref<100096x16xf32, #tpu.memory_space<vmem_shared>>
      tpu.enqueue_indirect_dma source(%arg9 : memref<128x16xf32, #tpu.memory_space<vmem>>) target(%dma_start3A_492 : memref<100096x16xf32, #tpu.memory_space<vmem_shared>>) offsets(%dma_start3A_489 : memref<128xi32, #tpu.memory_space<vmem>>) semaphore(%arg11 : memref<!tpu.dma_semaphore, #tpu.memory_space<semaphore_mem>>) {add = true}
      %dma_wait3A_493 = arith.constant 30 : i32
      %dma_wait3A_494 = arith.constant 0 : i32
      %dma_wait3A_495 = tpu.memref_slice %arg8[%dma_wait3A_493, %dma_wait3A_494] : memref<56x128xi32, #tpu.memory_space<vmem>> -> memref<1x128xi32, #tpu.memory_space<vmem>>
      %dma_wait3A_496 = tpu.memref_squeeze %dma_wait3A_495 : memref<1x128xi32, #tpu.memory_space<vmem>> -> memref<128xi32, #tpu.memory_space<vmem>>
      %dma_wait3A_497 = arith.constant 0 : i32
      %dma_wait3A_498 = arith.constant 0 : i32
      %dma_wait3A_499 = tpu.memref_slice %arg7[%dma_wait3A_497, %dma_wait3A_498] : memref<100096x16xf32, #tpu.memory_space<vmem_shared>> -> memref<100096x16xf32, #tpu.memory_space<vmem_shared>>
      tpu.wait_indirect_dma semaphore(%arg12 : memref<!tpu.dma_semaphore, #tpu.memory_space<semaphore_mem>>) src(%arg9 : memref<128x16xf32, #tpu.memory_space<vmem>>) dst(%dma_wait3A_499 : memref<100096x16xf32, #tpu.memory_space<vmem_shared>>)
      %dma_start3A_500 = arith.constant 34 : i32
      %dma_start3A_501 = arith.constant 0 : i32
      %dma_start3A_502 = tpu.memref_slice %arg8[%dma_start3A_500, %dma_start3A_501] : memref<56x128xi32, #tpu.memory_space<vmem>> -> memref<1x128xi32, #tpu.memory_space<vmem>>
      %dma_start3A_503 = tpu.memref_squeeze %dma_start3A_502 : memref<1x128xi32, #tpu.memory_space<vmem>> -> memref<128xi32, #tpu.memory_space<vmem>>
      %dma_start3A_504 = arith.constant 0 : i32
      %dma_start3A_505 = arith.constant 0 : i32
      %dma_start3A_506 = tpu.memref_slice %arg7[%dma_start3A_504, %dma_start3A_505] : memref<100096x16xf32, #tpu.memory_space<vmem_shared>> -> memref<100096x16xf32, #tpu.memory_space<vmem_shared>>
      tpu.enqueue_indirect_dma source(%arg9 : memref<128x16xf32, #tpu.memory_space<vmem>>) target(%dma_start3A_506 : memref<100096x16xf32, #tpu.memory_space<vmem_shared>>) offsets(%dma_start3A_503 : memref<128xi32, #tpu.memory_space<vmem>>) semaphore(%arg12 : memref<!tpu.dma_semaphore, #tpu.memory_space<semaphore_mem>>) {add = true}
      %dma_wait3A_507 = arith.constant 31 : i32
      %dma_wait3A_508 = arith.constant 0 : i32
      %dma_wait3A_509 = tpu.memref_slice %arg8[%dma_wait3A_507, %dma_wait3A_508] : memref<56x128xi32, #tpu.memory_space<vmem>> -> memref<1x128xi32, #tpu.memory_space<vmem>>
      %dma_wait3A_510 = tpu.memref_squeeze %dma_wait3A_509 : memref<1x128xi32, #tpu.memory_space<vmem>> -> memref<128xi32, #tpu.memory_space<vmem>>
      %dma_wait3A_511 = arith.constant 0 : i32
      %dma_wait3A_512 = arith.constant 0 : i32
      %dma_wait3A_513 = tpu.memref_slice %arg7[%dma_wait3A_511, %dma_wait3A_512] : memref<100096x16xf32, #tpu.memory_space<vmem_shared>> -> memref<100096x16xf32, #tpu.memory_space<vmem_shared>>
      tpu.wait_indirect_dma semaphore(%arg13 : memref<!tpu.dma_semaphore, #tpu.memory_space<semaphore_mem>>) src(%arg9 : memref<128x16xf32, #tpu.memory_space<vmem>>) dst(%dma_wait3A_513 : memref<100096x16xf32, #tpu.memory_space<vmem_shared>>)
      %dma_start3A_514 = arith.constant 35 : i32
      %dma_start3A_515 = arith.constant 0 : i32
      %dma_start3A_516 = tpu.memref_slice %arg8[%dma_start3A_514, %dma_start3A_515] : memref<56x128xi32, #tpu.memory_space<vmem>> -> memref<1x128xi32, #tpu.memory_space<vmem>>
      %dma_start3A_517 = tpu.memref_squeeze %dma_start3A_516 : memref<1x128xi32, #tpu.memory_space<vmem>> -> memref<128xi32, #tpu.memory_space<vmem>>
      %dma_start3A_518 = arith.constant 0 : i32
      %dma_start3A_519 = arith.constant 0 : i32
      %dma_start3A_520 = tpu.memref_slice %arg7[%dma_start3A_518, %dma_start3A_519] : memref<100096x16xf32, #tpu.memory_space<vmem_shared>> -> memref<100096x16xf32, #tpu.memory_space<vmem_shared>>
      tpu.enqueue_indirect_dma source(%arg9 : memref<128x16xf32, #tpu.memory_space<vmem>>) target(%dma_start3A_520 : memref<100096x16xf32, #tpu.memory_space<vmem_shared>>) offsets(%dma_start3A_517 : memref<128xi32, #tpu.memory_space<vmem>>) semaphore(%arg13 : memref<!tpu.dma_semaphore, #tpu.memory_space<semaphore_mem>>) {add = true}
      %dma_wait3A_521 = arith.constant 32 : i32
      %dma_wait3A_522 = arith.constant 0 : i32
      %dma_wait3A_523 = tpu.memref_slice %arg8[%dma_wait3A_521, %dma_wait3A_522] : memref<56x128xi32, #tpu.memory_space<vmem>> -> memref<1x128xi32, #tpu.memory_space<vmem>>
      %dma_wait3A_524 = tpu.memref_squeeze %dma_wait3A_523 : memref<1x128xi32, #tpu.memory_space<vmem>> -> memref<128xi32, #tpu.memory_space<vmem>>
      %dma_wait3A_525 = arith.constant 0 : i32
      %dma_wait3A_526 = arith.constant 0 : i32
      %dma_wait3A_527 = tpu.memref_slice %arg7[%dma_wait3A_525, %dma_wait3A_526] : memref<100096x16xf32, #tpu.memory_space<vmem_shared>> -> memref<100096x16xf32, #tpu.memory_space<vmem_shared>>
      tpu.wait_indirect_dma semaphore(%arg10 : memref<!tpu.dma_semaphore, #tpu.memory_space<semaphore_mem>>) src(%arg9 : memref<128x16xf32, #tpu.memory_space<vmem>>) dst(%dma_wait3A_527 : memref<100096x16xf32, #tpu.memory_space<vmem_shared>>)
      %dma_start3A_528 = arith.constant 36 : i32
      %dma_start3A_529 = arith.constant 0 : i32
      %dma_start3A_530 = tpu.memref_slice %arg8[%dma_start3A_528, %dma_start3A_529] : memref<56x128xi32, #tpu.memory_space<vmem>> -> memref<1x128xi32, #tpu.memory_space<vmem>>
      %dma_start3A_531 = tpu.memref_squeeze %dma_start3A_530 : memref<1x128xi32, #tpu.memory_space<vmem>> -> memref<128xi32, #tpu.memory_space<vmem>>
      %dma_start3A_532 = arith.constant 0 : i32
      %dma_start3A_533 = arith.constant 0 : i32
      %dma_start3A_534 = tpu.memref_slice %arg7[%dma_start3A_532, %dma_start3A_533] : memref<100096x16xf32, #tpu.memory_space<vmem_shared>> -> memref<100096x16xf32, #tpu.memory_space<vmem_shared>>
      tpu.enqueue_indirect_dma source(%arg9 : memref<128x16xf32, #tpu.memory_space<vmem>>) target(%dma_start3A_534 : memref<100096x16xf32, #tpu.memory_space<vmem_shared>>) offsets(%dma_start3A_531 : memref<128xi32, #tpu.memory_space<vmem>>) semaphore(%arg10 : memref<!tpu.dma_semaphore, #tpu.memory_space<semaphore_mem>>) {add = true}
      %dma_wait3A_535 = arith.constant 33 : i32
      %dma_wait3A_536 = arith.constant 0 : i32
      %dma_wait3A_537 = tpu.memref_slice %arg8[%dma_wait3A_535, %dma_wait3A_536] : memref<56x128xi32, #tpu.memory_space<vmem>> -> memref<1x128xi32, #tpu.memory_space<vmem>>
      %dma_wait3A_538 = tpu.memref_squeeze %dma_wait3A_537 : memref<1x128xi32, #tpu.memory_space<vmem>> -> memref<128xi32, #tpu.memory_space<vmem>>
      %dma_wait3A_539 = arith.constant 0 : i32
      %dma_wait3A_540 = arith.constant 0 : i32
      %dma_wait3A_541 = tpu.memref_slice %arg7[%dma_wait3A_539, %dma_wait3A_540] : memref<100096x16xf32, #tpu.memory_space<vmem_shared>> -> memref<100096x16xf32, #tpu.memory_space<vmem_shared>>
      tpu.wait_indirect_dma semaphore(%arg11 : memref<!tpu.dma_semaphore, #tpu.memory_space<semaphore_mem>>) src(%arg9 : memref<128x16xf32, #tpu.memory_space<vmem>>) dst(%dma_wait3A_541 : memref<100096x16xf32, #tpu.memory_space<vmem_shared>>)
      %dma_start3A_542 = arith.constant 37 : i32
      %dma_start3A_543 = arith.constant 0 : i32
      %dma_start3A_544 = tpu.memref_slice %arg8[%dma_start3A_542, %dma_start3A_543] : memref<56x128xi32, #tpu.memory_space<vmem>> -> memref<1x128xi32, #tpu.memory_space<vmem>>
      %dma_start3A_545 = tpu.memref_squeeze %dma_start3A_544 : memref<1x128xi32, #tpu.memory_space<vmem>> -> memref<128xi32, #tpu.memory_space<vmem>>
      %dma_start3A_546 = arith.constant 0 : i32
      %dma_start3A_547 = arith.constant 0 : i32
      %dma_start3A_548 = tpu.memref_slice %arg7[%dma_start3A_546, %dma_start3A_547] : memref<100096x16xf32, #tpu.memory_space<vmem_shared>> -> memref<100096x16xf32, #tpu.memory_space<vmem_shared>>
      tpu.enqueue_indirect_dma source(%arg9 : memref<128x16xf32, #tpu.memory_space<vmem>>) target(%dma_start3A_548 : memref<100096x16xf32, #tpu.memory_space<vmem_shared>>) offsets(%dma_start3A_545 : memref<128xi32, #tpu.memory_space<vmem>>) semaphore(%arg11 : memref<!tpu.dma_semaphore, #tpu.memory_space<semaphore_mem>>) {add = true}
      %dma_wait3A_549 = arith.constant 34 : i32
      %dma_wait3A_550 = arith.constant 0 : i32
      %dma_wait3A_551 = tpu.memref_slice %arg8[%dma_wait3A_549, %dma_wait3A_550] : memref<56x128xi32, #tpu.memory_space<vmem>> -> memref<1x128xi32, #tpu.memory_space<vmem>>
      %dma_wait3A_552 = tpu.memref_squeeze %dma_wait3A_551 : memref<1x128xi32, #tpu.memory_space<vmem>> -> memref<128xi32, #tpu.memory_space<vmem>>
      %dma_wait3A_553 = arith.constant 0 : i32
      %dma_wait3A_554 = arith.constant 0 : i32
      %dma_wait3A_555 = tpu.memref_slice %arg7[%dma_wait3A_553, %dma_wait3A_554] : memref<100096x16xf32, #tpu.memory_space<vmem_shared>> -> memref<100096x16xf32, #tpu.memory_space<vmem_shared>>
      tpu.wait_indirect_dma semaphore(%arg12 : memref<!tpu.dma_semaphore, #tpu.memory_space<semaphore_mem>>) src(%arg9 : memref<128x16xf32, #tpu.memory_space<vmem>>) dst(%dma_wait3A_555 : memref<100096x16xf32, #tpu.memory_space<vmem_shared>>)
      %dma_start3A_556 = arith.constant 38 : i32
      %dma_start3A_557 = arith.constant 0 : i32
      %dma_start3A_558 = tpu.memref_slice %arg8[%dma_start3A_556, %dma_start3A_557] : memref<56x128xi32, #tpu.memory_space<vmem>> -> memref<1x128xi32, #tpu.memory_space<vmem>>
      %dma_start3A_559 = tpu.memref_squeeze %dma_start3A_558 : memref<1x128xi32, #tpu.memory_space<vmem>> -> memref<128xi32, #tpu.memory_space<vmem>>
      %dma_start3A_560 = arith.constant 0 : i32
      %dma_start3A_561 = arith.constant 0 : i32
      %dma_start3A_562 = tpu.memref_slice %arg7[%dma_start3A_560, %dma_start3A_561] : memref<100096x16xf32, #tpu.memory_space<vmem_shared>> -> memref<100096x16xf32, #tpu.memory_space<vmem_shared>>
      tpu.enqueue_indirect_dma source(%arg9 : memref<128x16xf32, #tpu.memory_space<vmem>>) target(%dma_start3A_562 : memref<100096x16xf32, #tpu.memory_space<vmem_shared>>) offsets(%dma_start3A_559 : memref<128xi32, #tpu.memory_space<vmem>>) semaphore(%arg12 : memref<!tpu.dma_semaphore, #tpu.memory_space<semaphore_mem>>) {add = true}
      %dma_wait3A_563 = arith.constant 35 : i32
      %dma_wait3A_564 = arith.constant 0 : i32
      %dma_wait3A_565 = tpu.memref_slice %arg8[%dma_wait3A_563, %dma_wait3A_564] : memref<56x128xi32, #tpu.memory_space<vmem>> -> memref<1x128xi32, #tpu.memory_space<vmem>>
      %dma_wait3A_566 = tpu.memref_squeeze %dma_wait3A_565 : memref<1x128xi32, #tpu.memory_space<vmem>> -> memref<128xi32, #tpu.memory_space<vmem>>
      %dma_wait3A_567 = arith.constant 0 : i32
      %dma_wait3A_568 = arith.constant 0 : i32
      %dma_wait3A_569 = tpu.memref_slice %arg7[%dma_wait3A_567, %dma_wait3A_568] : memref<100096x16xf32, #tpu.memory_space<vmem_shared>> -> memref<100096x16xf32, #tpu.memory_space<vmem_shared>>
      tpu.wait_indirect_dma semaphore(%arg13 : memref<!tpu.dma_semaphore, #tpu.memory_space<semaphore_mem>>) src(%arg9 : memref<128x16xf32, #tpu.memory_space<vmem>>) dst(%dma_wait3A_569 : memref<100096x16xf32, #tpu.memory_space<vmem_shared>>)
      %dma_start3A_570 = arith.constant 39 : i32
      %dma_start3A_571 = arith.constant 0 : i32
      %dma_start3A_572 = tpu.memref_slice %arg8[%dma_start3A_570, %dma_start3A_571] : memref<56x128xi32, #tpu.memory_space<vmem>> -> memref<1x128xi32, #tpu.memory_space<vmem>>
      %dma_start3A_573 = tpu.memref_squeeze %dma_start3A_572 : memref<1x128xi32, #tpu.memory_space<vmem>> -> memref<128xi32, #tpu.memory_space<vmem>>
      %dma_start3A_574 = arith.constant 0 : i32
      %dma_start3A_575 = arith.constant 0 : i32
      %dma_start3A_576 = tpu.memref_slice %arg7[%dma_start3A_574, %dma_start3A_575] : memref<100096x16xf32, #tpu.memory_space<vmem_shared>> -> memref<100096x16xf32, #tpu.memory_space<vmem_shared>>
      tpu.enqueue_indirect_dma source(%arg9 : memref<128x16xf32, #tpu.memory_space<vmem>>) target(%dma_start3A_576 : memref<100096x16xf32, #tpu.memory_space<vmem_shared>>) offsets(%dma_start3A_573 : memref<128xi32, #tpu.memory_space<vmem>>) semaphore(%arg13 : memref<!tpu.dma_semaphore, #tpu.memory_space<semaphore_mem>>) {add = true}
      %dma_wait3A_577 = arith.constant 36 : i32
      %dma_wait3A_578 = arith.constant 0 : i32
      %dma_wait3A_579 = tpu.memref_slice %arg8[%dma_wait3A_577, %dma_wait3A_578] : memref<56x128xi32, #tpu.memory_space<vmem>> -> memref<1x128xi32, #tpu.memory_space<vmem>>
      %dma_wait3A_580 = tpu.memref_squeeze %dma_wait3A_579 : memref<1x128xi32, #tpu.memory_space<vmem>> -> memref<128xi32, #tpu.memory_space<vmem>>
      %dma_wait3A_581 = arith.constant 0 : i32
      %dma_wait3A_582 = arith.constant 0 : i32
      %dma_wait3A_583 = tpu.memref_slice %arg7[%dma_wait3A_581, %dma_wait3A_582] : memref<100096x16xf32, #tpu.memory_space<vmem_shared>> -> memref<100096x16xf32, #tpu.memory_space<vmem_shared>>
      tpu.wait_indirect_dma semaphore(%arg10 : memref<!tpu.dma_semaphore, #tpu.memory_space<semaphore_mem>>) src(%arg9 : memref<128x16xf32, #tpu.memory_space<vmem>>) dst(%dma_wait3A_583 : memref<100096x16xf32, #tpu.memory_space<vmem_shared>>)
      %dma_start3A_584 = arith.constant 40 : i32
      %dma_start3A_585 = arith.constant 0 : i32
      %dma_start3A_586 = tpu.memref_slice %arg8[%dma_start3A_584, %dma_start3A_585] : memref<56x128xi32, #tpu.memory_space<vmem>> -> memref<1x128xi32, #tpu.memory_space<vmem>>
      %dma_start3A_587 = tpu.memref_squeeze %dma_start3A_586 : memref<1x128xi32, #tpu.memory_space<vmem>> -> memref<128xi32, #tpu.memory_space<vmem>>
      %dma_start3A_588 = arith.constant 0 : i32
      %dma_start3A_589 = arith.constant 0 : i32
      %dma_start3A_590 = tpu.memref_slice %arg7[%dma_start3A_588, %dma_start3A_589] : memref<100096x16xf32, #tpu.memory_space<vmem_shared>> -> memref<100096x16xf32, #tpu.memory_space<vmem_shared>>
      tpu.enqueue_indirect_dma source(%arg9 : memref<128x16xf32, #tpu.memory_space<vmem>>) target(%dma_start3A_590 : memref<100096x16xf32, #tpu.memory_space<vmem_shared>>) offsets(%dma_start3A_587 : memref<128xi32, #tpu.memory_space<vmem>>) semaphore(%arg10 : memref<!tpu.dma_semaphore, #tpu.memory_space<semaphore_mem>>) {add = true}
      %dma_wait3A_591 = arith.constant 37 : i32
      %dma_wait3A_592 = arith.constant 0 : i32
      %dma_wait3A_593 = tpu.memref_slice %arg8[%dma_wait3A_591, %dma_wait3A_592] : memref<56x128xi32, #tpu.memory_space<vmem>> -> memref<1x128xi32, #tpu.memory_space<vmem>>
      %dma_wait3A_594 = tpu.memref_squeeze %dma_wait3A_593 : memref<1x128xi32, #tpu.memory_space<vmem>> -> memref<128xi32, #tpu.memory_space<vmem>>
      %dma_wait3A_595 = arith.constant 0 : i32
      %dma_wait3A_596 = arith.constant 0 : i32
      %dma_wait3A_597 = tpu.memref_slice %arg7[%dma_wait3A_595, %dma_wait3A_596] : memref<100096x16xf32, #tpu.memory_space<vmem_shared>> -> memref<100096x16xf32, #tpu.memory_space<vmem_shared>>
      tpu.wait_indirect_dma semaphore(%arg11 : memref<!tpu.dma_semaphore, #tpu.memory_space<semaphore_mem>>) src(%arg9 : memref<128x16xf32, #tpu.memory_space<vmem>>) dst(%dma_wait3A_597 : memref<100096x16xf32, #tpu.memory_space<vmem_shared>>)
      %dma_start3A_598 = arith.constant 41 : i32
      %dma_start3A_599 = arith.constant 0 : i32
      %dma_start3A_600 = tpu.memref_slice %arg8[%dma_start3A_598, %dma_start3A_599] : memref<56x128xi32, #tpu.memory_space<vmem>> -> memref<1x128xi32, #tpu.memory_space<vmem>>
      %dma_start3A_601 = tpu.memref_squeeze %dma_start3A_600 : memref<1x128xi32, #tpu.memory_space<vmem>> -> memref<128xi32, #tpu.memory_space<vmem>>
      %dma_start3A_602 = arith.constant 0 : i32
      %dma_start3A_603 = arith.constant 0 : i32
      %dma_start3A_604 = tpu.memref_slice %arg7[%dma_start3A_602, %dma_start3A_603] : memref<100096x16xf32, #tpu.memory_space<vmem_shared>> -> memref<100096x16xf32, #tpu.memory_space<vmem_shared>>
      tpu.enqueue_indirect_dma source(%arg9 : memref<128x16xf32, #tpu.memory_space<vmem>>) target(%dma_start3A_604 : memref<100096x16xf32, #tpu.memory_space<vmem_shared>>) offsets(%dma_start3A_601 : memref<128xi32, #tpu.memory_space<vmem>>) semaphore(%arg11 : memref<!tpu.dma_semaphore, #tpu.memory_space<semaphore_mem>>) {add = true}
      %dma_wait3A_605 = arith.constant 38 : i32
      %dma_wait3A_606 = arith.constant 0 : i32
      %dma_wait3A_607 = tpu.memref_slice %arg8[%dma_wait3A_605, %dma_wait3A_606] : memref<56x128xi32, #tpu.memory_space<vmem>> -> memref<1x128xi32, #tpu.memory_space<vmem>>
      %dma_wait3A_608 = tpu.memref_squeeze %dma_wait3A_607 : memref<1x128xi32, #tpu.memory_space<vmem>> -> memref<128xi32, #tpu.memory_space<vmem>>
      %dma_wait3A_609 = arith.constant 0 : i32
      %dma_wait3A_610 = arith.constant 0 : i32
      %dma_wait3A_611 = tpu.memref_slice %arg7[%dma_wait3A_609, %dma_wait3A_610] : memref<100096x16xf32, #tpu.memory_space<vmem_shared>> -> memref<100096x16xf32, #tpu.memory_space<vmem_shared>>
      tpu.wait_indirect_dma semaphore(%arg12 : memref<!tpu.dma_semaphore, #tpu.memory_space<semaphore_mem>>) src(%arg9 : memref<128x16xf32, #tpu.memory_space<vmem>>) dst(%dma_wait3A_611 : memref<100096x16xf32, #tpu.memory_space<vmem_shared>>)
      %dma_start3A_612 = arith.constant 42 : i32
      %dma_start3A_613 = arith.constant 0 : i32
      %dma_start3A_614 = tpu.memref_slice %arg8[%dma_start3A_612, %dma_start3A_613] : memref<56x128xi32, #tpu.memory_space<vmem>> -> memref<1x128xi32, #tpu.memory_space<vmem>>
      %dma_start3A_615 = tpu.memref_squeeze %dma_start3A_614 : memref<1x128xi32, #tpu.memory_space<vmem>> -> memref<128xi32, #tpu.memory_space<vmem>>
      %dma_start3A_616 = arith.constant 0 : i32
      %dma_start3A_617 = arith.constant 0 : i32
      %dma_start3A_618 = tpu.memref_slice %arg7[%dma_start3A_616, %dma_start3A_617] : memref<100096x16xf32, #tpu.memory_space<vmem_shared>> -> memref<100096x16xf32, #tpu.memory_space<vmem_shared>>
      tpu.enqueue_indirect_dma source(%arg9 : memref<128x16xf32, #tpu.memory_space<vmem>>) target(%dma_start3A_618 : memref<100096x16xf32, #tpu.memory_space<vmem_shared>>) offsets(%dma_start3A_615 : memref<128xi32, #tpu.memory_space<vmem>>) semaphore(%arg12 : memref<!tpu.dma_semaphore, #tpu.memory_space<semaphore_mem>>) {add = true}
      %dma_wait3A_619 = arith.constant 39 : i32
      %dma_wait3A_620 = arith.constant 0 : i32
      %dma_wait3A_621 = tpu.memref_slice %arg8[%dma_wait3A_619, %dma_wait3A_620] : memref<56x128xi32, #tpu.memory_space<vmem>> -> memref<1x128xi32, #tpu.memory_space<vmem>>
      %dma_wait3A_622 = tpu.memref_squeeze %dma_wait3A_621 : memref<1x128xi32, #tpu.memory_space<vmem>> -> memref<128xi32, #tpu.memory_space<vmem>>
      %dma_wait3A_623 = arith.constant 0 : i32
      %dma_wait3A_624 = arith.constant 0 : i32
      %dma_wait3A_625 = tpu.memref_slice %arg7[%dma_wait3A_623, %dma_wait3A_624] : memref<100096x16xf32, #tpu.memory_space<vmem_shared>> -> memref<100096x16xf32, #tpu.memory_space<vmem_shared>>
      tpu.wait_indirect_dma semaphore(%arg13 : memref<!tpu.dma_semaphore, #tpu.memory_space<semaphore_mem>>) src(%arg9 : memref<128x16xf32, #tpu.memory_space<vmem>>) dst(%dma_wait3A_625 : memref<100096x16xf32, #tpu.memory_space<vmem_shared>>)
      %dma_start3A_626 = arith.constant 43 : i32
      %dma_start3A_627 = arith.constant 0 : i32
      %dma_start3A_628 = tpu.memref_slice %arg8[%dma_start3A_626, %dma_start3A_627] : memref<56x128xi32, #tpu.memory_space<vmem>> -> memref<1x128xi32, #tpu.memory_space<vmem>>
      %dma_start3A_629 = tpu.memref_squeeze %dma_start3A_628 : memref<1x128xi32, #tpu.memory_space<vmem>> -> memref<128xi32, #tpu.memory_space<vmem>>
      %dma_start3A_630 = arith.constant 0 : i32
      %dma_start3A_631 = arith.constant 0 : i32
      %dma_start3A_632 = tpu.memref_slice %arg7[%dma_start3A_630, %dma_start3A_631] : memref<100096x16xf32, #tpu.memory_space<vmem_shared>> -> memref<100096x16xf32, #tpu.memory_space<vmem_shared>>
      tpu.enqueue_indirect_dma source(%arg9 : memref<128x16xf32, #tpu.memory_space<vmem>>) target(%dma_start3A_632 : memref<100096x16xf32, #tpu.memory_space<vmem_shared>>) offsets(%dma_start3A_629 : memref<128xi32, #tpu.memory_space<vmem>>) semaphore(%arg13 : memref<!tpu.dma_semaphore, #tpu.memory_space<semaphore_mem>>) {add = true}
      %dma_wait3A_633 = arith.constant 40 : i32
      %dma_wait3A_634 = arith.constant 0 : i32
      %dma_wait3A_635 = tpu.memref_slice %arg8[%dma_wait3A_633, %dma_wait3A_634] : memref<56x128xi32, #tpu.memory_space<vmem>> -> memref<1x128xi32, #tpu.memory_space<vmem>>
      %dma_wait3A_636 = tpu.memref_squeeze %dma_wait3A_635 : memref<1x128xi32, #tpu.memory_space<vmem>> -> memref<128xi32, #tpu.memory_space<vmem>>
      %dma_wait3A_637 = arith.constant 0 : i32
      %dma_wait3A_638 = arith.constant 0 : i32
      %dma_wait3A_639 = tpu.memref_slice %arg7[%dma_wait3A_637, %dma_wait3A_638] : memref<100096x16xf32, #tpu.memory_space<vmem_shared>> -> memref<100096x16xf32, #tpu.memory_space<vmem_shared>>
      tpu.wait_indirect_dma semaphore(%arg10 : memref<!tpu.dma_semaphore, #tpu.memory_space<semaphore_mem>>) src(%arg9 : memref<128x16xf32, #tpu.memory_space<vmem>>) dst(%dma_wait3A_639 : memref<100096x16xf32, #tpu.memory_space<vmem_shared>>)
      %dma_start3A_640 = arith.constant 44 : i32
      %dma_start3A_641 = arith.constant 0 : i32
      %dma_start3A_642 = tpu.memref_slice %arg8[%dma_start3A_640, %dma_start3A_641] : memref<56x128xi32, #tpu.memory_space<vmem>> -> memref<1x128xi32, #tpu.memory_space<vmem>>
      %dma_start3A_643 = tpu.memref_squeeze %dma_start3A_642 : memref<1x128xi32, #tpu.memory_space<vmem>> -> memref<128xi32, #tpu.memory_space<vmem>>
      %dma_start3A_644 = arith.constant 0 : i32
      %dma_start3A_645 = arith.constant 0 : i32
      %dma_start3A_646 = tpu.memref_slice %arg7[%dma_start3A_644, %dma_start3A_645] : memref<100096x16xf32, #tpu.memory_space<vmem_shared>> -> memref<100096x16xf32, #tpu.memory_space<vmem_shared>>
      tpu.enqueue_indirect_dma source(%arg9 : memref<128x16xf32, #tpu.memory_space<vmem>>) target(%dma_start3A_646 : memref<100096x16xf32, #tpu.memory_space<vmem_shared>>) offsets(%dma_start3A_643 : memref<128xi32, #tpu.memory_space<vmem>>) semaphore(%arg10 : memref<!tpu.dma_semaphore, #tpu.memory_space<semaphore_mem>>) {add = true}
      %dma_wait3A_647 = arith.constant 41 : i32
      %dma_wait3A_648 = arith.constant 0 : i32
      %dma_wait3A_649 = tpu.memref_slice %arg8[%dma_wait3A_647, %dma_wait3A_648] : memref<56x128xi32, #tpu.memory_space<vmem>> -> memref<1x128xi32, #tpu.memory_space<vmem>>
      %dma_wait3A_650 = tpu.memref_squeeze %dma_wait3A_649 : memref<1x128xi32, #tpu.memory_space<vmem>> -> memref<128xi32, #tpu.memory_space<vmem>>
      %dma_wait3A_651 = arith.constant 0 : i32
      %dma_wait3A_652 = arith.constant 0 : i32
      %dma_wait3A_653 = tpu.memref_slice %arg7[%dma_wait3A_651, %dma_wait3A_652] : memref<100096x16xf32, #tpu.memory_space<vmem_shared>> -> memref<100096x16xf32, #tpu.memory_space<vmem_shared>>
      tpu.wait_indirect_dma semaphore(%arg11 : memref<!tpu.dma_semaphore, #tpu.memory_space<semaphore_mem>>) src(%arg9 : memref<128x16xf32, #tpu.memory_space<vmem>>) dst(%dma_wait3A_653 : memref<100096x16xf32, #tpu.memory_space<vmem_shared>>)
      %dma_start3A_654 = arith.constant 45 : i32
      %dma_start3A_655 = arith.constant 0 : i32
      %dma_start3A_656 = tpu.memref_slice %arg8[%dma_start3A_654, %dma_start3A_655] : memref<56x128xi32, #tpu.memory_space<vmem>> -> memref<1x128xi32, #tpu.memory_space<vmem>>
      %dma_start3A_657 = tpu.memref_squeeze %dma_start3A_656 : memref<1x128xi32, #tpu.memory_space<vmem>> -> memref<128xi32, #tpu.memory_space<vmem>>
      %dma_start3A_658 = arith.constant 0 : i32
      %dma_start3A_659 = arith.constant 0 : i32
      %dma_start3A_660 = tpu.memref_slice %arg7[%dma_start3A_658, %dma_start3A_659] : memref<100096x16xf32, #tpu.memory_space<vmem_shared>> -> memref<100096x16xf32, #tpu.memory_space<vmem_shared>>
      tpu.enqueue_indirect_dma source(%arg9 : memref<128x16xf32, #tpu.memory_space<vmem>>) target(%dma_start3A_660 : memref<100096x16xf32, #tpu.memory_space<vmem_shared>>) offsets(%dma_start3A_657 : memref<128xi32, #tpu.memory_space<vmem>>) semaphore(%arg11 : memref<!tpu.dma_semaphore, #tpu.memory_space<semaphore_mem>>) {add = true}
      %dma_wait3A_661 = arith.constant 42 : i32
      %dma_wait3A_662 = arith.constant 0 : i32
      %dma_wait3A_663 = tpu.memref_slice %arg8[%dma_wait3A_661, %dma_wait3A_662] : memref<56x128xi32, #tpu.memory_space<vmem>> -> memref<1x128xi32, #tpu.memory_space<vmem>>
      %dma_wait3A_664 = tpu.memref_squeeze %dma_wait3A_663 : memref<1x128xi32, #tpu.memory_space<vmem>> -> memref<128xi32, #tpu.memory_space<vmem>>
      %dma_wait3A_665 = arith.constant 0 : i32
      %dma_wait3A_666 = arith.constant 0 : i32
      %dma_wait3A_667 = tpu.memref_slice %arg7[%dma_wait3A_665, %dma_wait3A_666] : memref<100096x16xf32, #tpu.memory_space<vmem_shared>> -> memref<100096x16xf32, #tpu.memory_space<vmem_shared>>
      tpu.wait_indirect_dma semaphore(%arg12 : memref<!tpu.dma_semaphore, #tpu.memory_space<semaphore_mem>>) src(%arg9 : memref<128x16xf32, #tpu.memory_space<vmem>>) dst(%dma_wait3A_667 : memref<100096x16xf32, #tpu.memory_space<vmem_shared>>)
      %dma_start3A_668 = arith.constant 46 : i32
      %dma_start3A_669 = arith.constant 0 : i32
      %dma_start3A_670 = tpu.memref_slice %arg8[%dma_start3A_668, %dma_start3A_669] : memref<56x128xi32, #tpu.memory_space<vmem>> -> memref<1x128xi32, #tpu.memory_space<vmem>>
      %dma_start3A_671 = tpu.memref_squeeze %dma_start3A_670 : memref<1x128xi32, #tpu.memory_space<vmem>> -> memref<128xi32, #tpu.memory_space<vmem>>
      %dma_start3A_672 = arith.constant 0 : i32
      %dma_start3A_673 = arith.constant 0 : i32
      %dma_start3A_674 = tpu.memref_slice %arg7[%dma_start3A_672, %dma_start3A_673] : memref<100096x16xf32, #tpu.memory_space<vmem_shared>> -> memref<100096x16xf32, #tpu.memory_space<vmem_shared>>
      tpu.enqueue_indirect_dma source(%arg9 : memref<128x16xf32, #tpu.memory_space<vmem>>) target(%dma_start3A_674 : memref<100096x16xf32, #tpu.memory_space<vmem_shared>>) offsets(%dma_start3A_671 : memref<128xi32, #tpu.memory_space<vmem>>) semaphore(%arg12 : memref<!tpu.dma_semaphore, #tpu.memory_space<semaphore_mem>>) {add = true}
      %dma_wait3A_675 = arith.constant 43 : i32
      %dma_wait3A_676 = arith.constant 0 : i32
      %dma_wait3A_677 = tpu.memref_slice %arg8[%dma_wait3A_675, %dma_wait3A_676] : memref<56x128xi32, #tpu.memory_space<vmem>> -> memref<1x128xi32, #tpu.memory_space<vmem>>
      %dma_wait3A_678 = tpu.memref_squeeze %dma_wait3A_677 : memref<1x128xi32, #tpu.memory_space<vmem>> -> memref<128xi32, #tpu.memory_space<vmem>>
      %dma_wait3A_679 = arith.constant 0 : i32
      %dma_wait3A_680 = arith.constant 0 : i32
      %dma_wait3A_681 = tpu.memref_slice %arg7[%dma_wait3A_679, %dma_wait3A_680] : memref<100096x16xf32, #tpu.memory_space<vmem_shared>> -> memref<100096x16xf32, #tpu.memory_space<vmem_shared>>
      tpu.wait_indirect_dma semaphore(%arg13 : memref<!tpu.dma_semaphore, #tpu.memory_space<semaphore_mem>>) src(%arg9 : memref<128x16xf32, #tpu.memory_space<vmem>>) dst(%dma_wait3A_681 : memref<100096x16xf32, #tpu.memory_space<vmem_shared>>)
      %dma_start3A_682 = arith.constant 47 : i32
      %dma_start3A_683 = arith.constant 0 : i32
      %dma_start3A_684 = tpu.memref_slice %arg8[%dma_start3A_682, %dma_start3A_683] : memref<56x128xi32, #tpu.memory_space<vmem>> -> memref<1x128xi32, #tpu.memory_space<vmem>>
      %dma_start3A_685 = tpu.memref_squeeze %dma_start3A_684 : memref<1x128xi32, #tpu.memory_space<vmem>> -> memref<128xi32, #tpu.memory_space<vmem>>
      %dma_start3A_686 = arith.constant 0 : i32
      %dma_start3A_687 = arith.constant 0 : i32
      %dma_start3A_688 = tpu.memref_slice %arg7[%dma_start3A_686, %dma_start3A_687] : memref<100096x16xf32, #tpu.memory_space<vmem_shared>> -> memref<100096x16xf32, #tpu.memory_space<vmem_shared>>
      tpu.enqueue_indirect_dma source(%arg9 : memref<128x16xf32, #tpu.memory_space<vmem>>) target(%dma_start3A_688 : memref<100096x16xf32, #tpu.memory_space<vmem_shared>>) offsets(%dma_start3A_685 : memref<128xi32, #tpu.memory_space<vmem>>) semaphore(%arg13 : memref<!tpu.dma_semaphore, #tpu.memory_space<semaphore_mem>>) {add = true}
      %dma_wait3A_689 = arith.constant 44 : i32
      %dma_wait3A_690 = arith.constant 0 : i32
      %dma_wait3A_691 = tpu.memref_slice %arg8[%dma_wait3A_689, %dma_wait3A_690] : memref<56x128xi32, #tpu.memory_space<vmem>> -> memref<1x128xi32, #tpu.memory_space<vmem>>
      %dma_wait3A_692 = tpu.memref_squeeze %dma_wait3A_691 : memref<1x128xi32, #tpu.memory_space<vmem>> -> memref<128xi32, #tpu.memory_space<vmem>>
      %dma_wait3A_693 = arith.constant 0 : i32
      %dma_wait3A_694 = arith.constant 0 : i32
      %dma_wait3A_695 = tpu.memref_slice %arg7[%dma_wait3A_693, %dma_wait3A_694] : memref<100096x16xf32, #tpu.memory_space<vmem_shared>> -> memref<100096x16xf32, #tpu.memory_space<vmem_shared>>
      tpu.wait_indirect_dma semaphore(%arg10 : memref<!tpu.dma_semaphore, #tpu.memory_space<semaphore_mem>>) src(%arg9 : memref<128x16xf32, #tpu.memory_space<vmem>>) dst(%dma_wait3A_695 : memref<100096x16xf32, #tpu.memory_space<vmem_shared>>)
      %dma_start3A_696 = arith.constant 48 : i32
      %dma_start3A_697 = arith.constant 0 : i32
      %dma_start3A_698 = tpu.memref_slice %arg8[%dma_start3A_696, %dma_start3A_697] : memref<56x128xi32, #tpu.memory_space<vmem>> -> memref<1x128xi32, #tpu.memory_space<vmem>>
      %dma_start3A_699 = tpu.memref_squeeze %dma_start3A_698 : memref<1x128xi32, #tpu.memory_space<vmem>> -> memref<128xi32, #tpu.memory_space<vmem>>
      %dma_start3A_700 = arith.constant 0 : i32
      %dma_start3A_701 = arith.constant 0 : i32
      %dma_start3A_702 = tpu.memref_slice %arg7[%dma_start3A_700, %dma_start3A_701] : memref<100096x16xf32, #tpu.memory_space<vmem_shared>> -> memref<100096x16xf32, #tpu.memory_space<vmem_shared>>
      tpu.enqueue_indirect_dma source(%arg9 : memref<128x16xf32, #tpu.memory_space<vmem>>) target(%dma_start3A_702 : memref<100096x16xf32, #tpu.memory_space<vmem_shared>>) offsets(%dma_start3A_699 : memref<128xi32, #tpu.memory_space<vmem>>) semaphore(%arg10 : memref<!tpu.dma_semaphore, #tpu.memory_space<semaphore_mem>>) {add = true}
      %dma_wait3A_703 = arith.constant 45 : i32
      %dma_wait3A_704 = arith.constant 0 : i32
      %dma_wait3A_705 = tpu.memref_slice %arg8[%dma_wait3A_703, %dma_wait3A_704] : memref<56x128xi32, #tpu.memory_space<vmem>> -> memref<1x128xi32, #tpu.memory_space<vmem>>
      %dma_wait3A_706 = tpu.memref_squeeze %dma_wait3A_705 : memref<1x128xi32, #tpu.memory_space<vmem>> -> memref<128xi32, #tpu.memory_space<vmem>>
      %dma_wait3A_707 = arith.constant 0 : i32
      %dma_wait3A_708 = arith.constant 0 : i32
      %dma_wait3A_709 = tpu.memref_slice %arg7[%dma_wait3A_707, %dma_wait3A_708] : memref<100096x16xf32, #tpu.memory_space<vmem_shared>> -> memref<100096x16xf32, #tpu.memory_space<vmem_shared>>
      tpu.wait_indirect_dma semaphore(%arg11 : memref<!tpu.dma_semaphore, #tpu.memory_space<semaphore_mem>>) src(%arg9 : memref<128x16xf32, #tpu.memory_space<vmem>>) dst(%dma_wait3A_709 : memref<100096x16xf32, #tpu.memory_space<vmem_shared>>)
      %dma_start3A_710 = arith.constant 49 : i32
      %dma_start3A_711 = arith.constant 0 : i32
      %dma_start3A_712 = tpu.memref_slice %arg8[%dma_start3A_710, %dma_start3A_711] : memref<56x128xi32, #tpu.memory_space<vmem>> -> memref<1x128xi32, #tpu.memory_space<vmem>>
      %dma_start3A_713 = tpu.memref_squeeze %dma_start3A_712 : memref<1x128xi32, #tpu.memory_space<vmem>> -> memref<128xi32, #tpu.memory_space<vmem>>
      %dma_start3A_714 = arith.constant 0 : i32
      %dma_start3A_715 = arith.constant 0 : i32
      %dma_start3A_716 = tpu.memref_slice %arg7[%dma_start3A_714, %dma_start3A_715] : memref<100096x16xf32, #tpu.memory_space<vmem_shared>> -> memref<100096x16xf32, #tpu.memory_space<vmem_shared>>
      tpu.enqueue_indirect_dma source(%arg9 : memref<128x16xf32, #tpu.memory_space<vmem>>) target(%dma_start3A_716 : memref<100096x16xf32, #tpu.memory_space<vmem_shared>>) offsets(%dma_start3A_713 : memref<128xi32, #tpu.memory_space<vmem>>) semaphore(%arg11 : memref<!tpu.dma_semaphore, #tpu.memory_space<semaphore_mem>>) {add = true}
      %dma_wait3A_717 = arith.constant 46 : i32
      %dma_wait3A_718 = arith.constant 0 : i32
      %dma_wait3A_719 = tpu.memref_slice %arg8[%dma_wait3A_717, %dma_wait3A_718] : memref<56x128xi32, #tpu.memory_space<vmem>> -> memref<1x128xi32, #tpu.memory_space<vmem>>
      %dma_wait3A_720 = tpu.memref_squeeze %dma_wait3A_719 : memref<1x128xi32, #tpu.memory_space<vmem>> -> memref<128xi32, #tpu.memory_space<vmem>>
      %dma_wait3A_721 = arith.constant 0 : i32
      %dma_wait3A_722 = arith.constant 0 : i32
      %dma_wait3A_723 = tpu.memref_slice %arg7[%dma_wait3A_721, %dma_wait3A_722] : memref<100096x16xf32, #tpu.memory_space<vmem_shared>> -> memref<100096x16xf32, #tpu.memory_space<vmem_shared>>
      tpu.wait_indirect_dma semaphore(%arg12 : memref<!tpu.dma_semaphore, #tpu.memory_space<semaphore_mem>>) src(%arg9 : memref<128x16xf32, #tpu.memory_space<vmem>>) dst(%dma_wait3A_723 : memref<100096x16xf32, #tpu.memory_space<vmem_shared>>)
      %dma_start3A_724 = arith.constant 50 : i32
      %dma_start3A_725 = arith.constant 0 : i32
      %dma_start3A_726 = tpu.memref_slice %arg8[%dma_start3A_724, %dma_start3A_725] : memref<56x128xi32, #tpu.memory_space<vmem>> -> memref<1x128xi32, #tpu.memory_space<vmem>>
      %dma_start3A_727 = tpu.memref_squeeze %dma_start3A_726 : memref<1x128xi32, #tpu.memory_space<vmem>> -> memref<128xi32, #tpu.memory_space<vmem>>
      %dma_start3A_728 = arith.constant 0 : i32
      %dma_start3A_729 = arith.constant 0 : i32
      %dma_start3A_730 = tpu.memref_slice %arg7[%dma_start3A_728, %dma_start3A_729] : memref<100096x16xf32, #tpu.memory_space<vmem_shared>> -> memref<100096x16xf32, #tpu.memory_space<vmem_shared>>
      tpu.enqueue_indirect_dma source(%arg9 : memref<128x16xf32, #tpu.memory_space<vmem>>) target(%dma_start3A_730 : memref<100096x16xf32, #tpu.memory_space<vmem_shared>>) offsets(%dma_start3A_727 : memref<128xi32, #tpu.memory_space<vmem>>) semaphore(%arg12 : memref<!tpu.dma_semaphore, #tpu.memory_space<semaphore_mem>>) {add = true}
      %dma_wait3A_731 = arith.constant 47 : i32
      %dma_wait3A_732 = arith.constant 0 : i32
      %dma_wait3A_733 = tpu.memref_slice %arg8[%dma_wait3A_731, %dma_wait3A_732] : memref<56x128xi32, #tpu.memory_space<vmem>> -> memref<1x128xi32, #tpu.memory_space<vmem>>
      %dma_wait3A_734 = tpu.memref_squeeze %dma_wait3A_733 : memref<1x128xi32, #tpu.memory_space<vmem>> -> memref<128xi32, #tpu.memory_space<vmem>>
      %dma_wait3A_735 = arith.constant 0 : i32
      %dma_wait3A_736 = arith.constant 0 : i32
      %dma_wait3A_737 = tpu.memref_slice %arg7[%dma_wait3A_735, %dma_wait3A_736] : memref<100096x16xf32, #tpu.memory_space<vmem_shared>> -> memref<100096x16xf32, #tpu.memory_space<vmem_shared>>
      tpu.wait_indirect_dma semaphore(%arg13 : memref<!tpu.dma_semaphore, #tpu.memory_space<semaphore_mem>>) src(%arg9 : memref<128x16xf32, #tpu.memory_space<vmem>>) dst(%dma_wait3A_737 : memref<100096x16xf32, #tpu.memory_space<vmem_shared>>)
      %dma_start3A_738 = arith.constant 51 : i32
      %dma_start3A_739 = arith.constant 0 : i32
      %dma_start3A_740 = tpu.memref_slice %arg8[%dma_start3A_738, %dma_start3A_739] : memref<56x128xi32, #tpu.memory_space<vmem>> -> memref<1x128xi32, #tpu.memory_space<vmem>>
      %dma_start3A_741 = tpu.memref_squeeze %dma_start3A_740 : memref<1x128xi32, #tpu.memory_space<vmem>> -> memref<128xi32, #tpu.memory_space<vmem>>
      %dma_start3A_742 = arith.constant 0 : i32
      %dma_start3A_743 = arith.constant 0 : i32
      %dma_start3A_744 = tpu.memref_slice %arg7[%dma_start3A_742, %dma_start3A_743] : memref<100096x16xf32, #tpu.memory_space<vmem_shared>> -> memref<100096x16xf32, #tpu.memory_space<vmem_shared>>
      tpu.enqueue_indirect_dma source(%arg9 : memref<128x16xf32, #tpu.memory_space<vmem>>) target(%dma_start3A_744 : memref<100096x16xf32, #tpu.memory_space<vmem_shared>>) offsets(%dma_start3A_741 : memref<128xi32, #tpu.memory_space<vmem>>) semaphore(%arg13 : memref<!tpu.dma_semaphore, #tpu.memory_space<semaphore_mem>>) {add = true}
      %dma_wait3A_745 = arith.constant 48 : i32
      %dma_wait3A_746 = arith.constant 0 : i32
      %dma_wait3A_747 = tpu.memref_slice %arg8[%dma_wait3A_745, %dma_wait3A_746] : memref<56x128xi32, #tpu.memory_space<vmem>> -> memref<1x128xi32, #tpu.memory_space<vmem>>
      %dma_wait3A_748 = tpu.memref_squeeze %dma_wait3A_747 : memref<1x128xi32, #tpu.memory_space<vmem>> -> memref<128xi32, #tpu.memory_space<vmem>>
      %dma_wait3A_749 = arith.constant 0 : i32
      %dma_wait3A_750 = arith.constant 0 : i32
      %dma_wait3A_751 = tpu.memref_slice %arg7[%dma_wait3A_749, %dma_wait3A_750] : memref<100096x16xf32, #tpu.memory_space<vmem_shared>> -> memref<100096x16xf32, #tpu.memory_space<vmem_shared>>
      tpu.wait_indirect_dma semaphore(%arg10 : memref<!tpu.dma_semaphore, #tpu.memory_space<semaphore_mem>>) src(%arg9 : memref<128x16xf32, #tpu.memory_space<vmem>>) dst(%dma_wait3A_751 : memref<100096x16xf32, #tpu.memory_space<vmem_shared>>)
      %dma_start3A_752 = arith.constant 52 : i32
      %dma_start3A_753 = arith.constant 0 : i32
      %dma_start3A_754 = tpu.memref_slice %arg8[%dma_start3A_752, %dma_start3A_753] : memref<56x128xi32, #tpu.memory_space<vmem>> -> memref<1x128xi32, #tpu.memory_space<vmem>>
      %dma_start3A_755 = tpu.memref_squeeze %dma_start3A_754 : memref<1x128xi32, #tpu.memory_space<vmem>> -> memref<128xi32, #tpu.memory_space<vmem>>
      %dma_start3A_756 = arith.constant 0 : i32
      %dma_start3A_757 = arith.constant 0 : i32
      %dma_start3A_758 = tpu.memref_slice %arg7[%dma_start3A_756, %dma_start3A_757] : memref<100096x16xf32, #tpu.memory_space<vmem_shared>> -> memref<100096x16xf32, #tpu.memory_space<vmem_shared>>
      tpu.enqueue_indirect_dma source(%arg9 : memref<128x16xf32, #tpu.memory_space<vmem>>) target(%dma_start3A_758 : memref<100096x16xf32, #tpu.memory_space<vmem_shared>>) offsets(%dma_start3A_755 : memref<128xi32, #tpu.memory_space<vmem>>) semaphore(%arg10 : memref<!tpu.dma_semaphore, #tpu.memory_space<semaphore_mem>>) {add = true}
      %dma_wait3A_759 = arith.constant 49 : i32
      %dma_wait3A_760 = arith.constant 0 : i32
      %dma_wait3A_761 = tpu.memref_slice %arg8[%dma_wait3A_759, %dma_wait3A_760] : memref<56x128xi32, #tpu.memory_space<vmem>> -> memref<1x128xi32, #tpu.memory_space<vmem>>
      %dma_wait3A_762 = tpu.memref_squeeze %dma_wait3A_761 : memref<1x128xi32, #tpu.memory_space<vmem>> -> memref<128xi32, #tpu.memory_space<vmem>>
      %dma_wait3A_763 = arith.constant 0 : i32
      %dma_wait3A_764 = arith.constant 0 : i32
      %dma_wait3A_765 = tpu.memref_slice %arg7[%dma_wait3A_763, %dma_wait3A_764] : memref<100096x16xf32, #tpu.memory_space<vmem_shared>> -> memref<100096x16xf32, #tpu.memory_space<vmem_shared>>
      tpu.wait_indirect_dma semaphore(%arg11 : memref<!tpu.dma_semaphore, #tpu.memory_space<semaphore_mem>>) src(%arg9 : memref<128x16xf32, #tpu.memory_space<vmem>>) dst(%dma_wait3A_765 : memref<100096x16xf32, #tpu.memory_space<vmem_shared>>)
      %dma_start3A_766 = arith.constant 53 : i32
      %dma_start3A_767 = arith.constant 0 : i32
      %dma_start3A_768 = tpu.memref_slice %arg8[%dma_start3A_766, %dma_start3A_767] : memref<56x128xi32, #tpu.memory_space<vmem>> -> memref<1x128xi32, #tpu.memory_space<vmem>>
      %dma_start3A_769 = tpu.memref_squeeze %dma_start3A_768 : memref<1x128xi32, #tpu.memory_space<vmem>> -> memref<128xi32, #tpu.memory_space<vmem>>
      %dma_start3A_770 = arith.constant 0 : i32
      %dma_start3A_771 = arith.constant 0 : i32
      %dma_start3A_772 = tpu.memref_slice %arg7[%dma_start3A_770, %dma_start3A_771] : memref<100096x16xf32, #tpu.memory_space<vmem_shared>> -> memref<100096x16xf32, #tpu.memory_space<vmem_shared>>
      tpu.enqueue_indirect_dma source(%arg9 : memref<128x16xf32, #tpu.memory_space<vmem>>) target(%dma_start3A_772 : memref<100096x16xf32, #tpu.memory_space<vmem_shared>>) offsets(%dma_start3A_769 : memref<128xi32, #tpu.memory_space<vmem>>) semaphore(%arg11 : memref<!tpu.dma_semaphore, #tpu.memory_space<semaphore_mem>>) {add = true}
      %dma_wait3A_773 = arith.constant 50 : i32
      %dma_wait3A_774 = arith.constant 0 : i32
      %dma_wait3A_775 = tpu.memref_slice %arg8[%dma_wait3A_773, %dma_wait3A_774] : memref<56x128xi32, #tpu.memory_space<vmem>> -> memref<1x128xi32, #tpu.memory_space<vmem>>
      %dma_wait3A_776 = tpu.memref_squeeze %dma_wait3A_775 : memref<1x128xi32, #tpu.memory_space<vmem>> -> memref<128xi32, #tpu.memory_space<vmem>>
      %dma_wait3A_777 = arith.constant 0 : i32
      %dma_wait3A_778 = arith.constant 0 : i32
      %dma_wait3A_779 = tpu.memref_slice %arg7[%dma_wait3A_777, %dma_wait3A_778] : memref<100096x16xf32, #tpu.memory_space<vmem_shared>> -> memref<100096x16xf32, #tpu.memory_space<vmem_shared>>
      tpu.wait_indirect_dma semaphore(%arg12 : memref<!tpu.dma_semaphore, #tpu.memory_space<semaphore_mem>>) src(%arg9 : memref<128x16xf32, #tpu.memory_space<vmem>>) dst(%dma_wait3A_779 : memref<100096x16xf32, #tpu.memory_space<vmem_shared>>)
      %dma_start3A_780 = arith.constant 54 : i32
      %dma_start3A_781 = arith.constant 0 : i32
      %dma_start3A_782 = tpu.memref_slice %arg8[%dma_start3A_780, %dma_start3A_781] : memref<56x128xi32, #tpu.memory_space<vmem>> -> memref<1x128xi32, #tpu.memory_space<vmem>>
      %dma_start3A_783 = tpu.memref_squeeze %dma_start3A_782 : memref<1x128xi32, #tpu.memory_space<vmem>> -> memref<128xi32, #tpu.memory_space<vmem>>
      %dma_start3A_784 = arith.constant 0 : i32
      %dma_start3A_785 = arith.constant 0 : i32
      %dma_start3A_786 = tpu.memref_slice %arg7[%dma_start3A_784, %dma_start3A_785] : memref<100096x16xf32, #tpu.memory_space<vmem_shared>> -> memref<100096x16xf32, #tpu.memory_space<vmem_shared>>
      tpu.enqueue_indirect_dma source(%arg9 : memref<128x16xf32, #tpu.memory_space<vmem>>) target(%dma_start3A_786 : memref<100096x16xf32, #tpu.memory_space<vmem_shared>>) offsets(%dma_start3A_783 : memref<128xi32, #tpu.memory_space<vmem>>) semaphore(%arg12 : memref<!tpu.dma_semaphore, #tpu.memory_space<semaphore_mem>>) {add = true}
      %dma_wait3A_787 = arith.constant 51 : i32
      %dma_wait3A_788 = arith.constant 0 : i32
      %dma_wait3A_789 = tpu.memref_slice %arg8[%dma_wait3A_787, %dma_wait3A_788] : memref<56x128xi32, #tpu.memory_space<vmem>> -> memref<1x128xi32, #tpu.memory_space<vmem>>
      %dma_wait3A_790 = tpu.memref_squeeze %dma_wait3A_789 : memref<1x128xi32, #tpu.memory_space<vmem>> -> memref<128xi32, #tpu.memory_space<vmem>>
      %dma_wait3A_791 = arith.constant 0 : i32
      %dma_wait3A_792 = arith.constant 0 : i32
      %dma_wait3A_793 = tpu.memref_slice %arg7[%dma_wait3A_791, %dma_wait3A_792] : memref<100096x16xf32, #tpu.memory_space<vmem_shared>> -> memref<100096x16xf32, #tpu.memory_space<vmem_shared>>
      tpu.wait_indirect_dma semaphore(%arg13 : memref<!tpu.dma_semaphore, #tpu.memory_space<semaphore_mem>>) src(%arg9 : memref<128x16xf32, #tpu.memory_space<vmem>>) dst(%dma_wait3A_793 : memref<100096x16xf32, #tpu.memory_space<vmem_shared>>)
      %dma_start3A_794 = arith.constant 55 : i32
      %dma_start3A_795 = arith.constant 0 : i32
      %dma_start3A_796 = tpu.memref_slice %arg8[%dma_start3A_794, %dma_start3A_795] : memref<56x128xi32, #tpu.memory_space<vmem>> -> memref<1x128xi32, #tpu.memory_space<vmem>>
      %dma_start3A_797 = tpu.memref_squeeze %dma_start3A_796 : memref<1x128xi32, #tpu.memory_space<vmem>> -> memref<128xi32, #tpu.memory_space<vmem>>
      %dma_start3A_798 = arith.constant 0 : i32
      %dma_start3A_799 = arith.constant 0 : i32
      %dma_start3A_800 = tpu.memref_slice %arg7[%dma_start3A_798, %dma_start3A_799] : memref<100096x16xf32, #tpu.memory_space<vmem_shared>> -> memref<100096x16xf32, #tpu.memory_space<vmem_shared>>
      tpu.enqueue_indirect_dma source(%arg9 : memref<128x16xf32, #tpu.memory_space<vmem>>) target(%dma_start3A_800 : memref<100096x16xf32, #tpu.memory_space<vmem_shared>>) offsets(%dma_start3A_797 : memref<128xi32, #tpu.memory_space<vmem>>) semaphore(%arg13 : memref<!tpu.dma_semaphore, #tpu.memory_space<semaphore_mem>>) {add = true}
      %dma_wait3A_801 = arith.constant 52 : i32
      %dma_wait3A_802 = arith.constant 0 : i32
      %dma_wait3A_803 = tpu.memref_slice %arg8[%dma_wait3A_801, %dma_wait3A_802] : memref<56x128xi32, #tpu.memory_space<vmem>> -> memref<1x128xi32, #tpu.memory_space<vmem>>
      %dma_wait3A_804 = tpu.memref_squeeze %dma_wait3A_803 : memref<1x128xi32, #tpu.memory_space<vmem>> -> memref<128xi32, #tpu.memory_space<vmem>>
      %dma_wait3A_805 = arith.constant 0 : i32
      %dma_wait3A_806 = arith.constant 0 : i32
      %dma_wait3A_807 = tpu.memref_slice %arg7[%dma_wait3A_805, %dma_wait3A_806] : memref<100096x16xf32, #tpu.memory_space<vmem_shared>> -> memref<100096x16xf32, #tpu.memory_space<vmem_shared>>
      tpu.wait_indirect_dma semaphore(%arg10 : memref<!tpu.dma_semaphore, #tpu.memory_space<semaphore_mem>>) src(%arg9 : memref<128x16xf32, #tpu.memory_space<vmem>>) dst(%dma_wait3A_807 : memref<100096x16xf32, #tpu.memory_space<vmem_shared>>)
      %dma_wait3A_808 = arith.constant 53 : i32
      %dma_wait3A_809 = arith.constant 0 : i32
      %dma_wait3A_810 = tpu.memref_slice %arg8[%dma_wait3A_808, %dma_wait3A_809] : memref<56x128xi32, #tpu.memory_space<vmem>> -> memref<1x128xi32, #tpu.memory_space<vmem>>
      %dma_wait3A_811 = tpu.memref_squeeze %dma_wait3A_810 : memref<1x128xi32, #tpu.memory_space<vmem>> -> memref<128xi32, #tpu.memory_space<vmem>>
      %dma_wait3A_812 = arith.constant 0 : i32
      %dma_wait3A_813 = arith.constant 0 : i32
      %dma_wait3A_814 = tpu.memref_slice %arg7[%dma_wait3A_812, %dma_wait3A_813] : memref<100096x16xf32, #tpu.memory_space<vmem_shared>> -> memref<100096x16xf32, #tpu.memory_space<vmem_shared>>
      tpu.wait_indirect_dma semaphore(%arg11 : memref<!tpu.dma_semaphore, #tpu.memory_space<semaphore_mem>>) src(%arg9 : memref<128x16xf32, #tpu.memory_space<vmem>>) dst(%dma_wait3A_814 : memref<100096x16xf32, #tpu.memory_space<vmem_shared>>)
      %dma_wait3A_815 = arith.constant 54 : i32
      %dma_wait3A_816 = arith.constant 0 : i32
      %dma_wait3A_817 = tpu.memref_slice %arg8[%dma_wait3A_815, %dma_wait3A_816] : memref<56x128xi32, #tpu.memory_space<vmem>> -> memref<1x128xi32, #tpu.memory_space<vmem>>
      %dma_wait3A_818 = tpu.memref_squeeze %dma_wait3A_817 : memref<1x128xi32, #tpu.memory_space<vmem>> -> memref<128xi32, #tpu.memory_space<vmem>>
      %dma_wait3A_819 = arith.constant 0 : i32
      %dma_wait3A_820 = arith.constant 0 : i32
      %dma_wait3A_821 = tpu.memref_slice %arg7[%dma_wait3A_819, %dma_wait3A_820] : memref<100096x16xf32, #tpu.memory_space<vmem_shared>> -> memref<100096x16xf32, #tpu.memory_space<vmem_shared>>
      tpu.wait_indirect_dma semaphore(%arg12 : memref<!tpu.dma_semaphore, #tpu.memory_space<semaphore_mem>>) src(%arg9 : memref<128x16xf32, #tpu.memory_space<vmem>>) dst(%dma_wait3A_821 : memref<100096x16xf32, #tpu.memory_space<vmem_shared>>)
      %dma_wait3A_822 = arith.constant 55 : i32
      %dma_wait3A_823 = arith.constant 0 : i32
      %dma_wait3A_824 = tpu.memref_slice %arg8[%dma_wait3A_822, %dma_wait3A_823] : memref<56x128xi32, #tpu.memory_space<vmem>> -> memref<1x128xi32, #tpu.memory_space<vmem>>
      %dma_wait3A_825 = tpu.memref_squeeze %dma_wait3A_824 : memref<1x128xi32, #tpu.memory_space<vmem>> -> memref<128xi32, #tpu.memory_space<vmem>>
      %dma_wait3A_826 = arith.constant 0 : i32
      %dma_wait3A_827 = arith.constant 0 : i32
      %dma_wait3A_828 = tpu.memref_slice %arg7[%dma_wait3A_826, %dma_wait3A_827] : memref<100096x16xf32, #tpu.memory_space<vmem_shared>> -> memref<100096x16xf32, #tpu.memory_space<vmem_shared>>
      tpu.wait_indirect_dma semaphore(%arg13 : memref<!tpu.dma_semaphore, #tpu.memory_space<semaphore_mem>>) src(%arg9 : memref<128x16xf32, #tpu.memory_space<vmem>>) dst(%dma_wait3A_828 : memref<100096x16xf32, #tpu.memory_space<vmem_shared>>)
    }
    %scan3A_8 = arith.constant 7 : i32
    %barrier3A_9 = arith.constant 0 : index
    tpu.barrier barrier_id(%barrier3A_9)
    %mul3A_10 = arith.constant 6256 : i32
    %mul3A_11 = arith.muli %arg1, %mul3A_10 : i32
    %eq3A = arith.constant 0 : i32
    %eq3A_12 = arith.cmpi eq, %arg0, %eq3A : i32
    %lt3A = arith.constant 15 : i32
    %lt3A_13 = arith.cmpi slt, %arg1, %lt3A : i32
    %and3A = arith.andi %eq3A_12, %lt3A_13 : i1
    %convert_element_type3A = arith.extui %and3A : i1 to i32
    %cond3A = arith.constant 0 : i32
    %cond3A_14 = arith.cmpi ne, %convert_element_type3A, %cond3A : i32
    scf.if %cond3A_14 {
      "tpu.region"() ({
        %run_scoped3A = tpu.sem_alloc : memref<!tpu.dma_semaphore, #tpu.memory_space<semaphore_mem>>
        %dma_start3A = arith.constant 0 : i32
        %dma_start3A_39 = tpu.memref_slice %arg5[%mul3A_11, %dma_start3A] : memref<100000x16xf32, #tpu.memory_space<hbm>> -> memref<6256x16xf32, #tpu.memory_space<hbm>>
        %dma_start3A_40 = arith.constant 0 : i32
        %dma_start3A_41 = tpu.memref_slice %arg7[%mul3A_11, %dma_start3A_40] : memref<100096x16xf32, #tpu.memory_space<vmem_shared>> -> memref<6256x16xf32, #tpu.memory_space<vmem_shared>>
        tpu.enqueue_dma source(%dma_start3A_41 : memref<6256x16xf32, #tpu.memory_space<vmem_shared>>) target(%dma_start3A_39 : memref<6256x16xf32, #tpu.memory_space<hbm>>) target_semaphore(%run_scoped3A : memref<!tpu.dma_semaphore, #tpu.memory_space<semaphore_mem>>)
        %dma_wait3A = arith.constant 0 : i32
        %dma_wait3A_42 = tpu.memref_slice %arg5[%mul3A_11, %dma_wait3A] : memref<100000x16xf32, #tpu.memory_space<hbm>> -> memref<6256x16xf32, #tpu.memory_space<hbm>>
        %dma_wait3A_43 = arith.constant 0 : i32
        %dma_wait3A_44 = tpu.memref_slice %arg7[%mul3A_11, %dma_wait3A_43] : memref<100096x16xf32, #tpu.memory_space<vmem_shared>> -> memref<6256x16xf32, #tpu.memory_space<vmem_shared>>
        tpu.wait_dma2 semaphore(%run_scoped3A : memref<!tpu.dma_semaphore, #tpu.memory_space<semaphore_mem>>) src(%dma_wait3A_44 : memref<6256x16xf32, #tpu.memory_space<vmem_shared>>) dst(%dma_wait3A_42 : memref<6256x16xf32, #tpu.memory_space<hbm>>)
        tpu.yield
      }) : () -> ()
    } else {
    }
    %eq3A_15 = arith.constant 0 : i32
    %eq3A_16 = arith.cmpi eq, %arg0, %eq3A_15 : i32
    %eq3A_17 = arith.constant 15 : i32
    %eq3A_18 = arith.cmpi eq, %arg1, %eq3A_17 : i32
    %and3A_19 = arith.andi %eq3A_16, %eq3A_18 : i1
    %convert_element_type3A_20 = arith.extui %and3A_19 : i1 to i32
    %cond3A_21 = arith.constant 0 : i32
    %cond3A_22 = arith.cmpi ne, %convert_element_type3A_20, %cond3A_21 : i32
    scf.if %cond3A_22 {
      "tpu.region"() ({
        %run_scoped3A = tpu.sem_alloc : memref<!tpu.dma_semaphore, #tpu.memory_space<semaphore_mem>>
        %dma_start3A = arith.constant 0 : i32
        %dma_start3A_39 = tpu.memref_slice %arg5[%mul3A_11, %dma_start3A] : memref<100000x16xf32, #tpu.memory_space<hbm>> -> memref<6160x16xf32, #tpu.memory_space<hbm>>
        %dma_start3A_40 = arith.constant 0 : i32
        %dma_start3A_41 = tpu.memref_slice %arg7[%mul3A_11, %dma_start3A_40] : memref<100096x16xf32, #tpu.memory_space<vmem_shared>> -> memref<6160x16xf32, #tpu.memory_space<vmem_shared>>
        tpu.enqueue_dma source(%dma_start3A_41 : memref<6160x16xf32, #tpu.memory_space<vmem_shared>>) target(%dma_start3A_39 : memref<6160x16xf32, #tpu.memory_space<hbm>>) target_semaphore(%run_scoped3A : memref<!tpu.dma_semaphore, #tpu.memory_space<semaphore_mem>>)
        %dma_wait3A = arith.constant 0 : i32
        %dma_wait3A_42 = tpu.memref_slice %arg5[%mul3A_11, %dma_wait3A] : memref<100000x16xf32, #tpu.memory_space<hbm>> -> memref<6160x16xf32, #tpu.memory_space<hbm>>
        %dma_wait3A_43 = arith.constant 0 : i32
        %dma_wait3A_44 = tpu.memref_slice %arg7[%mul3A_11, %dma_wait3A_43] : memref<100096x16xf32, #tpu.memory_space<vmem_shared>> -> memref<6160x16xf32, #tpu.memory_space<vmem_shared>>
        tpu.wait_dma2 semaphore(%run_scoped3A : memref<!tpu.dma_semaphore, #tpu.memory_space<semaphore_mem>>) src(%dma_wait3A_44 : memref<6160x16xf32, #tpu.memory_space<vmem_shared>>) dst(%dma_wait3A_42 : memref<6160x16xf32, #tpu.memory_space<hbm>>)
        tpu.yield
      }) : () -> ()
    } else {
    }
    %eq3A_23 = arith.constant 1 : i32
    %eq3A_24 = arith.cmpi eq, %arg0, %eq3A_23 : i32
    %lt3A_25 = arith.constant 15 : i32
    %lt3A_26 = arith.cmpi slt, %arg1, %lt3A_25 : i32
    %and3A_27 = arith.andi %eq3A_24, %lt3A_26 : i1
    %convert_element_type3A_28 = arith.extui %and3A_27 : i1 to i32
    %cond3A_29 = arith.constant 0 : i32
    %cond3A_30 = arith.cmpi ne, %convert_element_type3A_28, %cond3A_29 : i32
    scf.if %cond3A_30 {
      "tpu.region"() ({
        %run_scoped3A = tpu.sem_alloc : memref<!tpu.dma_semaphore, #tpu.memory_space<semaphore_mem>>
        %dma_start3A = arith.constant 0 : i32
        %dma_start3A_39 = tpu.memref_slice %arg6[%mul3A_11, %dma_start3A] : memref<100000x16xf32, #tpu.memory_space<hbm>> -> memref<6256x16xf32, #tpu.memory_space<hbm>>
        %dma_start3A_40 = arith.constant 0 : i32
        %dma_start3A_41 = tpu.memref_slice %arg7[%mul3A_11, %dma_start3A_40] : memref<100096x16xf32, #tpu.memory_space<vmem_shared>> -> memref<6256x16xf32, #tpu.memory_space<vmem_shared>>
        tpu.enqueue_dma source(%dma_start3A_41 : memref<6256x16xf32, #tpu.memory_space<vmem_shared>>) target(%dma_start3A_39 : memref<6256x16xf32, #tpu.memory_space<hbm>>) target_semaphore(%run_scoped3A : memref<!tpu.dma_semaphore, #tpu.memory_space<semaphore_mem>>)
        %dma_wait3A = arith.constant 0 : i32
        %dma_wait3A_42 = tpu.memref_slice %arg6[%mul3A_11, %dma_wait3A] : memref<100000x16xf32, #tpu.memory_space<hbm>> -> memref<6256x16xf32, #tpu.memory_space<hbm>>
        %dma_wait3A_43 = arith.constant 0 : i32
        %dma_wait3A_44 = tpu.memref_slice %arg7[%mul3A_11, %dma_wait3A_43] : memref<100096x16xf32, #tpu.memory_space<vmem_shared>> -> memref<6256x16xf32, #tpu.memory_space<vmem_shared>>
        tpu.wait_dma2 semaphore(%run_scoped3A : memref<!tpu.dma_semaphore, #tpu.memory_space<semaphore_mem>>) src(%dma_wait3A_44 : memref<6256x16xf32, #tpu.memory_space<vmem_shared>>) dst(%dma_wait3A_42 : memref<6256x16xf32, #tpu.memory_space<hbm>>)
        tpu.yield
      }) : () -> ()
    } else {
    }
    %eq3A_31 = arith.constant 1 : i32
    %eq3A_32 = arith.cmpi eq, %arg0, %eq3A_31 : i32
    %eq3A_33 = arith.constant 15 : i32
    %eq3A_34 = arith.cmpi eq, %arg1, %eq3A_33 : i32
    %and3A_35 = arith.andi %eq3A_32, %eq3A_34 : i1
    %convert_element_type3A_36 = arith.extui %and3A_35 : i1 to i32
    %cond3A_37 = arith.constant 0 : i32
    %cond3A_38 = arith.cmpi ne, %convert_element_type3A_36, %cond3A_37 : i32
    scf.if %cond3A_38 {
      "tpu.region"() ({
        %run_scoped3A = tpu.sem_alloc : memref<!tpu.dma_semaphore, #tpu.memory_space<semaphore_mem>>
        %dma_start3A = arith.constant 0 : i32
        %dma_start3A_39 = tpu.memref_slice %arg6[%mul3A_11, %dma_start3A] : memref<100000x16xf32, #tpu.memory_space<hbm>> -> memref<6160x16xf32, #tpu.memory_space<hbm>>
        %dma_start3A_40 = arith.constant 0 : i32
        %dma_start3A_41 = tpu.memref_slice %arg7[%mul3A_11, %dma_start3A_40] : memref<100096x16xf32, #tpu.memory_space<vmem_shared>> -> memref<6160x16xf32, #tpu.memory_space<vmem_shared>>
        tpu.enqueue_dma source(%dma_start3A_41 : memref<6160x16xf32, #tpu.memory_space<vmem_shared>>) target(%dma_start3A_39 : memref<6160x16xf32, #tpu.memory_space<hbm>>) target_semaphore(%run_scoped3A : memref<!tpu.dma_semaphore, #tpu.memory_space<semaphore_mem>>)
        %dma_wait3A = arith.constant 0 : i32
        %dma_wait3A_42 = tpu.memref_slice %arg6[%mul3A_11, %dma_wait3A] : memref<100000x16xf32, #tpu.memory_space<hbm>> -> memref<6160x16xf32, #tpu.memory_space<hbm>>
        %dma_wait3A_43 = arith.constant 0 : i32
        %dma_wait3A_44 = tpu.memref_slice %arg7[%mul3A_11, %dma_wait3A_43] : memref<100096x16xf32, #tpu.memory_space<vmem_shared>> -> memref<6160x16xf32, #tpu.memory_space<vmem_shared>>
        tpu.wait_dma2 semaphore(%run_scoped3A : memref<!tpu.dma_semaphore, #tpu.memory_space<semaphore_mem>>) src(%dma_wait3A_44 : memref<6160x16xf32, #tpu.memory_space<vmem_shared>>) dst(%dma_wait3A_42 : memref<6160x16xf32, #tpu.memory_space<hbm>>)
        tpu.yield
      }) : () -> ()
    } else {
    }
    return
  }
}

</mosaic_0001>

<sc_bundles>
// kernel: _sc_deg.3.cloned.1.call-start
scs
__scs_entry_jumppad:
0x0: {  	(pc) =	sbr.rel $0x88, $3  }
0x1: {  	(tag) =	ssettag $0x0;
	lr =	simm.s32 $0x1  }
0x2: {  	[smem:$0x3F9E] =	sst lr;
	_ =	strace $0xD0000000  }
0x3: {  	_ = 	snop  }
0x4: {  	_ = 	snop  }
0x5: {  	_ = 	snop  }
0x6: {  	_ = 	snop  }
0x7: {  	_ = 	snop  }
__scs_overlays_trampoline_lowered:
0x8: {  	[smem:$0x3FAD] =	sst s0  }
0x9: {  	[smem:$0x3FAE] =	sst s1  }
0xa: {  	[smem:$0x3FAF] =	sst s2  }
0xb: {  	[smem:$0x3FB0] =	sst s3  }
0xc: {  	[smem:$0x3FB1] =	sst s4  }
0xd: {  	[smem:$0x3FB2] =	sst s5  }
0xe: {  	[smem:$0x3FB3] =	sst s6  }
0xf: {  	[smem:$0x3FB4] =	sst s7  }
0x10: {  	[smem:$0x3FB5] =	sst s8  }
0x11: {  	[smem:$0x3FB6] =	sst s9;
	s0 =	simm.s32 @!p0 $0x0  }
0x12: {  	s1 =	sld [smem:$0x3F9C];
	s0 =	simm.s32 @p0 $0x1  }
0x13: {  	[smem:$0x3FB7] =	sst s0;
	s0 =	simm.s32 @!p1 $0x0  }
0x14: {  	s2 =	sld [smem:$0x3F9B];
	s0 =	simm.s32 @p1 $0x1  }
0x15: {  	[smem:$0x3FB8] =	sst s0;
	s0 =	simm.s32 @!p2 $0x0  }
0x16: {  	s3 =	sld [smem:$0x3FDB];
	s0 =	simm.s32 @p2 $0x1  }
0x17: {  	s4 =	simm.s32 $0x1BF5;
	[smem:$0x3FBA] =	sst s0  }
0x18: {  	s0 =	sld [smem:$0x3F9D];
	_ =	swait.ge [sflag:s4], $0x0  }
0x19: {  	s7 =	sld [smem:$0x3F9E]  }
0x1a: {  	s8 =	sadd.s32 $0xFFFFE003, lr  }
0x1b: {  	s9 =	sadd.s32 $0xFFFFFEF7, lr;
	s5 =	simm.s32 $0xFFFFFFFF;
	p2 =	slt.u32 s8, $0xFFFFF086  }
0x1c: {  	p1 =	slt.u32 s9, $0xF7A;
	s5 =	simm.s32 @!p2 $0x0  }
0x1d: {  	s5 =	simm.s32 @p1 $0x1;
	p0 =	seq.s32 s7, s2  }
0x1e: {  	s7 =	smul.u32 @!p0 $0xF7A, s2;
	p2 =	seq.s32 @!p0 s5, $0x0  }
0x1f: {  	s9 =	smul.u32 $0xF7A, s1;
	s8 =	simm.s32 @!p0 $0x1BF5;
	p2 =	por !p2, p0  }
0x20: {  	[sflag:s8] =	ssyncset.s32 @!p0 $0xFFFFF086;
	s6 =	sadd.s32 @!p0 s3, s7;
	s7 =	simm.s32 @!p0 $0x108  }
0x21: {  	s3 =	sadd.s32 s3, s9;
	s6 =	sadd.s32 @!p0 $0x88, s6;
	s7 =	simm.s32 @p2 $0x1082  }
0x22: {  	[simem:s7], [sflag:s8] =	dma.local @!p0 [hbm:s6], $0xF7A  }
0x23: {  	s9 =	sor.u32 $0xD0000000, s2;
	s6 =	simm.s32 $0x108;
	_ =	swait.ge @!p0 [sflag:s8], $0x0  }
0x24: {  	s3 =	sadd.s32 $0x88, s3;
	s6 =	simm.s32 @!p1 $0x1082;
	[sflag:s4] =	ssyncset.s32 $0xFFFFF086  }
0x25: {  	[simem:s6], [sflag:s4] =	dma.local [hbm:s3], $0xF7A  }
0x26: {  	[smem:$0x3F9E] =	sst s1;
	(tag) =	ssettag s2;
	_ =	strace s9  }
0x27: {  	s1 =	sld [smem:$0x3FAE]  }
0x28: {  	s2 =	sld [smem:$0x3FAF]  }
0x29: {  	s4 =	sld [smem:$0x3FB1]  }
0x2a: {  	p0 =	seq.s32 s5, $0x0;
	s5 =	sld [smem:$0x3FB2]  }
0x2b: {  	s6 =	sld [smem:$0x3FB3]  }
0x2c: {  	s7 =	sld [smem:$0x3FB4]  }
0x2d: {  	s3 =	simm.s32 $0x108;
	s8 =	sld [smem:$0x3FB5]  }
0x2e: {  	s3 =	simm.s32 @!p0 $0x1082;
	s9 =	sld [smem:$0x3FB6]  }
0x2f: {  	lr =	sadd.s32 s0, s3;
	s0 =	sld [smem:$0x3FAD]  }
0x30: {  	s3 =	sld [smem:$0x3FB0]  }
0x31: {  	[smem:$0x3FB9] =	sst s10  }
0x32: {  	s10 =	sld [smem:$0x3FB7];
	_ =	sdelay $0x3  }
0x33: {  	p0 =	seq.s32 s10, $0x1;
	s10 =	sld [smem:$0x3FB9];
	_ =	sdelay $0x3  }
0x34: {  	[smem:$0x3FB9] =	sst s10  }
0x35: {  	s10 =	sld [smem:$0x3FB8];
	_ =	sdelay $0x3  }
0x36: {  	p1 =	seq.s32 s10, $0x1;
	s10 =	sld [smem:$0x3FB9];
	_ =	sdelay $0x3  }
0x37: {  	[smem:$0x3FB9] =	sst s10  }
0x38: {  	s10 =	sld [smem:$0x3FBA]  }
0x39: {  	_ = 	snop;
	(pc) =	sbr.ind lr, $3  }
0x3a: {  	_ = 	snop  }
0x3b: {  	_ = 	snop  }
0x3c: {  	p2 =	seq.s32 s10, $0x1;
	s10 =	sld [smem:$0x3FB9]  }
0x3d: {  	_ =	shalt  }
0x3e: {  	_ =	shalt  }
0x3f: {  	_ =	shalt  }
0x40: {  	_ =	shalt  }
0x41: {  	_ =	shalt  }
0x42: {  	_ =	shalt  }
0x43: {  	_ =	shalt  }
0x44: {  	_ =	shalt  }
0x45: {  	_ =	shalt  }
0x46: {  	_ =	shalt  }
0x47: {  	_ =	shalt  }
0x48: {  	_ =	shalt  }
0x49: {  	_ =	shalt  }
0x4a: {  	_ =	shalt  }
0x4b: {  	_ =	shalt  }
0x4c: {  	_ =	shalt  }
0x4d: {  	_ =	shalt  }
0x4e: {  	_ =	shalt  }
0x4f: {  	_ =	shalt  }
0x50: {  	_ =	shalt  }
0x51: {  	_ =	shalt  }
0x52: {  	_ =	shalt  }
0x53: {  	_ =	shalt  }
0x54: {  	_ =	shalt  }
0x55: {  	_ =	shalt  }
0x56: {  	_ =	shalt  }
0x57: {  	_ =	shalt  }
0x58: {  	_ =	shalt  }
0x59: {  	_ =	shalt  }
0x5a: {  	_ =	shalt  }
0x5b: {  	_ =	shalt  }
0x5c: {  	_ =	shalt  }
0x5d: {  	_ =	shalt  }
0x5e: {  	_ =	shalt  }
0x5f: {  	_ =	shalt  }
0x60: {  	_ =	shalt  }
0x61: {  	_ =	shalt  }
0x62: {  	_ =	shalt  }
0x63: {  	_ =	shalt  }
0x64: {  	_ =	shalt  }
0x65: {  	_ =	shalt  }
0x66: {  	_ =	shalt  }
0x67: {  	_ =	shalt  }
0x68: {  	_ =	shalt  }
0x69: {  	_ =	shalt  }
0x6a: {  	_ =	shalt  }
0x6b: {  	_ =	shalt  }
0x6c: {  	_ =	shalt  }
0x6d: {  	_ =	shalt  }
0x6e: {  	_ =	shalt  }
0x6f: {  	_ =	shalt  }
0x70: {  	_ =	shalt  }
0x71: {  	_ =	shalt  }
0x72: {  	_ =	shalt  }
0x73: {  	_ =	shalt  }
0x74: {  	_ =	shalt  }
0x75: {  	_ =	shalt  }
0x76: {  	_ =	shalt  }
0x77: {  	_ =	shalt  }
0x78: {  	_ =	shalt  }
0x79: {  	_ =	shalt  }
0x7a: {  	_ =	shalt  }
0x7b: {  	_ =	shalt  }
0x7c: {  	_ =	shalt  }
0x7d: {  	_ =	shalt  }
0x7e: {  	_ =	shalt  }
0x7f: {  	_ =	shalt  }
0x80: {  	_ =	shalt  }
0x81: {  	_ =	shalt  }
0x82: {  	_ =	shalt  }
0x83: {  	_ =	shalt  }
0x84: {  	_ =	shalt  }
0x85: {  	_ =	shalt  }
0x86: {  	_ =	shalt  }
0x87: {  	_ =	shalt  }
.Lfunc_end0:
.L_simem_size_0:
called_computation_lowered:
.L_overlay_start_0:
0x88: {  	s2 =	sld [smem:$0x3FD9]  }
0x89: {  	s3 =	sld [smem:$0x3FFE];
	_ =	sdelay $0x1  }
0x8a: {  	s1 =	srdreg.scid  }
0x8b: {  	s0 =	sand.u32 $0x1, s1  }
0x8c: {  	s14 =	sshll.u32 s0, $0xA;
	s2 =	sadd.s32 s3, s2  }
0x8d: {  	s2 =	sadd.s32 s2, s14  }
0x8e: {  	[smem:$0x3FC5] =	sst s2  }
0x8f: {  	_ = 	snop  }
0x90: {  	s2 =	sld [smem:$0x3FD0];
	_ =	sdelay $0x2  }
0x91: {  	s4 =	simm.s32 $0xA;
	s5 =	simm.s32 $0x10;
	s15 =	sld [smem:$0x3FC9]  }
0x92: {  	[smem:s5], [sflag:s4] =	dma.local [hbm:s2], $0x1  }
0x93: {  	_ =	swait.eq [sflag:s4], $0x1  }
0x94: {  	[sflag:s4] =	ssyncset.done $0x0  }
0x95: {  	s16 =	sld [smem:$0x10];
	[sflag:s4] =	ssyncadd.s32 $0xFFFFFFFF  }
0x96: {  	s17 =	sld [smem:$0x11];
	(tm) =	ssettm $0x1  }
0x97: {  	s18 =	sld [smem:$0x3FFB];
	_ =	sdelay $0x3  }
0x98: {  	_ =	strace s18  }
0x99: {  	s5 =	sld [smem:$0x3FFC];
	_ =	sdelay $0x3  }
0x9a: {  	_ =	strace s5  }
0x9b: {  	s5 =	sld [smem:$0x3FFD];
	_ =	sdelay $0x3  }
0x9c: {  	_ =	strace s5  }
0x9d: {  	_ =	strace $0x8FFFFFFF  }
0x9e: {  	s19 =	sld [smem:$0x3FDB];
	_ =	sdelay $0x1  }
0x9f: {  	s6 =	simm.s32 $_scs_section_size  }
0xa0: {  	s7 =	simm.s32 $_size__tile_overlayer_lowered;
	s8 =	simm.s32 $_tile_overlayer_lowered  }
0xa1: {  	s22 =	simm.s32 $0x1BFF;
	s21 =	sshll.u32 s8, $0x1;
	s5 =	sadd.s32 s6, s19  }
0xa2: {  	s9 =	simm.s32 $0x0;
	s20 =	sshll.u32 s7, $0x1;
	s7 =	sadd.s32 s21, s5  }
0xa3: {  	[timem:s9], [sflag:s22] =	dma.local [hbm:s7], s20  }
0xa4: {  	_ =	swait.ge [sflag:s22], s20  }
0xa5: {  	s6 =	ssub.s32 $0x0, s20;
	[sflag:s22] =	ssyncset.done $0x0  }
0xa6: {  	[sflag:s22] =	ssyncadd.s32 s6;
	_ =	sdelay $0x1  }
0xa7: {  	s23 =	simm.s32 $0x1B8B  }
0xa8: {  	_ =	swait.ge [sflag:s23], $0x1  }
0xa9: {  	[sflag:s23] =	ssyncset.done $0x0  }
0xaa: {  	s25 =	simm.s32 $0x1B8E;
	s24 =	sld [smem:$0x3FFE];
	[sflag:s23] =	ssyncadd.s32 $0xFFFFFFFF  }
0xab: {  	s26 =	simm.s32 $execute0_lowered;
	[smem:$0x3FD2] =	sst s25  }
0xac: {  	s7 =	sshll.u32 s26, $0x1;
	_ =	strace $0x80000046;
	[dreg:$0x1] =	wrdreg $0xFFFFFFFF  }
0xad: {  	s28 =	simm.s32 $_size_execute0_lowered;
	s5 =	sadd.s32 s5, s7;
	[dreg:$0x0] =	wrdreg $0x0  }
0xae: {  	s7 =	sshll.u32 s28, $0x1;
	[dreg:$0x2] =	wrdreg s5  }
0xaf: {  	[dreg:$0x3] =	wrdreg s7  }
0xb0: {  	[dreg:$0x4] =	wrdreg $0xC0  }
0xb1: {  	_ =	task [dreg:s9], $0x5FFFF  }
0xb2: {  	[dreg:$0x1] =	wrdreg $0xFFFFFFFF  }
0xb3: {  	[dreg:$0x0] =	wrdreg $0x60  }
0xb4: {  	[dreg:$0x2] =	wrdreg s15  }
0xb5: {  	[dreg:$0x3] =	wrdreg s24  }
0xb6: {  	[dreg:$0x4] =	wrdreg s16  }
0xb7: {  	[dreg:$0x5] =	wrdreg s17  }
0xb8: {  	[dreg:$0x6] =	wrdreg $0x0  }
0xb9: {  	[dreg:$0x7] =	wrdreg $0x9  }
0xba: {  	_ =	task.clear_ibuf [dreg:s9], $0x8FFFF;
	_ =	strace $0x90000046  }
0xbb: {  	s29 =	simm.s32 $0x9;
	_ =	strace $0x80000048  }
0xbc: {  	_ =	swait.ge [sflag:s29], $0x1  }
0xbd: {  	[sflag:s29] =	ssyncadd.s32 $0xFFFFFFFF  }
0xbe: {  	_ =	strace $0x90000048  }
0xbf: {  	_ =	sfence  }
0xc0: {  	s30 =	sld [smem:$0x0];
	_ =	sdelay $0x2  }
0xc1: {  	s31 =	sshll.u32 s1, $0xD;
	s1 =	sshrl.u32 s1, $0x2  }
0xc2: {  	s3 =	sand.u32 $0x4000, s31;
	s1 =	sadd.s32 s1, s30  }
0xc3: {  	s0 =	sor.u32 s3, s0;
	s1 =	sshll.u32 s1, $0x11  }
0xc4: {  	s0 =	sor.u32 s1, s0  }
0xc5: {  	s0 =	sadd.s32 $0x8F2B, s0  }
0xc6: {  	[sflag:s0] =	ssyncadd.remote.s32 $0x1  }
0xc7: {  	_ =	sfence.sel $0xFFFF  }
0xc8: {  	[dreg:$0x0] =	wrdreg $0xFFFFFFFF;
	(pc) =	sbr.abs _section_cstart, $3  }
0xc9: {  	[dreg:$0x1] =	wrdreg $0xFFFFFFFF  }
0xca: {  	_ =	task.clear_ibuf [dreg:s9], $0x2FFFF;
	_ =	strace $0x9FFFFFFF  }
0xcb: {  	(tm) =	ssettm $0x7FFFFFFF  }
tec
execute0_lowered:
.L_overlay_start_1:
0x0: {  	(tag) =	ssettag $0x1  }
0x1: {  	s1 =	rddreg [dreg:$0x0]  }
0x2: {  	s2 =	rddreg [dreg:$0x1]  }
0x3: {  	s7 =	rddreg [dreg:$0x2]  }
0x4: {  	s8 =	rddreg [dreg:$0x3]  }
0x5: {  	s4 =	rddreg [dreg:$0x4];
	s12 =	simm.s32 $0x0  }
0x6: {  	s20 =	simm.s32 $0x18780;
	[smem:$0x7FF] =	sst s12  }
0x7: {  	s21 =	simm.s32 $0x18800;
	_ =	strace $0x80000047;
	[dreg:$0x7] =	wrdreg s20  }
0x8: {  	s22 =	simm.s32 $0x18880;
	[dreg:$0x8] =	wrdreg s21  }
0x9: {  	s23 =	simm.s32 $0x18900;
	[dreg:$0x9] =	wrdreg s22  }
0xa: {  	s24 =	simm.s32 $0x18980;
	[dreg:$0xa] =	wrdreg s23  }
0xb: {  	s26 =	sadd.s32 $0xC00, s2;
	[dreg:$0xb] =	wrdreg s24  }
0xc: {  	s25 =	simm.s32 $0x18A00;
	[smem:$0x7EA] =	sst s26  }
0xd: {  	s2 =	sadd.s32 $0xA00, s2;
	[dreg:$0xc] =	wrdreg s25  }
0xe: {  	s28 =	simm.s32 $0x18A80;
	[smem:$0x7EB] =	sst s2  }
0xf: {  	s10 =	simm.s32 $0x18C00;
	[dreg:$0xd] =	wrdreg s28  }
0x10: {  	s13 =	simm.s32 $0x18C80;
	[dreg:$0x10] =	wrdreg s10  }
0x11: {  	s14 =	simm.s32 $0x18D00;
	[dreg:$0x11] =	wrdreg s13  }
0x12: {  	s0 =	srdreg.scid;
	s15 =	simm.s32 $0x18D80;
	[dreg:$0x12] =	wrdreg s14  }
0x13: {  	s5 =	stileid.u32;
	s17 =	simm.s32 $0x18E00;
	[dreg:$0x13] =	wrdreg s15  }
0x14: {  	s18 =	simm.s32 $0x18E80;
	s19 =	simm.s32 $0x18F00;
	[dreg:$0x14] =	wrdreg s17  }
0x15: {  	s29 =	simm.s32 $0x19D00;
	s30 =	simm.s32 $0x19D80;
	[dreg:$0x15] =	wrdreg s18  }
0x16: {  	s31 =	simm.s32 $0x19E00;
	s2 =	simm.s32 $0x18B00;
	[dreg:$0x16] =	wrdreg s19  }
0x17: {  	s0 =	sand.u32 $0x1, s0;
	s20 =	simm.s32 $0x18F80;
	[dreg:$0xe] =	wrdreg s2  }
0x18: {  	s3 =	smul.u32 $0x3100, s5;
	s21 =	simm.s32 $0x19000;
	[dreg:$0x17] =	wrdreg s20  }
0x19: {  	s11 =	smul.u32 $0x18700, s5;
	s22 =	simm.s32 $0x19080;
	[dreg:$0x18] =	wrdreg s21  }
0x1a: {  	s16 =	sshll.u32 s5, $0x6;
	s23 =	simm.s32 $0x19100;
	[dreg:$0x19] =	wrdreg s22  }
0x1b: {  	p4 =	sne.s32 s5, $0xF;
	s24 =	simm.s32 $0x19180;
	[dreg:$0x1a] =	wrdreg s23  }
0x1c: {  	p1 =	seq.s32 s5, $0xF;
	s25 =	simm.s32 $0x19200;
	[dreg:$0x1b] =	wrdreg s24  }
0x1d: {  	s6 =	smul.u32 $0x1880, s0;
	s28 =	simm.s32 $0x19280;
	[dreg:$0x1c] =	wrdreg s25  }
0x1e: {  	s13 =	sor.u32 $0x1C05, s16;
	s10 =	simm.s32 $0x19380;
	[dreg:$0x1d] =	wrdreg s28  }
0x1f: {  	p2 =	seq.s32 s0, $0x0;
	s14 =	simm.s32 $0x19480;
	[dreg:$0x1f] =	wrdreg s10  }
0x20: {  	p3 =	seq.s32 s0, $0x1;
	s16 =	simm.s32 $0x19500;
	[smem:$0x7EF] =	sst s14  }
0x21: {  	s18 =	simm.s32 $0x19580;
	s19 =	simm.s32 $0x19600;
	[smem:$0x7F1] =	sst s16  }
0x22: {  	s1 =	sadd.s32 s3, s1;
	s3 =	ssub.s32 $0x2, s0;
	[smem:$0x7F3] =	sst s18  }
0x23: {  	p0 =	por !p2, !p4;
	p2 =	por !p2, !p1;
	[smem:$0x7F4] =	sst s19  }
0x24: {  	s26 =	sshrl.u32 s11, $0x3;
	s20 =	simm.s32 $0x19680;
	[smem:$0x7FC] =	sst s13  }
0x25: {  	p4 =	por !p4, !p3;
	s21 =	simm.s32 $0x19700;
	[smem:$0x7F5] =	sst s20  }
0x26: {  	s14 =	simm.s32 $0x5;
	s23 =	simm.s32 $0x19780;
	[smem:$0x7F6] =	sst s21  }
0x27: {  	s16 =	simm.s32 $0x18700;
	s24 =	simm.s32 $0x19800;
	[smem:$0x7F7] =	sst s23  }
0x28: {  	s18 =	simm.s32 $0x1;
	s25 =	simm.s32 $0x19880;
	[smem:$0x7F8] =	sst s24  }
0x29: {  	s19 =	simm.s32 $0x2;
	s28 =	simm.s32 $0x19980;
	[smem:$0x7F9] =	sst s25  }
0x2a: {  	s0 =	simm.s32 $0x0;
	s1 =	sadd.s32 s6, s1;
	[smem:$0x7FB] =	sst s28  }
0x2b: {  	s6 =	simm.s32 $0x18B80;
	s9 =	sshrl.u32 s3, $0x1;
	[dreg:$0x6] =	wrdreg s1  }
0x2c: {  	p0 =	por !p0, !p0;
	s15 =	sadd.s32 s8, s26;
	[dreg:$0xf] =	wrdreg s6  }
0x2d: {  	p2 =	por !p2, !p2;
	s6 =	sadd.s32 s7, s26;
	[smem:$0x7EE] =	sst s15  }
0x2e: {  	s2 =	ssub.s32 s3, s9;
	s7 =	simm.s32 $0x19300;
	[smem:$0x7EC] =	sst s6  }
0x2f: {  	s9 =	sadd.s32 s11, s4;
	s11 =	simm.s32 $0x19400;
	[dreg:$0x1e] =	wrdreg s7  }
.Ltmp0:
0x30: {  	p4 =	por !p4, !p4;
	[smem:$0x7ED] =	sst s11;
	(pc) =	sbr.rel .LBB2_1-.Ltmp0, $4  }
0x31: {  	s20 =	simm.s32 $0x3;
	s26 =	simm.s32 $0x19900;
	[smem:$0x7F2] =	sst s9  }
0x32: {  	s21 =	simm.s32 $0x4;
	s17 =	smax.u32 s2, $0x1;
	[smem:$0x7FA] =	sst s26  }
0x33: {  	s23 =	simm.s32 $0x19A00;
	s22 =	sshrl.u32 s9, $0x3;
	[smem:$0x7F0] =	sst s17  }
0x34: {  	s15 =	simm.s32 $0x1A300;
	s17 =	simm.s32 $0x80;
	[smem:$0x7FD] =	sst s22  }
.LBB2_7:
0x35: {  	s5 =	sadd.s32 $0x2DD20, s9  }
0x36: {  	[hbm:s5], [sflag:s13] =	dma.local [spmem:s22], $0x3020  }
0x37: {  	_ =	swait.ge [sflag:s14], $0x3020  }
0x38: {  	[sflag:s14] =	ssyncset.done $0x0  }
0x39: {  	[sflag:s14] =	ssyncadd.s32 $0xFFFFCFE0  }
.LBB2_8:
0x3a: {  	s5 =	sld [smem:$0x7F0];
	_ =	sdelay $0x1  }
0x3b: {  	s0 =	sadd.s32 $0x1, s0  }
0x3c: {  	p5 =	sne.s32 s0, s5  }
.Ltmp1:
0x3d: {  	_ = 	snop;
	(pc) =	sbr.rel @!p5 .LBB2_9-.Ltmp1, $1  }
0x3e: {  	_ =	sdelay $0x3  }
.LBB2_1:
0x3f: {  	s5 =	sld [smem:$0x7EA];
	_ =	sdelay $0x1  }
0x40: {  	[smem:$0x7E9] =	sst s0  }
0x41: {  	[spmem:s22], [sflag:s13] =	dma.local [hbm:s5], $0x30E0  }
0x42: {  	_ =	swait.ge [sflag:s14], $0x30E0  }
0x43: {  	s3 =	sld [smem:$0x7EB]  }
0x44: {  	[sflag:s14] =	ssyncset.done $0x0  }
0x45: {  	[sflag:s14] =	ssyncadd.s32 $0xFFFFCF20  }
0x46: {  	[tilespmem:s15], [sflag:$0x5] =	stream.linear.gather [hbm4b:s3+s12], $0x800, $0x38;
	[tilespmem:$0x1AB00] =	vst v63  }
0x47: {  	_ =	swait.ge [sflag:s14], $0x800  }
0x48: {  	[sflag:s14] =	ssyncset.done $0x0  }
0x49: {  	[sflag:s14] =	ssyncadd.s32 $0xFFFFF800  }
0x4a: {  	[bflag:$0x0] =	sbarrier.arrive $0xFFFF  }
0x4b: {  	s9 =	rddreg [dreg:$0x6]  }
0x4c: {  	s9 =	sadd.s32 $0x0, s9  }
0x4d: {  	[tilespmem:s16], [sflag:$0x5] =	stream.linear.gather [hbm4b:s9+s12], $0x1C00, $0x38;
	[tilespmem:$0x1AB00] =	vst v63  }
0x4e: {  	_ =	swait.ge [sflag:s14], $0x1C00  }
0x4f: {  	[sflag:s14] =	ssyncset.done $0x0  }
0x50: {  	[sflag:s14] =	ssyncadd.s32 $0xFFFFE400  }
0x51: {  	[spmem:s4] =	stream.indirect.scatter.add.f32 [tilespmem:s15], [sflag:$0x1], $0x10, s16, s17, $0xb8;
	[tilespmem:$0x1AB00] =	vst v63  }
0x52: {  	s5 =	rddreg [dreg:$0x7]  }
0x53: {  	[spmem:s4] =	stream.indirect.scatter.add.f32 [tilespmem:s15], [sflag:$0x2], $0x10, s5, s17, $0xb8;
	[tilespmem:$0x1AB00] =	vst v63  }
0x54: {  	s6 =	rddreg [dreg:$0x8]  }
0x55: {  	[spmem:s4] =	stream.indirect.scatter.add.f32 [tilespmem:s15], [sflag:$0x3], $0x10, s6, s17, $0xb8;
	[tilespmem:$0x1AB00] =	vst v63  }
0x56: {  	s7 =	rddreg [dreg:$0x9]  }
0x57: {  	[spmem:s4] =	stream.indirect.scatter.add.f32 [tilespmem:s15], [sflag:$0x4], $0x10, s7, s17, $0xb8;
	[tilespmem:$0x1AB00] =	vst v63  }
0x58: {  	_ =	swait.ge [sflag:s18], $0x800  }
0x59: {  	[sflag:s18] =	ssyncset.done $0x0  }
0x5a: {  	s8 =	rddreg [dreg:$0xa];
	[sflag:s18] =	ssyncadd.s32 $0xFFFFF800  }
0x5b: {  	[spmem:s4] =	stream.indirect.scatter.add.f32 [tilespmem:s15], [sflag:$0x1], $0x10, s8, s17, $0xb8;
	[tilespmem:$0x1AB00] =	vst v63  }
0x5c: {  	_ =	swait.ge [sflag:s19], $0x800  }
0x5d: {  	[sflag:s19] =	ssyncset.done $0x0  }
0x5e: {  	s10 =	rddreg [dreg:$0xb];
	[sflag:s19] =	ssyncadd.s32 $0xFFFFF800  }
0x5f: {  	[spmem:s4] =	stream.indirect.scatter.add.f32 [tilespmem:s15], [sflag:$0x2], $0x10, s10, s17, $0xb8;
	[tilespmem:$0x1AB00] =	vst v63  }
0x60: {  	_ =	swait.ge [sflag:s20], $0x800  }
0x61: {  	[sflag:s20] =	ssyncset.done $0x0  }
0x62: {  	s11 =	rddreg [dreg:$0xc];
	[sflag:s20] =	ssyncadd.s32 $0xFFFFF800  }
0x63: {  	[spmem:s4] =	stream.indirect.scatter.add.f32 [tilespmem:s15], [sflag:$0x3], $0x10, s11, s17, $0xb8;
	[tilespmem:$0x1AB00] =	vst v63  }
0x64: {  	_ =	swait.ge [sflag:s21], $0x800  }
0x65: {  	[sflag:s21] =	ssyncset.done $0x0  }
0x66: {  	s12 =	rddreg [dreg:$0xd];
	[sflag:s21] =	ssyncadd.s32 $0xFFFFF800  }
0x67: {  	[spmem:s4] =	stream.indirect.scatter.add.f32 [tilespmem:s15], [sflag:$0x4], $0x10, s12, s17, $0xb8;
	[tilespmem:$0x1AB00] =	vst v63  }
0x68: {  	_ =	swait.ge [sflag:s18], $0x800  }
0x69: {  	[sflag:s18] =	ssyncset.done $0x0  }
0x6a: {  	s13 =	rddreg [dreg:$0xe];
	[sflag:s18] =	ssyncadd.s32 $0xFFFFF800  }
0x6b: {  	[spmem:s4] =	stream.indirect.scatter.add.f32 [tilespmem:s15], [sflag:$0x1], $0x10, s13, s17, $0xb8;
	[tilespmem:$0x1AB00] =	vst v63  }
0x6c: {  	_ =	swait.ge [sflag:s19], $0x800  }
0x6d: {  	[sflag:s19] =	ssyncset.done $0x0  }
0x6e: {  	s24 =	rddreg [dreg:$0xf];
	[sflag:s19] =	ssyncadd.s32 $0xFFFFF800  }
0x6f: {  	[spmem:s4] =	stream.indirect.scatter.add.f32 [tilespmem:s15], [sflag:$0x2], $0x10, s24, s17, $0xb8;
	[tilespmem:$0x1AB00] =	vst v63  }
0x70: {  	_ =	swait.ge [sflag:s20], $0x800  }
0x71: {  	[sflag:s20] =	ssyncset.done $0x0  }
0x72: {  	s25 =	rddreg [dreg:$0x10];
	[sflag:s20] =	ssyncadd.s32 $0xFFFFF800  }
0x73: {  	[spmem:s4] =	stream.indirect.scatter.add.f32 [tilespmem:s15], [sflag:$0x3], $0x10, s25, s17, $0xb8;
	[tilespmem:$0x1AB00] =	vst v63  }
0x74: {  	_ =	swait.ge [sflag:s21], $0x800  }
0x75: {  	[sflag:s21] =	ssyncset.done $0x0  }
0x76: {  	s26 =	rddreg [dreg:$0x11];
	[sflag:s21] =	ssyncadd.s32 $0xFFFFF800  }
0x77: {  	[spmem:s4] =	stream.indirect.scatter.add.f32 [tilespmem:s15], [sflag:$0x4], $0x10, s26, s17, $0xb8;
	[tilespmem:$0x1AB00] =	vst v63  }
0x78: {  	_ =	swait.ge [sflag:s18], $0x800  }
0x79: {  	[sflag:s18] =	ssyncset.done $0x0  }
0x7a: {  	s0 =	rddreg [dreg:$0x12];
	[sflag:s18] =	ssyncadd.s32 $0xFFFFF800  }
0x7b: {  	[spmem:s4] =	stream.indirect.scatter.add.f32 [tilespmem:s15], [sflag:$0x1], $0x10, s0, s17, $0xb8;
	[tilespmem:$0x1AB00] =	vst v63  }
0x7c: {  	_ =	swait.ge [sflag:s19], $0x800  }
0x7d: {  	[sflag:s19] =	ssyncset.done $0x0  }
0x7e: {  	s1 =	rddreg [dreg:$0x13];
	[sflag:s19] =	ssyncadd.s32 $0xFFFFF800  }
0x7f: {  	[spmem:s4] =	stream.indirect.scatter.add.f32 [tilespmem:s15], [sflag:$0x2], $0x10, s1, s17, $0xb8;
	[tilespmem:$0x1AB00] =	vst v63  }
0x80: {  	_ =	swait.ge [sflag:s20], $0x800  }
0x81: {  	[sflag:s20] =	ssyncset.done $0x0  }
0x82: {  	s2 =	rddreg [dreg:$0x14];
	[sflag:s20] =	ssyncadd.s32 $0xFFFFF800  }
0x83: {  	[spmem:s4] =	stream.indirect.scatter.add.f32 [tilespmem:s15], [sflag:$0x3], $0x10, s2, s17, $0xb8;
	[tilespmem:$0x1AB00] =	vst v63  }
0x84: {  	_ =	swait.ge [sflag:s21], $0x800  }
0x85: {  	[sflag:s21] =	ssyncset.done $0x0  }
0x86: {  	s3 =	rddreg [dreg:$0x15];
	[sflag:s21] =	ssyncadd.s32 $0xFFFFF800  }
0x87: {  	[spmem:s4] =	stream.indirect.scatter.add.f32 [tilespmem:s15], [sflag:$0x4], $0x10, s3, s17, $0xb8;
	[tilespmem:$0x1AB00] =	vst v63  }
0x88: {  	_ =	swait.ge [sflag:s18], $0x800  }
0x89: {  	[sflag:s18] =	ssyncset.done $0x0  }
0x8a: {  	s5 =	rddreg [dreg:$0x16];
	[sflag:s18] =	ssyncadd.s32 $0xFFFFF800  }
0x8b: {  	[spmem:s4] =	stream.indirect.scatter.add.f32 [tilespmem:s15], [sflag:$0x1], $0x10, s5, s17, $0xb8;
	[tilespmem:$0x1AB00] =	vst v63  }
0x8c: {  	_ =	swait.ge [sflag:s19], $0x800  }
0x8d: {  	[sflag:s19] =	ssyncset.done $0x0  }
0x8e: {  	s6 =	rddreg [dreg:$0x17];
	[sflag:s19] =	ssyncadd.s32 $0xFFFFF800  }
0x8f: {  	[spmem:s4] =	stream.indirect.scatter.add.f32 [tilespmem:s15], [sflag:$0x2], $0x10, s6, s17, $0xb8;
	[tilespmem:$0x1AB00] =	vst v63  }
0x90: {  	_ =	swait.ge [sflag:s20], $0x800  }
0x91: {  	[sflag:s20] =	ssyncset.done $0x0  }
0x92: {  	s7 =	rddreg [dreg:$0x18];
	[sflag:s20] =	ssyncadd.s32 $0xFFFFF800  }
0x93: {  	[spmem:s4] =	stream.indirect.scatter.add.f32 [tilespmem:s15], [sflag:$0x3], $0x10, s7, s17, $0xb8;
	[tilespmem:$0x1AB00] =	vst v63  }
0x94: {  	_ =	swait.ge [sflag:s21], $0x800  }
0x95: {  	[sflag:s21] =	ssyncset.done $0x0  }
0x96: {  	s8 =	rddreg [dreg:$0x19];
	[sflag:s21] =	ssyncadd.s32 $0xFFFFF800  }
0x97: {  	[spmem:s4] =	stream.indirect.scatter.add.f32 [tilespmem:s15], [sflag:$0x4], $0x10, s8, s17, $0xb8;
	[tilespmem:$0x1AB00] =	vst v63  }
0x98: {  	_ =	swait.ge [sflag:s18], $0x800  }
0x99: {  	[sflag:s18] =	ssyncset.done $0x0  }
0x9a: {  	s10 =	rddreg [dreg:$0x1a];
	[sflag:s18] =	ssyncadd.s32 $0xFFFFF800  }
0x9b: {  	[spmem:s4] =	stream.indirect.scatter.add.f32 [tilespmem:s15], [sflag:$0x1], $0x10, s10, s17, $0xb8;
	[tilespmem:$0x1AB00] =	vst v63  }
0x9c: {  	_ =	swait.ge [sflag:s19], $0x800  }
0x9d: {  	[sflag:s19] =	ssyncset.done $0x0  }
0x9e: {  	s11 =	rddreg [dreg:$0x1b];
	[sflag:s19] =	ssyncadd.s32 $0xFFFFF800  }
0x9f: {  	[spmem:s4] =	stream.indirect.scatter.add.f32 [tilespmem:s15], [sflag:$0x2], $0x10, s11, s17, $0xb8;
	[tilespmem:$0x1AB00] =	vst v63  }
0xa0: {  	_ =	swait.ge [sflag:s20], $0x800  }
0xa1: {  	[sflag:s20] =	ssyncset.done $0x0  }
0xa2: {  	s12 =	rddreg [dreg:$0x1c];
	[sflag:s20] =	ssyncadd.s32 $0xFFFFF800  }
0xa3: {  	[spmem:s4] =	stream.indirect.scatter.add.f32 [tilespmem:s15], [sflag:$0x3], $0x10, s12, s17, $0xb8;
	[tilespmem:$0x1AB00] =	vst v63  }
0xa4: {  	_ =	swait.ge [sflag:s21], $0x800  }
0xa5: {  	[sflag:s21] =	ssyncset.done $0x0  }
0xa6: {  	s13 =	rddreg [dreg:$0x1d];
	[sflag:s21] =	ssyncadd.s32 $0xFFFFF800  }
0xa7: {  	[spmem:s4] =	stream.indirect.scatter.add.f32 [tilespmem:s15], [sflag:$0x4], $0x10, s13, s17, $0xb8;
	[tilespmem:$0x1AB00] =	vst v63  }
0xa8: {  	_ =	swait.ge [sflag:s18], $0x800  }
0xa9: {  	[sflag:s18] =	ssyncset.done $0x0  }
0xaa: {  	s24 =	rddreg [dreg:$0x1e];
	[sflag:s18] =	ssyncadd.s32 $0xFFFFF800  }
0xab: {  	[spmem:s4] =	stream.indirect.scatter.add.f32 [tilespmem:s15], [sflag:$0x1], $0x10, s24, s17, $0xb8;
	[tilespmem:$0x1AB00] =	vst v63  }
0xac: {  	_ =	swait.ge [sflag:s19], $0x800  }
0xad: {  	[sflag:s19] =	ssyncset.done $0x0  }
0xae: {  	s25 =	rddreg [dreg:$0x1f];
	[sflag:s19] =	ssyncadd.s32 $0xFFFFF800  }
0xaf: {  	[spmem:s4] =	stream.indirect.scatter.add.f32 [tilespmem:s15], [sflag:$0x2], $0x10, s25, s17, $0xb8;
	[tilespmem:$0x1AB00] =	vst v63  }
0xb0: {  	_ =	swait.ge [sflag:s20], $0x800  }
0xb1: {  	s26 =	sld [smem:$0x7ED]  }
0xb2: {  	[sflag:s20] =	ssyncset.done $0x0  }
0xb3: {  	[sflag:s20] =	ssyncadd.s32 $0xFFFFF800  }
0xb4: {  	[spmem:s4] =	stream.indirect.scatter.add.f32 [tilespmem:s15], [sflag:$0x3], $0x10, s26, s17, $0xb8;
	[tilespmem:$0x1AB00] =	vst v63  }
0xb5: {  	_ =	swait.ge [sflag:s21], $0x800  }
0xb6: {  	s0 =	sld [smem:$0x7EF]  }
0xb7: {  	[sflag:s21] =	ssyncset.done $0x0  }
0xb8: {  	[sflag:s21] =	ssyncadd.s32 $0xFFFFF800  }
0xb9: {  	[spmem:s4] =	stream.indirect.scatter.add.f32 [tilespmem:s15], [sflag:$0x4], $0x10, s0, s17, $0xb8;
	[tilespmem:$0x1AB00] =	vst v63  }
0xba: {  	_ =	swait.ge [sflag:s18], $0x800  }
0xbb: {  	s1 =	sld [smem:$0x7F1]  }
0xbc: {  	[sflag:s18] =	ssyncset.done $0x0  }
0xbd: {  	[sflag:s18] =	ssyncadd.s32 $0xFFFFF800  }
0xbe: {  	[spmem:s4] =	stream.indirect.scatter.add.f32 [tilespmem:s15], [sflag:$0x1], $0x10, s1, s17, $0xb8;
	[tilespmem:$0x1AB00] =	vst v63  }
0xbf: {  	_ =	swait.ge [sflag:s19], $0x800  }
0xc0: {  	s2 =	sld [smem:$0x7F3]  }
0xc1: {  	[sflag:s19] =	ssyncset.done $0x0  }
0xc2: {  	[sflag:s19] =	ssyncadd.s32 $0xFFFFF800  }
0xc3: {  	[spmem:s4] =	stream.indirect.scatter.add.f32 [tilespmem:s15], [sflag:$0x2], $0x10, s2, s17, $0xb8;
	[tilespmem:$0x1AB00] =	vst v63  }
0xc4: {  	_ =	swait.ge [sflag:s20], $0x800  }
0xc5: {  	s3 =	sld [smem:$0x7F4]  }
0xc6: {  	[sflag:s20] =	ssyncset.done $0x0  }
0xc7: {  	[sflag:s20] =	ssyncadd.s32 $0xFFFFF800  }
0xc8: {  	[spmem:s4] =	stream.indirect.scatter.add.f32 [tilespmem:s15], [sflag:$0x3], $0x10, s3, s17, $0xb8;
	[tilespmem:$0x1AB00] =	vst v63  }
0xc9: {  	_ =	swait.ge [sflag:s21], $0x800  }
0xca: {  	s5 =	sld [smem:$0x7F5]  }
0xcb: {  	[sflag:s21] =	ssyncset.done $0x0  }
0xcc: {  	[sflag:s21] =	ssyncadd.s32 $0xFFFFF800  }
0xcd: {  	[spmem:s4] =	stream.indirect.scatter.add.f32 [tilespmem:s15], [sflag:$0x4], $0x10, s5, s17, $0xb8;
	[tilespmem:$0x1AB00] =	vst v63  }
0xce: {  	_ =	swait.ge [sflag:s18], $0x800  }
0xcf: {  	s6 =	sld [smem:$0x7F6]  }
0xd0: {  	[sflag:s18] =	ssyncset.done $0x0  }
0xd1: {  	[sflag:s18] =	ssyncadd.s32 $0xFFFFF800  }
0xd2: {  	[spmem:s4] =	stream.indirect.scatter.add.f32 [tilespmem:s15], [sflag:$0x1], $0x10, s6, s17, $0xb8;
	[tilespmem:$0x1AB00] =	vst v63  }
0xd3: {  	_ =	swait.ge [sflag:s19], $0x800  }
0xd4: {  	s7 =	sld [smem:$0x7F7]  }
0xd5: {  	[sflag:s19] =	ssyncset.done $0x0  }
0xd6: {  	[sflag:s19] =	ssyncadd.s32 $0xFFFFF800  }
0xd7: {  	[spmem:s4] =	stream.indirect.scatter.add.f32 [tilespmem:s15], [sflag:$0x2], $0x10, s7, s17, $0xb8;
	[tilespmem:$0x1AB00] =	vst v63  }
0xd8: {  	_ =	swait.ge [sflag:s20], $0x800  }
0xd9: {  	s8 =	sld [smem:$0x7F8]  }
0xda: {  	[sflag:s20] =	ssyncset.done $0x0  }
0xdb: {  	[sflag:s20] =	ssyncadd.s32 $0xFFFFF800  }
0xdc: {  	[spmem:s4] =	stream.indirect.scatter.add.f32 [tilespmem:s15], [sflag:$0x3], $0x10, s8, s17, $0xb8;
	[tilespmem:$0x1AB00] =	vst v63  }
0xdd: {  	_ =	swait.ge [sflag:s21], $0x800  }
0xde: {  	s10 =	sld [smem:$0x7F9]  }
0xdf: {  	[sflag:s21] =	ssyncset.done $0x0  }
0xe0: {  	[sflag:s21] =	ssyncadd.s32 $0xFFFFF800  }
0xe1: {  	[spmem:s4] =	stream.indirect.scatter.add.f32 [tilespmem:s15], [sflag:$0x4], $0x10, s10, s17, $0xb8;
	[tilespmem:$0x1AB00] =	vst v63  }
0xe2: {  	_ =	swait.ge [sflag:s18], $0x800  }
0xe3: {  	s11 =	sld [smem:$0x7FA]  }
0xe4: {  	[sflag:s18] =	ssyncset.done $0x0  }
0xe5: {  	[sflag:s18] =	ssyncadd.s32 $0xFFFFF800  }
0xe6: {  	[spmem:s4] =	stream.indirect.scatter.add.f32 [tilespmem:s15], [sflag:$0x1], $0x10, s11, s17, $0xb8;
	[tilespmem:$0x1AB00] =	vst v63  }
0xe7: {  	_ =	swait.ge [sflag:s19], $0x800  }
0xe8: {  	s12 =	sld [smem:$0x7FB]  }
0xe9: {  	[sflag:s19] =	ssyncset.done $0x0  }
0xea: {  	[sflag:s19] =	ssyncadd.s32 $0xFFFFF800  }
0xeb: {  	[spmem:s4] =	stream.indirect.scatter.add.f32 [tilespmem:s15], [sflag:$0x2], $0x10, s12, s17, $0xb8;
	[tilespmem:$0x1AB00] =	vst v63  }
0xec: {  	_ =	swait.ge [sflag:s20], $0x800  }
0xed: {  	[sflag:s20] =	ssyncset.done $0x0  }
0xee: {  	[sflag:s20] =	ssyncadd.s32 $0xFFFFF800  }
0xef: {  	[spmem:s4] =	stream.indirect.scatter.add.f32 [tilespmem:s15], [sflag:$0x3], $0x10, s23, s17, $0xb8;
	[tilespmem:$0x1AB00] =	vst v63  }
0xf0: {  	_ =	swait.ge [sflag:s21], $0x800  }
0xf1: {  	[sflag:s21] =	ssyncset.done $0x0  }
0xf2: {  	s24 =	simm.s32 $0x19A80;
	[sflag:s21] =	ssyncadd.s32 $0xFFFFF800  }
0xf3: {  	[spmem:s4] =	stream.indirect.scatter.add.f32 [tilespmem:s15], [sflag:$0x4], $0x10, s24, s17, $0xb8;
	[tilespmem:$0x1AB00] =	vst v63  }
0xf4: {  	_ =	swait.ge [sflag:s18], $0x800  }
0xf5: {  	[sflag:s18] =	ssyncset.done $0x0  }
0xf6: {  	s25 =	simm.s32 $0x19B00;
	[sflag:s18] =	ssyncadd.s32 $0xFFFFF800  }
0xf7: {  	[spmem:s4] =	stream.indirect.scatter.add.f32 [tilespmem:s15], [sflag:$0x1], $0x10, s25, s17, $0xb8;
	[tilespmem:$0x1AB00] =	vst v63  }
0xf8: {  	_ =	swait.ge [sflag:s19], $0x800  }
0xf9: {  	[sflag:s19] =	ssyncset.done $0x0  }
0xfa: {  	s26 =	simm.s32 $0x19B80;
	[sflag:s19] =	ssyncadd.s32 $0xFFFFF800  }
0xfb: {  	[spmem:s4] =	stream.indirect.scatter.add.f32 [tilespmem:s15], [sflag:$0x2], $0x10, s26, s17, $0xb8;
	[tilespmem:$0x1AB00] =	vst v63  }
0xfc: {  	_ =	swait.ge [sflag:s20], $0x800  }
0xfd: {  	[sflag:s20] =	ssyncset.done $0x0  }
0xfe: {  	s28 =	simm.s32 $0x19C00;
	[sflag:s20] =	ssyncadd.s32 $0xFFFFF800  }
0xff: {  	[spmem:s4] =	stream.indirect.scatter.add.f32 [tilespmem:s15], [sflag:$0x3], $0x10, s28, s17, $0xb8;
	[tilespmem:$0x1AB00] =	vst v63  }
0x100: {  	_ =	swait.ge [sflag:s21], $0x800  }
0x101: {  	[sflag:s21] =	ssyncset.done $0x0  }
0x102: {  	s13 =	simm.s32 $0x19C80;
	[sflag:s21] =	ssyncadd.s32 $0xFFFFF800  }
0x103: {  	[spmem:s4] =	stream.indirect.scatter.add.f32 [tilespmem:s15], [sflag:$0x4], $0x10, s13, s17, $0xb8;
	[tilespmem:$0x1AB00] =	vst v63  }
0x104: {  	_ =	swait.ge [sflag:s18], $0x800  }
0x105: {  	[sflag:s18] =	ssyncset.done $0x0  }
0x106: {  	s12 =	simm.s32 $0x19D00;
	[sflag:s18] =	ssyncadd.s32 $0xFFFFF800  }
0x107: {  	[spmem:s4] =	stream.indirect.scatter.add.f32 [tilespmem:s15], [sflag:$0x1], $0x10, s12, s17, $0xb8;
	[tilespmem:$0x1AB00] =	vst v63  }
0x108: {  	_ =	swait.ge [sflag:s19], $0x800  }
0x109: {  	[sflag:s19] =	ssyncset.done $0x0  }
0x10a: {  	s11 =	simm.s32 $0x19D80;
	[sflag:s19] =	ssyncadd.s32 $0xFFFFF800  }
0x10b: {  	[spmem:s4] =	stream.indirect.scatter.add.f32 [tilespmem:s15], [sflag:$0x2], $0x10, s11, s17, $0xb8;
	[tilespmem:$0x1AB00] =	vst v63  }
0x10c: {  	_ =	swait.ge [sflag:s20], $0x800  }
0x10d: {  	[sflag:s20] =	ssyncset.done $0x0  }
0x10e: {  	s2 =	simm.s32 $0x19E00;
	[sflag:s20] =	ssyncadd.s32 $0xFFFFF800  }
0x10f: {  	[spmem:s4] =	stream.indirect.scatter.add.f32 [tilespmem:s15], [sflag:$0x3], $0x10, s2, s17, $0xb8;
	[tilespmem:$0x1AB00] =	vst v63  }
0x110: {  	_ =	swait.ge [sflag:s21], $0x800  }
0x111: {  	[sflag:s21] =	ssyncset.done $0x0  }
0x112: {  	s1 =	simm.s32 $0x19E80;
	[sflag:s21] =	ssyncadd.s32 $0xFFFFF800  }
0x113: {  	[spmem:s4] =	stream.indirect.scatter.add.f32 [tilespmem:s15], [sflag:$0x4], $0x10, s1, s17, $0xb8;
	[tilespmem:$0x1AB00] =	vst v63  }
0x114: {  	_ =	swait.ge [sflag:s18], $0x800  }
0x115: {  	[sflag:s18] =	ssyncset.done $0x0  }
0x116: {  	s3 =	simm.s32 $0x19F00;
	[sflag:s18] =	ssyncadd.s32 $0xFFFFF800  }
0x117: {  	[spmem:s4] =	stream.indirect.scatter.add.f32 [tilespmem:s15], [sflag:$0x1], $0x10, s3, s17, $0xb8;
	[tilespmem:$0x1AB00] =	vst v63  }
0x118: {  	_ =	swait.ge [sflag:s19], $0x800  }
0x119: {  	[sflag:s19] =	ssyncset.done $0x0  }
0x11a: {  	s5 =	simm.s32 $0x19F80;
	[sflag:s19] =	ssyncadd.s32 $0xFFFFF800  }
0x11b: {  	[spmem:s4] =	stream.indirect.scatter.add.f32 [tilespmem:s15], [sflag:$0x2], $0x10, s5, s17, $0xb8;
	[tilespmem:$0x1AB00] =	vst v63  }
0x11c: {  	_ =	swait.ge [sflag:s20], $0x800  }
0x11d: {  	[sflag:s20] =	ssyncset.done $0x0  }
0x11e: {  	s10 =	simm.s32 $0x1A000;
	[sflag:s20] =	ssyncadd.s32 $0xFFFFF800  }
0x11f: {  	[spmem:s4] =	stream.indirect.scatter.add.f32 [tilespmem:s15], [sflag:$0x3], $0x10, s10, s17, $0xb8;
	[tilespmem:$0x1AB00] =	vst v63  }
0x120: {  	_ =	swait.ge [sflag:s21], $0x800  }
0x121: {  	[sflag:s21] =	ssyncset.done $0x0  }
0x122: {  	s9 =	simm.s32 $0x1A080;
	[sflag:s21] =	ssyncadd.s32 $0xFFFFF800  }
0x123: {  	[spmem:s4] =	stream.indirect.scatter.add.f32 [tilespmem:s15], [sflag:$0x4], $0x10, s9, s17, $0xb8;
	[tilespmem:$0x1AB00] =	vst v63  }
0x124: {  	_ =	swait.ge [sflag:s18], $0x800  }
0x125: {  	[sflag:s18] =	ssyncset.done $0x0  }
0x126: {  	s8 =	simm.s32 $0x1A100;
	[sflag:s18] =	ssyncadd.s32 $0xFFFFF800  }
0x127: {  	[spmem:s4] =	stream.indirect.scatter.add.f32 [tilespmem:s15], [sflag:$0x1], $0x10, s8, s17, $0xb8;
	[tilespmem:$0x1AB00] =	vst v63  }
0x128: {  	_ =	swait.ge [sflag:s19], $0x800  }
0x129: {  	[sflag:s19] =	ssyncset.done $0x0  }
0x12a: {  	s6 =	simm.s32 $0x1A180;
	[sflag:s19] =	ssyncadd.s32 $0xFFFFF800  }
0x12b: {  	[spmem:s4] =	stream.indirect.scatter.add.f32 [tilespmem:s15], [sflag:$0x2], $0x10, s6, s17, $0xb8;
	[tilespmem:$0x1AB00] =	vst v63  }
0x12c: {  	_ =	swait.ge [sflag:s20], $0x800  }
0x12d: {  	[sflag:s20] =	ssyncset.done $0x0  }
0x12e: {  	s7 =	simm.s32 $0x1A200;
	[sflag:s20] =	ssyncadd.s32 $0xFFFFF800  }
0x12f: {  	[spmem:s4] =	stream.indirect.scatter.add.f32 [tilespmem:s15], [sflag:$0x3], $0x10, s7, s17, $0xb8;
	[tilespmem:$0x1AB00] =	vst v63  }
0x130: {  	_ =	swait.ge [sflag:s21], $0x800  }
0x131: {  	[sflag:s21] =	ssyncset.done $0x0  }
0x132: {  	s13 =	simm.s32 $0x1A280;
	[sflag:s21] =	ssyncadd.s32 $0xFFFFF800  }
0x133: {  	[spmem:s4] =	stream.indirect.scatter.add.f32 [tilespmem:s15], [sflag:$0x4], $0x10, s13, s17, $0xb8;
	[tilespmem:$0x1AB00] =	vst v63  }
0x134: {  	_ =	swait.ge [sflag:s18], $0x800  }
0x135: {  	[sflag:s18] =	ssyncset.done $0x0  }
0x136: {  	s22 =	simm.s32 $0x0;
	[sflag:s18] =	ssyncadd.s32 $0xFFFFF800  }
0x137: {  	s0 =	simm.s32 $0x19A80;
	s24 =	simm.s32 $0x19B00;
	_ =	swait.ge [sflag:s19], $0x800  }
0x138: {  	s25 =	simm.s32 $0x19B80;
	s26 =	simm.s32 $0x19C00;
	[sflag:s19] =	ssyncset.done $0x0  }
0x139: {  	s28 =	simm.s32 $0x19C80;
	s11 =	simm.s32 $0x1A100;
	[sflag:s19] =	ssyncadd.s32 $0xFFFFF800  }
0x13a: {  	s2 =	simm.s32 $0x19E80;
	s1 =	simm.s32 $0x19F80;
	_ =	swait.ge [sflag:s20], $0x800  }
0x13b: {  	s3 =	simm.s32 $0x1A000;
	s10 =	simm.s32 $0x1A080;
	[sflag:s20] =	ssyncset.done $0x0  }
0x13c: {  	s9 =	simm.s32 $0x700;
	s8 =	simm.s32 $0x1A180;
	[sflag:s20] =	ssyncadd.s32 $0xFFFFF800  }
0x13d: {  	s6 =	simm.s32 $0x1A200;
	s7 =	simm.s32 $0x1A280;
	_ =	swait.ge [sflag:s21], $0x800  }
0x13e: {  	s13 =	simm.s32 $0x380;
	s12 =	rddreg [dreg:$0x6];
	[sflag:s21] =	ssyncset.done $0x0  }
.LBB2_2:
0x13f: {  	[sflag:s21] =	ssyncadd.s32 $0xFFFFF800;
	s12 =	sadd.s32 s13, s12  }
0x140: {  	[tilespmem:s16], [sflag:$0x5] =	stream.linear.gather [hbm4b:s12+s22], $0x1C00, $0x38;
	[tilespmem:$0x1AB00] =	vst v63  }
0x141: {  	_ =	swait.ge [sflag:s14], $0x1C00  }
0x142: {  	[sflag:s14] =	ssyncset.done $0x0  }
0x143: {  	s5 =	smov.u32 s9;
	[sflag:s14] =	ssyncadd.s32 $0xFFFFE400  }
0x144: {  	[spmem:s4] =	stream.indirect.scatter.add.f32 [tilespmem:s15], [sflag:$0x1], $0x10, s16, s17, $0xb8;
	[tilespmem:$0x1AB00] =	vst v63  }
0x145: {  	s13 =	smov.u32 s5;
	s5 =	rddreg [dreg:$0x7]  }
0x146: {  	[spmem:s4] =	stream.indirect.scatter.add.f32 [tilespmem:s15], [sflag:$0x2], $0x10, s5, s17, $0xb8;
	[tilespmem:$0x1AB00] =	vst v63  }
0x147: {  	s12 =	rddreg [dreg:$0x8]  }
0x148: {  	[spmem:s4] =	stream.indirect.scatter.add.f32 [tilespmem:s15], [sflag:$0x3], $0x10, s12, s17, $0xb8;
	[tilespmem:$0x1AB00] =	vst v63  }
0x149: {  	s5 =	rddreg [dreg:$0x9]  }
0x14a: {  	[spmem:s4] =	stream.indirect.scatter.add.f32 [tilespmem:s15], [sflag:$0x4], $0x10, s5, s17, $0xb8;
	[tilespmem:$0x1AB00] =	vst v63  }
0x14b: {  	_ =	swait.ge [sflag:s18], $0x800  }
0x14c: {  	[sflag:s18] =	ssyncset.done $0x0  }
0x14d: {  	s12 =	rddreg [dreg:$0xa];
	[sflag:s18] =	ssyncadd.s32 $0xFFFFF800  }
0x14e: {  	[spmem:s4] =	stream.indirect.scatter.add.f32 [tilespmem:s15], [sflag:$0x1], $0x10, s12, s17, $0xb8;
	[tilespmem:$0x1AB00] =	vst v63  }
0x14f: {  	_ =	swait.ge [sflag:s19], $0x800  }
0x150: {  	[sflag:s19] =	ssyncset.done $0x0  }
0x151: {  	s12 =	rddreg [dreg:$0xb];
	[sflag:s19] =	ssyncadd.s32 $0xFFFFF800  }
0x152: {  	[spmem:s4] =	stream.indirect.scatter.add.f32 [tilespmem:s15], [sflag:$0x2], $0x10, s12, s17, $0xb8;
	[tilespmem:$0x1AB00] =	vst v63  }
0x153: {  	_ =	swait.ge [sflag:s20], $0x800  }
0x154: {  	[sflag:s20] =	ssyncset.done $0x0  }
0x155: {  	s12 =	rddreg [dreg:$0xc];
	[sflag:s20] =	ssyncadd.s32 $0xFFFFF800  }
0x156: {  	[spmem:s4] =	stream.indirect.scatter.add.f32 [tilespmem:s15], [sflag:$0x3], $0x10, s12, s17, $0xb8;
	[tilespmem:$0x1AB00] =	vst v63  }
0x157: {  	_ =	swait.ge [sflag:s21], $0x800  }
0x158: {  	[sflag:s21] =	ssyncset.done $0x0  }
0x159: {  	s12 =	rddreg [dreg:$0xd];
	[sflag:s21] =	ssyncadd.s32 $0xFFFFF800  }
0x15a: {  	[spmem:s4] =	stream.indirect.scatter.add.f32 [tilespmem:s15], [sflag:$0x4], $0x10, s12, s17, $0xb8;
	[tilespmem:$0x1AB00] =	vst v63  }
0x15b: {  	_ =	swait.ge [sflag:s18], $0x800  }
0x15c: {  	[sflag:s18] =	ssyncset.done $0x0  }
0x15d: {  	s12 =	rddreg [dreg:$0xe];
	[sflag:s18] =	ssyncadd.s32 $0xFFFFF800  }
0x15e: {  	[spmem:s4] =	stream.indirect.scatter.add.f32 [tilespmem:s15], [sflag:$0x1], $0x10, s12, s17, $0xb8;
	[tilespmem:$0x1AB00] =	vst v63  }
0x15f: {  	_ =	swait.ge [sflag:s19], $0x800  }
0x160: {  	[sflag:s19] =	ssyncset.done $0x0  }
0x161: {  	s12 =	rddreg [dreg:$0xf];
	[sflag:s19] =	ssyncadd.s32 $0xFFFFF800  }
0x162: {  	[spmem:s4] =	stream.indirect.scatter.add.f32 [tilespmem:s15], [sflag:$0x2], $0x10, s12, s17, $0xb8;
	[tilespmem:$0x1AB00] =	vst v63  }
0x163: {  	_ =	swait.ge [sflag:s20], $0x800  }
0x164: {  	[sflag:s20] =	ssyncset.done $0x0  }
0x165: {  	s12 =	rddreg [dreg:$0x10];
	[sflag:s20] =	ssyncadd.s32 $0xFFFFF800  }
0x166: {  	[spmem:s4] =	stream.indirect.scatter.add.f32 [tilespmem:s15], [sflag:$0x3], $0x10, s12, s17, $0xb8;
	[tilespmem:$0x1AB00] =	vst v63  }
0x167: {  	_ =	swait.ge [sflag:s21], $0x800  }
0x168: {  	[sflag:s21] =	ssyncset.done $0x0  }
0x169: {  	s12 =	rddreg [dreg:$0x11];
	[sflag:s21] =	ssyncadd.s32 $0xFFFFF800  }
0x16a: {  	[spmem:s4] =	stream.indirect.scatter.add.f32 [tilespmem:s15], [sflag:$0x4], $0x10, s12, s17, $0xb8;
	[tilespmem:$0x1AB00] =	vst v63  }
0x16b: {  	_ =	swait.ge [sflag:s18], $0x800  }
0x16c: {  	[sflag:s18] =	ssyncset.done $0x0  }
0x16d: {  	s12 =	rddreg [dreg:$0x12];
	[sflag:s18] =	ssyncadd.s32 $0xFFFFF800  }
0x16e: {  	[spmem:s4] =	stream.indirect.scatter.add.f32 [tilespmem:s15], [sflag:$0x1], $0x10, s12, s17, $0xb8;
	[tilespmem:$0x1AB00] =	vst v63  }
0x16f: {  	_ =	swait.ge [sflag:s19], $0x800  }
0x170: {  	[sflag:s19] =	ssyncset.done $0x0  }
0x171: {  	s12 =	rddreg [dreg:$0x13];
	[sflag:s19] =	ssyncadd.s32 $0xFFFFF800  }
0x172: {  	[spmem:s4] =	stream.indirect.scatter.add.f32 [tilespmem:s15], [sflag:$0x2], $0x10, s12, s17, $0xb8;
	[tilespmem:$0x1AB00] =	vst v63  }
0x173: {  	_ =	swait.ge [sflag:s20], $0x800  }
0x174: {  	[sflag:s20] =	ssyncset.done $0x0  }
0x175: {  	s12 =	rddreg [dreg:$0x14];
	[sflag:s20] =	ssyncadd.s32 $0xFFFFF800  }
0x176: {  	[spmem:s4] =	stream.indirect.scatter.add.f32 [tilespmem:s15], [sflag:$0x3], $0x10, s12, s17, $0xb8;
	[tilespmem:$0x1AB00] =	vst v63  }
0x177: {  	_ =	swait.ge [sflag:s21], $0x800  }
0x178: {  	[sflag:s21] =	ssyncset.done $0x0  }
0x179: {  	s12 =	rddreg [dreg:$0x15];
	[sflag:s21] =	ssyncadd.s32 $0xFFFFF800  }
0x17a: {  	[spmem:s4] =	stream.indirect.scatter.add.f32 [tilespmem:s15], [sflag:$0x4], $0x10, s12, s17, $0xb8;
	[tilespmem:$0x1AB00] =	vst v63  }
0x17b: {  	_ =	swait.ge [sflag:s18], $0x800  }
0x17c: {  	[sflag:s18] =	ssyncset.done $0x0  }
0x17d: {  	s12 =	rddreg [dreg:$0x16];
	[sflag:s18] =	ssyncadd.s32 $0xFFFFF800  }
0x17e: {  	[spmem:s4] =	stream.indirect.scatter.add.f32 [tilespmem:s15], [sflag:$0x1], $0x10, s12, s17, $0xb8;
	[tilespmem:$0x1AB00] =	vst v63  }
0x17f: {  	_ =	swait.ge [sflag:s19], $0x800  }
0x180: {  	[sflag:s19] =	ssyncset.done $0x0  }
0x181: {  	s12 =	rddreg [dreg:$0x17];
	[sflag:s19] =	ssyncadd.s32 $0xFFFFF800  }
0x182: {  	[spmem:s4] =	stream.indirect.scatter.add.f32 [tilespmem:s15], [sflag:$0x2], $0x10, s12, s17, $0xb8;
	[tilespmem:$0x1AB00] =	vst v63  }
0x183: {  	_ =	swait.ge [sflag:s20], $0x800  }
0x184: {  	[sflag:s20] =	ssyncset.done $0x0  }
0x185: {  	s12 =	rddreg [dreg:$0x18];
	[sflag:s20] =	ssyncadd.s32 $0xFFFFF800  }
0x186: {  	[spmem:s4] =	stream.indirect.scatter.add.f32 [tilespmem:s15], [sflag:$0x3], $0x10, s12, s17, $0xb8;
	[tilespmem:$0x1AB00] =	vst v63  }
0x187: {  	_ =	swait.ge [sflag:s21], $0x800  }
0x188: {  	[sflag:s21] =	ssyncset.done $0x0  }
0x189: {  	s12 =	rddreg [dreg:$0x19];
	[sflag:s21] =	ssyncadd.s32 $0xFFFFF800  }
0x18a: {  	[spmem:s4] =	stream.indirect.scatter.add.f32 [tilespmem:s15], [sflag:$0x4], $0x10, s12, s17, $0xb8;
	[tilespmem:$0x1AB00] =	vst v63  }
0x18b: {  	_ =	swait.ge [sflag:s18], $0x800  }
0x18c: {  	[sflag:s18] =	ssyncset.done $0x0  }
0x18d: {  	s12 =	rddreg [dreg:$0x1a];
	[sflag:s18] =	ssyncadd.s32 $0xFFFFF800  }
0x18e: {  	[spmem:s4] =	stream.indirect.scatter.add.f32 [tilespmem:s15], [sflag:$0x1], $0x10, s12, s17, $0xb8;
	[tilespmem:$0x1AB00] =	vst v63  }
0x18f: {  	_ =	swait.ge [sflag:s19], $0x800  }
0x190: {  	[sflag:s19] =	ssyncset.done $0x0  }
0x191: {  	s12 =	rddreg [dreg:$0x1b];
	[sflag:s19] =	ssyncadd.s32 $0xFFFFF800  }
0x192: {  	[spmem:s4] =	stream.indirect.scatter.add.f32 [tilespmem:s15], [sflag:$0x2], $0x10, s12, s17, $0xb8;
	[tilespmem:$0x1AB00] =	vst v63  }
0x193: {  	_ =	swait.ge [sflag:s20], $0x800  }
0x194: {  	[sflag:s20] =	ssyncset.done $0x0  }
0x195: {  	s12 =	rddreg [dreg:$0x1c];
	[sflag:s20] =	ssyncadd.s32 $0xFFFFF800  }
0x196: {  	[spmem:s4] =	stream.indirect.scatter.add.f32 [tilespmem:s15], [sflag:$0x3], $0x10, s12, s17, $0xb8;
	[tilespmem:$0x1AB00] =	vst v63  }
0x197: {  	_ =	swait.ge [sflag:s21], $0x800  }
0x198: {  	[sflag:s21] =	ssyncset.done $0x0  }
0x199: {  	s12 =	rddreg [dreg:$0x1d];
	[sflag:s21] =	ssyncadd.s32 $0xFFFFF800  }
0x19a: {  	[spmem:s4] =	stream.indirect.scatter.add.f32 [tilespmem:s15], [sflag:$0x4], $0x10, s12, s17, $0xb8;
	[tilespmem:$0x1AB00] =	vst v63  }
0x19b: {  	_ =	swait.ge [sflag:s18], $0x800  }
0x19c: {  	[sflag:s18] =	ssyncset.done $0x0  }
0x19d: {  	s12 =	rddreg [dreg:$0x1e];
	[sflag:s18] =	ssyncadd.s32 $0xFFFFF800  }
0x19e: {  	[spmem:s4] =	stream.indirect.scatter.add.f32 [tilespmem:s15], [sflag:$0x1], $0x10, s12, s17, $0xb8;
	[tilespmem:$0x1AB00] =	vst v63  }
0x19f: {  	_ =	swait.ge [sflag:s19], $0x800  }
0x1a0: {  	[sflag:s19] =	ssyncset.done $0x0  }
0x1a1: {  	s12 =	rddreg [dreg:$0x1f];
	[sflag:s19] =	ssyncadd.s32 $0xFFFFF800  }
0x1a2: {  	[spmem:s4] =	stream.indirect.scatter.add.f32 [tilespmem:s15], [sflag:$0x2], $0x10, s12, s17, $0xb8;
	[tilespmem:$0x1AB00] =	vst v63  }
0x1a3: {  	_ =	swait.ge [sflag:s20], $0x800  }
0x1a4: {  	s12 =	sld [smem:$0x7ED]  }
0x1a5: {  	[sflag:s20] =	ssyncset.done $0x0  }
0x1a6: {  	[sflag:s20] =	ssyncadd.s32 $0xFFFFF800  }
0x1a7: {  	[spmem:s4] =	stream.indirect.scatter.add.f32 [tilespmem:s15], [sflag:$0x3], $0x10, s12, s17, $0xb8;
	[tilespmem:$0x1AB00] =	vst v63  }
0x1a8: {  	_ =	swait.ge [sflag:s21], $0x800  }
0x1a9: {  	s12 =	sld [smem:$0x7EF]  }
0x1aa: {  	[sflag:s21] =	ssyncset.done $0x0  }
0x1ab: {  	[sflag:s21] =	ssyncadd.s32 $0xFFFFF800  }
0x1ac: {  	[spmem:s4] =	stream.indirect.scatter.add.f32 [tilespmem:s15], [sflag:$0x4], $0x10, s12, s17, $0xb8;
	[tilespmem:$0x1AB00] =	vst v63  }
0x1ad: {  	_ =	swait.ge [sflag:s18], $0x800  }
0x1ae: {  	s12 =	sld [smem:$0x7F1]  }
0x1af: {  	[sflag:s18] =	ssyncset.done $0x0  }
0x1b0: {  	[sflag:s18] =	ssyncadd.s32 $0xFFFFF800  }
0x1b1: {  	[spmem:s4] =	stream.indirect.scatter.add.f32 [tilespmem:s15], [sflag:$0x1], $0x10, s12, s17, $0xb8;
	[tilespmem:$0x1AB00] =	vst v63  }
0x1b2: {  	_ =	swait.ge [sflag:s19], $0x800  }
0x1b3: {  	s12 =	sld [smem:$0x7F3]  }
0x1b4: {  	[sflag:s19] =	ssyncset.done $0x0  }
0x1b5: {  	[sflag:s19] =	ssyncadd.s32 $0xFFFFF800  }
0x1b6: {  	[spmem:s4] =	stream.indirect.scatter.add.f32 [tilespmem:s15], [sflag:$0x2], $0x10, s12, s17, $0xb8;
	[tilespmem:$0x1AB00] =	vst v63  }
0x1b7: {  	_ =	swait.ge [sflag:s20], $0x800  }
0x1b8: {  	s12 =	sld [smem:$0x7F4]  }
0x1b9: {  	[sflag:s20] =	ssyncset.done $0x0  }
0x1ba: {  	[sflag:s20] =	ssyncadd.s32 $0xFFFFF800  }
0x1bb: {  	[spmem:s4] =	stream.indirect.scatter.add.f32 [tilespmem:s15], [sflag:$0x3], $0x10, s12, s17, $0xb8;
	[tilespmem:$0x1AB00] =	vst v63  }
0x1bc: {  	_ =	swait.ge [sflag:s21], $0x800  }
0x1bd: {  	s12 =	sld [smem:$0x7F5]  }
0x1be: {  	[sflag:s21] =	ssyncset.done $0x0  }
0x1bf: {  	[sflag:s21] =	ssyncadd.s32 $0xFFFFF800  }
0x1c0: {  	[spmem:s4] =	stream.indirect.scatter.add.f32 [tilespmem:s15], [sflag:$0x4], $0x10, s12, s17, $0xb8;
	[tilespmem:$0x1AB00] =	vst v63  }
0x1c1: {  	_ =	swait.ge [sflag:s18], $0x800  }
0x1c2: {  	s12 =	sld [smem:$0x7F6]  }
0x1c3: {  	[sflag:s18] =	ssyncset.done $0x0  }
0x1c4: {  	[sflag:s18] =	ssyncadd.s32 $0xFFFFF800  }
0x1c5: {  	[spmem:s4] =	stream.indirect.scatter.add.f32 [tilespmem:s15], [sflag:$0x1], $0x10, s12, s17, $0xb8;
	[tilespmem:$0x1AB00] =	vst v63  }
0x1c6: {  	_ =	swait.ge [sflag:s19], $0x800  }
0x1c7: {  	s12 =	sld [smem:$0x7F7]  }
0x1c8: {  	[sflag:s19] =	ssyncset.done $0x0  }
0x1c9: {  	[sflag:s19] =	ssyncadd.s32 $0xFFFFF800  }
0x1ca: {  	[spmem:s4] =	stream.indirect.scatter.add.f32 [tilespmem:s15], [sflag:$0x2], $0x10, s12, s17, $0xb8;
	[tilespmem:$0x1AB00] =	vst v63  }
0x1cb: {  	_ =	swait.ge [sflag:s20], $0x800  }
0x1cc: {  	s12 =	sld [smem:$0x7F8]  }
0x1cd: {  	[sflag:s20] =	ssyncset.done $0x0  }
0x1ce: {  	[sflag:s20] =	ssyncadd.s32 $0xFFFFF800  }
0x1cf: {  	[spmem:s4] =	stream.indirect.scatter.add.f32 [tilespmem:s15], [sflag:$0x3], $0x10, s12, s17, $0xb8;
	[tilespmem:$0x1AB00] =	vst v63  }
0x1d0: {  	_ =	swait.ge [sflag:s21], $0x800  }
0x1d1: {  	s12 =	sld [smem:$0x7F9]  }
0x1d2: {  	[sflag:s21] =	ssyncset.done $0x0  }
0x1d3: {  	[sflag:s21] =	ssyncadd.s32 $0xFFFFF800  }
0x1d4: {  	[spmem:s4] =	stream.indirect.scatter.add.f32 [tilespmem:s15], [sflag:$0x4], $0x10, s12, s17, $0xb8;
	[tilespmem:$0x1AB00] =	vst v63  }
0x1d5: {  	_ =	swait.ge [sflag:s18], $0x800  }
0x1d6: {  	s12 =	sld [smem:$0x7FA]  }
0x1d7: {  	[sflag:s18] =	ssyncset.done $0x0  }
0x1d8: {  	[sflag:s18] =	ssyncadd.s32 $0xFFFFF800  }
0x1d9: {  	[spmem:s4] =	stream.indirect.scatter.add.f32 [tilespmem:s15], [sflag:$0x1], $0x10, s12, s17, $0xb8;
	[tilespmem:$0x1AB00] =	vst v63  }
0x1da: {  	_ =	swait.ge [sflag:s19], $0x800  }
0x1db: {  	s12 =	sld [smem:$0x7FB]  }
0x1dc: {  	[sflag:s19] =	ssyncset.done $0x0  }
0x1dd: {  	[sflag:s19] =	ssyncadd.s32 $0xFFFFF800  }
0x1de: {  	[spmem:s4] =	stream.indirect.scatter.add.f32 [tilespmem:s15], [sflag:$0x2], $0x10, s12, s17, $0xb8;
	[tilespmem:$0x1AB00] =	vst v63  }
0x1df: {  	_ =	swait.ge [sflag:s20], $0x800  }
0x1e0: {  	[sflag:s20] =	ssyncset.done $0x0  }
0x1e1: {  	[sflag:s20] =	ssyncadd.s32 $0xFFFFF800  }
0x1e2: {  	[spmem:s4] =	stream.indirect.scatter.add.f32 [tilespmem:s15], [sflag:$0x3], $0x10, s23, s17, $0xb8;
	[tilespmem:$0x1AB00] =	vst v63  }
0x1e3: {  	_ =	swait.ge [sflag:s21], $0x800  }
0x1e4: {  	[sflag:s21] =	ssyncset.done $0x0  }
0x1e5: {  	[sflag:s21] =	ssyncadd.s32 $0xFFFFF800  }
0x1e6: {  	[spmem:s4] =	stream.indirect.scatter.add.f32 [tilespmem:s15], [sflag:$0x4], $0x10, s0, s17, $0xb8;
	[tilespmem:$0x1AB00] =	vst v63  }
0x1e7: {  	_ =	swait.ge [sflag:s18], $0x800  }
0x1e8: {  	[sflag:s18] =	ssyncset.done $0x0  }
0x1e9: {  	[sflag:s18] =	ssyncadd.s32 $0xFFFFF800  }
0x1ea: {  	[spmem:s4] =	stream.indirect.scatter.add.f32 [tilespmem:s15], [sflag:$0x1], $0x10, s24, s17, $0xb8;
	[tilespmem:$0x1AB00] =	vst v63  }
0x1eb: {  	_ =	swait.ge [sflag:s19], $0x800  }
0x1ec: {  	[sflag:s19] =	ssyncset.done $0x0  }
0x1ed: {  	[sflag:s19] =	ssyncadd.s32 $0xFFFFF800  }
0x1ee: {  	[spmem:s4] =	stream.indirect.scatter.add.f32 [tilespmem:s15], [sflag:$0x2], $0x10, s25, s17, $0xb8;
	[tilespmem:$0x1AB00] =	vst v63  }
0x1ef: {  	_ =	swait.ge [sflag:s20], $0x800  }
0x1f0: {  	[sflag:s20] =	ssyncset.done $0x0  }
0x1f1: {  	[sflag:s20] =	ssyncadd.s32 $0xFFFFF800  }
0x1f2: {  	[spmem:s4] =	stream.indirect.scatter.add.f32 [tilespmem:s15], [sflag:$0x3], $0x10, s26, s17, $0xb8;
	[tilespmem:$0x1AB00] =	vst v63  }
0x1f3: {  	_ =	swait.ge [sflag:s21], $0x800  }
0x1f4: {  	[sflag:s21] =	ssyncset.done $0x0  }
0x1f5: {  	[sflag:s21] =	ssyncadd.s32 $0xFFFFF800  }
0x1f6: {  	[spmem:s4] =	stream.indirect.scatter.add.f32 [tilespmem:s15], [sflag:$0x4], $0x10, s28, s17, $0xb8;
	[tilespmem:$0x1AB00] =	vst v63  }
0x1f7: {  	_ =	swait.ge [sflag:s18], $0x800  }
0x1f8: {  	[sflag:s18] =	ssyncset.done $0x0  }
0x1f9: {  	[sflag:s18] =	ssyncadd.s32 $0xFFFFF800  }
0x1fa: {  	[spmem:s4] =	stream.indirect.scatter.add.f32 [tilespmem:s15], [sflag:$0x1], $0x10, s29, s17, $0xb8;
	[tilespmem:$0x1AB00] =	vst v63  }
0x1fb: {  	_ =	swait.ge [sflag:s19], $0x800  }
0x1fc: {  	[sflag:s19] =	ssyncset.done $0x0  }
0x1fd: {  	[sflag:s19] =	ssyncadd.s32 $0xFFFFF800  }
0x1fe: {  	[spmem:s4] =	stream.indirect.scatter.add.f32 [tilespmem:s15], [sflag:$0x2], $0x10, s30, s17, $0xb8;
	[tilespmem:$0x1AB00] =	vst v63  }
0x1ff: {  	_ =	swait.ge [sflag:s20], $0x800  }
0x200: {  	[sflag:s20] =	ssyncset.done $0x0  }
0x201: {  	[sflag:s20] =	ssyncadd.s32 $0xFFFFF800  }
0x202: {  	[spmem:s4] =	stream.indirect.scatter.add.f32 [tilespmem:s15], [sflag:$0x3], $0x10, s31, s17, $0xb8;
	[tilespmem:$0x1AB00] =	vst v63  }
0x203: {  	_ =	swait.ge [sflag:s21], $0x800  }
0x204: {  	[sflag:s21] =	ssyncset.done $0x0  }
0x205: {  	[sflag:s21] =	ssyncadd.s32 $0xFFFFF800  }
0x206: {  	[spmem:s4] =	stream.indirect.scatter.add.f32 [tilespmem:s15], [sflag:$0x4], $0x10, s2, s17, $0xb8;
	[tilespmem:$0x1AB00] =	vst v63  }
0x207: {  	_ =	swait.ge [sflag:s18], $0x800  }
0x208: {  	[sflag:s18] =	ssyncset.done $0x0  }
0x209: {  	s12 =	simm.s32 $0x19F00;
	[sflag:s18] =	ssyncadd.s32 $0xFFFFF800  }
0x20a: {  	[spmem:s4] =	stream.indirect.scatter.add.f32 [tilespmem:s15], [sflag:$0x1], $0x10, s12, s17, $0xb8;
	[tilespmem:$0x1AB00] =	vst v63  }
0x20b: {  	_ =	swait.ge [sflag:s19], $0x800  }
0x20c: {  	[sflag:s19] =	ssyncset.done $0x0  }
0x20d: {  	[sflag:s19] =	ssyncadd.s32 $0xFFFFF800  }
0x20e: {  	[spmem:s4] =	stream.indirect.scatter.add.f32 [tilespmem:s15], [sflag:$0x2], $0x10, s1, s17, $0xb8;
	[tilespmem:$0x1AB00] =	vst v63  }
0x20f: {  	_ =	swait.ge [sflag:s20], $0x800  }
0x210: {  	[sflag:s20] =	ssyncset.done $0x0  }
0x211: {  	[sflag:s20] =	ssyncadd.s32 $0xFFFFF800  }
0x212: {  	[spmem:s4] =	stream.indirect.scatter.add.f32 [tilespmem:s15], [sflag:$0x3], $0x10, s3, s17, $0xb8;
	[tilespmem:$0x1AB00] =	vst v63  }
0x213: {  	_ =	swait.ge [sflag:s21], $0x800  }
0x214: {  	[sflag:s21] =	ssyncset.done $0x0  }
0x215: {  	[sflag:s21] =	ssyncadd.s32 $0xFFFFF800  }
0x216: {  	[spmem:s4] =	stream.indirect.scatter.add.f32 [tilespmem:s15], [sflag:$0x4], $0x10, s10, s17, $0xb8;
	[tilespmem:$0x1AB00] =	vst v63  }
0x217: {  	_ =	swait.ge [sflag:s18], $0x800  }
0x218: {  	[sflag:s18] =	ssyncset.done $0x0  }
0x219: {  	[sflag:s18] =	ssyncadd.s32 $0xFFFFF800  }
0x21a: {  	[spmem:s4] =	stream.indirect.scatter.add.f32 [tilespmem:s15], [sflag:$0x1], $0x10, s11, s17, $0xb8;
	[tilespmem:$0x1AB00] =	vst v63  }
0x21b: {  	_ =	swait.ge [sflag:s19], $0x800  }
0x21c: {  	[sflag:s19] =	ssyncset.done $0x0  }
0x21d: {  	[sflag:s19] =	ssyncadd.s32 $0xFFFFF800  }
0x21e: {  	[spmem:s4] =	stream.indirect.scatter.add.f32 [tilespmem:s15], [sflag:$0x2], $0x10, s8, s17, $0xb8;
	[tilespmem:$0x1AB00] =	vst v63  }
0x21f: {  	_ =	swait.ge [sflag:s20], $0x800  }
0x220: {  	[sflag:s20] =	ssyncset.done $0x0  }
0x221: {  	[sflag:s20] =	ssyncadd.s32 $0xFFFFF800  }
0x222: {  	[spmem:s4] =	stream.indirect.scatter.add.f32 [tilespmem:s15], [sflag:$0x3], $0x10, s6, s17, $0xb8;
	[tilespmem:$0x1AB00] =	vst v63  }
0x223: {  	_ =	swait.ge [sflag:s21], $0x800  }
0x224: {  	[sflag:s21] =	ssyncset.done $0x0  }
0x225: {  	[sflag:s21] =	ssyncadd.s32 $0xFFFFF800  }
0x226: {  	[spmem:s4] =	stream.indirect.scatter.add.f32 [tilespmem:s15], [sflag:$0x4], $0x10, s7, s17, $0xb8;
	[tilespmem:$0x1AB00] =	vst v63  }
0x227: {  	_ =	swait.ge [sflag:s18], $0x800  }
0x228: {  	[sflag:s18] =	ssyncset.done $0x0  }
0x229: {  	[sflag:s18] =	ssyncadd.s32 $0xFFFFF800  }
0x22a: {  	_ =	swait.ge [sflag:s19], $0x800  }
0x22b: {  	[sflag:s19] =	ssyncset.done $0x0  }
0x22c: {  	p5 =	sne.s32 s9, $0x1500;
	[sflag:s19] =	ssyncadd.s32 $0xFFFFF800  }
.Ltmp2:
0x22d: {  	_ =	swait.ge [sflag:s20], $0x800;
	(pc) =	sbr.rel @p5 .LBB2_2-.Ltmp2, $4  }
0x22e: {  	[sflag:s20] =	ssyncset.done $0x0  }
0x22f: {  	[sflag:s20] =	ssyncadd.s32 $0xFFFFF800  }
0x230: {  	_ =	swait.ge [sflag:s21], $0x800  }
0x231: {  	s9 =	sadd.s32 $0x380, s9;
	s12 =	rddreg [dreg:$0x6];
	[sflag:s21] =	ssyncset.done $0x0  }
0x232: {  	[sflag:s21] =	ssyncadd.s32 $0xFFFFF800;
	s5 =	sadd.s32 s13, s12  }
0x233: {  	[tilespmem:s16], [sflag:$0x5] =	stream.linear.gather [hbm4b:s5+s22], $0x1C00, $0x38;
	[tilespmem:$0x1AB00] =	vst v63  }
0x234: {  	_ =	swait.ge [sflag:s14], $0x1C00  }
0x235: {  	[sflag:s14] =	ssyncset.done $0x0  }
0x236: {  	[sflag:s14] =	ssyncadd.s32 $0xFFFFE400  }
0x237: {  	[spmem:s4] =	stream.indirect.scatter.add.f32 [tilespmem:s15], [sflag:$0x1], $0x10, s16, s17, $0xb8;
	[tilespmem:$0x1AB00] =	vst v63  }
0x238: {  	s22 =	rddreg [dreg:$0x7]  }
0x239: {  	[spmem:s4] =	stream.indirect.scatter.add.f32 [tilespmem:s15], [sflag:$0x2], $0x10, s22, s17, $0xb8;
	[tilespmem:$0x1AB00] =	vst v63  }
0x23a: {  	s9 =	rddreg [dreg:$0x8]  }
0x23b: {  	[spmem:s4] =	stream.indirect.scatter.add.f32 [tilespmem:s15], [sflag:$0x3], $0x10, s9, s17, $0xb8;
	[tilespmem:$0x1AB00] =	vst v63  }
0x23c: {  	s12 =	rddreg [dreg:$0x9]  }
0x23d: {  	[spmem:s4] =	stream.indirect.scatter.add.f32 [tilespmem:s15], [sflag:$0x4], $0x10, s12, s17, $0xb8;
	[tilespmem:$0x1AB00] =	vst v63  }
0x23e: {  	_ =	swait.ge [sflag:s18], $0x800  }
0x23f: {  	[sflag:s18] =	ssyncset.done $0x0  }
0x240: {  	s13 =	rddreg [dreg:$0xa];
	[sflag:s18] =	ssyncadd.s32 $0xFFFFF800  }
0x241: {  	[spmem:s4] =	stream.indirect.scatter.add.f32 [tilespmem:s15], [sflag:$0x1], $0x10, s13, s17, $0xb8;
	[tilespmem:$0x1AB00] =	vst v63  }
0x242: {  	_ =	swait.ge [sflag:s19], $0x800  }
0x243: {  	[sflag:s19] =	ssyncset.done $0x0  }
0x244: {  	s22 =	rddreg [dreg:$0xb];
	[sflag:s19] =	ssyncadd.s32 $0xFFFFF800  }
0x245: {  	[spmem:s4] =	stream.indirect.scatter.add.f32 [tilespmem:s15], [sflag:$0x2], $0x10, s22, s17, $0xb8;
	[tilespmem:$0x1AB00] =	vst v63  }
0x246: {  	_ =	swait.ge [sflag:s20], $0x800  }
0x247: {  	[sflag:s20] =	ssyncset.done $0x0  }
0x248: {  	s9 =	rddreg [dreg:$0xc];
	[sflag:s20] =	ssyncadd.s32 $0xFFFFF800  }
0x249: {  	[spmem:s4] =	stream.indirect.scatter.add.f32 [tilespmem:s15], [sflag:$0x3], $0x10, s9, s17, $0xb8;
	[tilespmem:$0x1AB00] =	vst v63  }
0x24a: {  	_ =	swait.ge [sflag:s21], $0x800  }
0x24b: {  	[sflag:s21] =	ssyncset.done $0x0  }
0x24c: {  	s12 =	rddreg [dreg:$0xd];
	[sflag:s21] =	ssyncadd.s32 $0xFFFFF800  }
0x24d: {  	[spmem:s4] =	stream.indirect.scatter.add.f32 [tilespmem:s15], [sflag:$0x4], $0x10, s12, s17, $0xb8;
	[tilespmem:$0x1AB00] =	vst v63  }
0x24e: {  	_ =	swait.ge [sflag:s18], $0x800  }
0x24f: {  	[sflag:s18] =	ssyncset.done $0x0  }
0x250: {  	s13 =	rddreg [dreg:$0xe];
	[sflag:s18] =	ssyncadd.s32 $0xFFFFF800  }
0x251: {  	[spmem:s4] =	stream.indirect.scatter.add.f32 [tilespmem:s15], [sflag:$0x1], $0x10, s13, s17, $0xb8;
	[tilespmem:$0x1AB00] =	vst v63  }
0x252: {  	_ =	swait.ge [sflag:s19], $0x800  }
0x253: {  	[sflag:s19] =	ssyncset.done $0x0  }
0x254: {  	s22 =	rddreg [dreg:$0xf];
	[sflag:s19] =	ssyncadd.s32 $0xFFFFF800  }
0x255: {  	[spmem:s4] =	stream.indirect.scatter.add.f32 [tilespmem:s15], [sflag:$0x2], $0x10, s22, s17, $0xb8;
	[tilespmem:$0x1AB00] =	vst v63  }
0x256: {  	_ =	swait.ge [sflag:s20], $0x800  }
0x257: {  	[sflag:s20] =	ssyncset.done $0x0  }
0x258: {  	s9 =	rddreg [dreg:$0x10];
	[sflag:s20] =	ssyncadd.s32 $0xFFFFF800  }
0x259: {  	[spmem:s4] =	stream.indirect.scatter.add.f32 [tilespmem:s15], [sflag:$0x3], $0x10, s9, s17, $0xb8;
	[tilespmem:$0x1AB00] =	vst v63  }
0x25a: {  	_ =	swait.ge [sflag:s21], $0x800  }
0x25b: {  	[sflag:s21] =	ssyncset.done $0x0  }
0x25c: {  	s12 =	rddreg [dreg:$0x11];
	[sflag:s21] =	ssyncadd.s32 $0xFFFFF800  }
0x25d: {  	[spmem:s4] =	stream.indirect.scatter.add.f32 [tilespmem:s15], [sflag:$0x4], $0x10, s12, s17, $0xb8;
	[tilespmem:$0x1AB00] =	vst v63  }
0x25e: {  	_ =	swait.ge [sflag:s18], $0x800  }
0x25f: {  	[sflag:s18] =	ssyncset.done $0x0  }
0x260: {  	s13 =	rddreg [dreg:$0x12];
	[sflag:s18] =	ssyncadd.s32 $0xFFFFF800  }
0x261: {  	[spmem:s4] =	stream.indirect.scatter.add.f32 [tilespmem:s15], [sflag:$0x1], $0x10, s13, s17, $0xb8;
	[tilespmem:$0x1AB00] =	vst v63  }
0x262: {  	_ =	swait.ge [sflag:s19], $0x800  }
0x263: {  	[sflag:s19] =	ssyncset.done $0x0  }
0x264: {  	s22 =	rddreg [dreg:$0x13];
	[sflag:s19] =	ssyncadd.s32 $0xFFFFF800  }
0x265: {  	[spmem:s4] =	stream.indirect.scatter.add.f32 [tilespmem:s15], [sflag:$0x2], $0x10, s22, s17, $0xb8;
	[tilespmem:$0x1AB00] =	vst v63  }
0x266: {  	_ =	swait.ge [sflag:s20], $0x800  }
0x267: {  	[sflag:s20] =	ssyncset.done $0x0  }
0x268: {  	s9 =	rddreg [dreg:$0x14];
	[sflag:s20] =	ssyncadd.s32 $0xFFFFF800  }
0x269: {  	[spmem:s4] =	stream.indirect.scatter.add.f32 [tilespmem:s15], [sflag:$0x3], $0x10, s9, s17, $0xb8;
	[tilespmem:$0x1AB00] =	vst v63  }
0x26a: {  	_ =	swait.ge [sflag:s21], $0x800  }
0x26b: {  	[sflag:s21] =	ssyncset.done $0x0  }
0x26c: {  	s12 =	rddreg [dreg:$0x15];
	[sflag:s21] =	ssyncadd.s32 $0xFFFFF800  }
0x26d: {  	[spmem:s4] =	stream.indirect.scatter.add.f32 [tilespmem:s15], [sflag:$0x4], $0x10, s12, s17, $0xb8;
	[tilespmem:$0x1AB00] =	vst v63  }
0x26e: {  	_ =	swait.ge [sflag:s18], $0x800  }
0x26f: {  	[sflag:s18] =	ssyncset.done $0x0  }
0x270: {  	s13 =	rddreg [dreg:$0x16];
	[sflag:s18] =	ssyncadd.s32 $0xFFFFF800  }
0x271: {  	[spmem:s4] =	stream.indirect.scatter.add.f32 [tilespmem:s15], [sflag:$0x1], $0x10, s13, s17, $0xb8;
	[tilespmem:$0x1AB00] =	vst v63  }
0x272: {  	_ =	swait.ge [sflag:s19], $0x800  }
0x273: {  	[sflag:s19] =	ssyncset.done $0x0  }
0x274: {  	s22 =	rddreg [dreg:$0x17];
	[sflag:s19] =	ssyncadd.s32 $0xFFFFF800  }
0x275: {  	[spmem:s4] =	stream.indirect.scatter.add.f32 [tilespmem:s15], [sflag:$0x2], $0x10, s22, s17, $0xb8;
	[tilespmem:$0x1AB00] =	vst v63  }
0x276: {  	_ =	swait.ge [sflag:s20], $0x800  }
0x277: {  	[sflag:s20] =	ssyncset.done $0x0  }
0x278: {  	s9 =	rddreg [dreg:$0x18];
	[sflag:s20] =	ssyncadd.s32 $0xFFFFF800  }
0x279: {  	[spmem:s4] =	stream.indirect.scatter.add.f32 [tilespmem:s15], [sflag:$0x3], $0x10, s9, s17, $0xb8;
	[tilespmem:$0x1AB00] =	vst v63  }
0x27a: {  	_ =	swait.ge [sflag:s21], $0x800  }
0x27b: {  	[sflag:s21] =	ssyncset.done $0x0  }
0x27c: {  	s12 =	rddreg [dreg:$0x19];
	[sflag:s21] =	ssyncadd.s32 $0xFFFFF800  }
0x27d: {  	[spmem:s4] =	stream.indirect.scatter.add.f32 [tilespmem:s15], [sflag:$0x4], $0x10, s12, s17, $0xb8;
	[tilespmem:$0x1AB00] =	vst v63  }
0x27e: {  	_ =	swait.ge [sflag:s18], $0x800  }
0x27f: {  	[sflag:s18] =	ssyncset.done $0x0  }
0x280: {  	s13 =	rddreg [dreg:$0x1a];
	[sflag:s18] =	ssyncadd.s32 $0xFFFFF800  }
0x281: {  	[spmem:s4] =	stream.indirect.scatter.add.f32 [tilespmem:s15], [sflag:$0x1], $0x10, s13, s17, $0xb8;
	[tilespmem:$0x1AB00] =	vst v63  }
0x282: {  	_ =	swait.ge [sflag:s19], $0x800  }
0x283: {  	[sflag:s19] =	ssyncset.done $0x0  }
0x284: {  	s22 =	rddreg [dreg:$0x1b];
	[sflag:s19] =	ssyncadd.s32 $0xFFFFF800  }
0x285: {  	[spmem:s4] =	stream.indirect.scatter.add.f32 [tilespmem:s15], [sflag:$0x2], $0x10, s22, s17, $0xb8;
	[tilespmem:$0x1AB00] =	vst v63  }
0x286: {  	_ =	swait.ge [sflag:s20], $0x800  }
0x287: {  	[sflag:s20] =	ssyncset.done $0x0  }
0x288: {  	s9 =	rddreg [dreg:$0x1c];
	[sflag:s20] =	ssyncadd.s32 $0xFFFFF800  }
0x289: {  	[spmem:s4] =	stream.indirect.scatter.add.f32 [tilespmem:s15], [sflag:$0x3], $0x10, s9, s17, $0xb8;
	[tilespmem:$0x1AB00] =	vst v63  }
0x28a: {  	_ =	swait.ge [sflag:s21], $0x800  }
0x28b: {  	[sflag:s21] =	ssyncset.done $0x0  }
0x28c: {  	s12 =	rddreg [dreg:$0x1d];
	[sflag:s21] =	ssyncadd.s32 $0xFFFFF800  }
0x28d: {  	[spmem:s4] =	stream.indirect.scatter.add.f32 [tilespmem:s15], [sflag:$0x4], $0x10, s12, s17, $0xb8;
	[tilespmem:$0x1AB00] =	vst v63  }
0x28e: {  	_ =	swait.ge [sflag:s18], $0x800  }
0x28f: {  	[sflag:s18] =	ssyncset.done $0x0  }
0x290: {  	s13 =	rddreg [dreg:$0x1e];
	[sflag:s18] =	ssyncadd.s32 $0xFFFFF800  }
0x291: {  	[spmem:s4] =	stream.indirect.scatter.add.f32 [tilespmem:s15], [sflag:$0x1], $0x10, s13, s17, $0xb8;
	[tilespmem:$0x1AB00] =	vst v63  }
0x292: {  	_ =	swait.ge [sflag:s19], $0x800  }
0x293: {  	[sflag:s19] =	ssyncset.done $0x0  }
0x294: {  	s22 =	rddreg [dreg:$0x1f];
	[sflag:s19] =	ssyncadd.s32 $0xFFFFF800  }
0x295: {  	[spmem:s4] =	stream.indirect.scatter.add.f32 [tilespmem:s15], [sflag:$0x2], $0x10, s22, s17, $0xb8;
	[tilespmem:$0x1AB00] =	vst v63  }
0x296: {  	_ =	swait.ge [sflag:s20], $0x800  }
0x297: {  	s9 =	sld [smem:$0x7ED]  }
0x298: {  	[sflag:s20] =	ssyncset.done $0x0  }
0x299: {  	[sflag:s20] =	ssyncadd.s32 $0xFFFFF800  }
0x29a: {  	[spmem:s4] =	stream.indirect.scatter.add.f32 [tilespmem:s15], [sflag:$0x3], $0x10, s9, s17, $0xb8;
	[tilespmem:$0x1AB00] =	vst v63  }
0x29b: {  	_ =	swait.ge [sflag:s21], $0x800  }
0x29c: {  	s12 =	sld [smem:$0x7EF]  }
0x29d: {  	[sflag:s21] =	ssyncset.done $0x0  }
0x29e: {  	[sflag:s21] =	ssyncadd.s32 $0xFFFFF800  }
0x29f: {  	[spmem:s4] =	stream.indirect.scatter.add.f32 [tilespmem:s15], [sflag:$0x4], $0x10, s12, s17, $0xb8;
	[tilespmem:$0x1AB00] =	vst v63  }
0x2a0: {  	_ =	swait.ge [sflag:s18], $0x800  }
0x2a1: {  	s13 =	sld [smem:$0x7F1]  }
0x2a2: {  	[sflag:s18] =	ssyncset.done $0x0  }
0x2a3: {  	[sflag:s18] =	ssyncadd.s32 $0xFFFFF800  }
0x2a4: {  	[spmem:s4] =	stream.indirect.scatter.add.f32 [tilespmem:s15], [sflag:$0x1], $0x10, s13, s17, $0xb8;
	[tilespmem:$0x1AB00] =	vst v63  }
0x2a5: {  	_ =	swait.ge [sflag:s19], $0x800  }
0x2a6: {  	s22 =	sld [smem:$0x7F3]  }
0x2a7: {  	[sflag:s19] =	ssyncset.done $0x0  }
0x2a8: {  	[sflag:s19] =	ssyncadd.s32 $0xFFFFF800  }
0x2a9: {  	[spmem:s4] =	stream.indirect.scatter.add.f32 [tilespmem:s15], [sflag:$0x2], $0x10, s22, s17, $0xb8;
	[tilespmem:$0x1AB00] =	vst v63  }
0x2aa: {  	_ =	swait.ge [sflag:s20], $0x800  }
0x2ab: {  	s9 =	sld [smem:$0x7F4]  }
0x2ac: {  	[sflag:s20] =	ssyncset.done $0x0  }
0x2ad: {  	[sflag:s20] =	ssyncadd.s32 $0xFFFFF800  }
0x2ae: {  	[spmem:s4] =	stream.indirect.scatter.add.f32 [tilespmem:s15], [sflag:$0x3], $0x10, s9, s17, $0xb8;
	[tilespmem:$0x1AB00] =	vst v63  }
0x2af: {  	_ =	swait.ge [sflag:s21], $0x800  }
0x2b0: {  	s12 =	sld [smem:$0x7F5]  }
0x2b1: {  	[sflag:s21] =	ssyncset.done $0x0  }
0x2b2: {  	[sflag:s21] =	ssyncadd.s32 $0xFFFFF800  }
0x2b3: {  	[spmem:s4] =	stream.indirect.scatter.add.f32 [tilespmem:s15], [sflag:$0x4], $0x10, s12, s17, $0xb8;
	[tilespmem:$0x1AB00] =	vst v63  }
0x2b4: {  	_ =	swait.ge [sflag:s18], $0x800  }
0x2b5: {  	s13 =	sld [smem:$0x7F6]  }
0x2b6: {  	[sflag:s18] =	ssyncset.done $0x0  }
0x2b7: {  	[sflag:s18] =	ssyncadd.s32 $0xFFFFF800  }
0x2b8: {  	[spmem:s4] =	stream.indirect.scatter.add.f32 [tilespmem:s15], [sflag:$0x1], $0x10, s13, s17, $0xb8;
	[tilespmem:$0x1AB00] =	vst v63  }
0x2b9: {  	_ =	swait.ge [sflag:s19], $0x800  }
0x2ba: {  	s22 =	sld [smem:$0x7F7]  }
0x2bb: {  	[sflag:s19] =	ssyncset.done $0x0  }
0x2bc: {  	[sflag:s19] =	ssyncadd.s32 $0xFFFFF800  }
0x2bd: {  	[spmem:s4] =	stream.indirect.scatter.add.f32 [tilespmem:s15], [sflag:$0x2], $0x10, s22, s17, $0xb8;
	[tilespmem:$0x1AB00] =	vst v63  }
0x2be: {  	_ =	swait.ge [sflag:s20], $0x800  }
0x2bf: {  	s9 =	sld [smem:$0x7F8]  }
0x2c0: {  	[sflag:s20] =	ssyncset.done $0x0  }
0x2c1: {  	[sflag:s20] =	ssyncadd.s32 $0xFFFFF800  }
0x2c2: {  	[spmem:s4] =	stream.indirect.scatter.add.f32 [tilespmem:s15], [sflag:$0x3], $0x10, s9, s17, $0xb8;
	[tilespmem:$0x1AB00] =	vst v63  }
0x2c3: {  	_ =	swait.ge [sflag:s21], $0x800  }
0x2c4: {  	s12 =	sld [smem:$0x7F9]  }
0x2c5: {  	[sflag:s21] =	ssyncset.done $0x0  }
0x2c6: {  	[sflag:s21] =	ssyncadd.s32 $0xFFFFF800  }
0x2c7: {  	[spmem:s4] =	stream.indirect.scatter.add.f32 [tilespmem:s15], [sflag:$0x4], $0x10, s12, s17, $0xb8;
	[tilespmem:$0x1AB00] =	vst v63  }
0x2c8: {  	_ =	swait.ge [sflag:s18], $0x800  }
0x2c9: {  	s13 =	sld [smem:$0x7FA]  }
0x2ca: {  	[sflag:s18] =	ssyncset.done $0x0  }
0x2cb: {  	[sflag:s18] =	ssyncadd.s32 $0xFFFFF800  }
0x2cc: {  	[spmem:s4] =	stream.indirect.scatter.add.f32 [tilespmem:s15], [sflag:$0x1], $0x10, s13, s17, $0xb8;
	[tilespmem:$0x1AB00] =	vst v63  }
0x2cd: {  	_ =	swait.ge [sflag:s19], $0x800  }
0x2ce: {  	s22 =	sld [smem:$0x7FB]  }
0x2cf: {  	[sflag:s19] =	ssyncset.done $0x0  }
0x2d0: {  	[sflag:s19] =	ssyncadd.s32 $0xFFFFF800  }
0x2d1: {  	[spmem:s4] =	stream.indirect.scatter.add.f32 [tilespmem:s15], [sflag:$0x2], $0x10, s22, s17, $0xb8;
	[tilespmem:$0x1AB00] =	vst v63  }
0x2d2: {  	_ =	swait.ge [sflag:s20], $0x800  }
0x2d3: {  	[sflag:s20] =	ssyncset.done $0x0  }
0x2d4: {  	[sflag:s20] =	ssyncadd.s32 $0xFFFFF800  }
0x2d5: {  	[spmem:s4] =	stream.indirect.scatter.add.f32 [tilespmem:s15], [sflag:$0x3], $0x10, s23, s17, $0xb8;
	[tilespmem:$0x1AB00] =	vst v63  }
0x2d6: {  	_ =	swait.ge [sflag:s21], $0x800  }
0x2d7: {  	[sflag:s21] =	ssyncset.done $0x0  }
0x2d8: {  	[sflag:s21] =	ssyncadd.s32 $0xFFFFF800  }
0x2d9: {  	[spmem:s4] =	stream.indirect.scatter.add.f32 [tilespmem:s15], [sflag:$0x4], $0x10, s0, s17, $0xb8;
	[tilespmem:$0x1AB00] =	vst v63  }
0x2da: {  	_ =	swait.ge [sflag:s18], $0x800  }
0x2db: {  	[sflag:s18] =	ssyncset.done $0x0  }
0x2dc: {  	[sflag:s18] =	ssyncadd.s32 $0xFFFFF800  }
0x2dd: {  	[spmem:s4] =	stream.indirect.scatter.add.f32 [tilespmem:s15], [sflag:$0x1], $0x10, s24, s17, $0xb8;
	[tilespmem:$0x1AB00] =	vst v63  }
0x2de: {  	_ =	swait.ge [sflag:s19], $0x800  }
0x2df: {  	[sflag:s19] =	ssyncset.done $0x0  }
0x2e0: {  	[sflag:s19] =	ssyncadd.s32 $0xFFFFF800  }
0x2e1: {  	[spmem:s4] =	stream.indirect.scatter.add.f32 [tilespmem:s15], [sflag:$0x2], $0x10, s25, s17, $0xb8;
	[tilespmem:$0x1AB00] =	vst v63  }
0x2e2: {  	_ =	swait.ge [sflag:s20], $0x800  }
0x2e3: {  	[sflag:s20] =	ssyncset.done $0x0  }
0x2e4: {  	[sflag:s20] =	ssyncadd.s32 $0xFFFFF800  }
0x2e5: {  	[spmem:s4] =	stream.indirect.scatter.add.f32 [tilespmem:s15], [sflag:$0x3], $0x10, s26, s17, $0xb8;
	[tilespmem:$0x1AB00] =	vst v63  }
0x2e6: {  	_ =	swait.ge [sflag:s21], $0x800  }
0x2e7: {  	[sflag:s21] =	ssyncset.done $0x0  }
0x2e8: {  	[sflag:s21] =	ssyncadd.s32 $0xFFFFF800  }
0x2e9: {  	[spmem:s4] =	stream.indirect.scatter.add.f32 [tilespmem:s15], [sflag:$0x4], $0x10, s28, s17, $0xb8;
	[tilespmem:$0x1AB00] =	vst v63  }
0x2ea: {  	_ =	swait.ge [sflag:s18], $0x800  }
0x2eb: {  	[sflag:s18] =	ssyncset.done $0x0  }
0x2ec: {  	[sflag:s18] =	ssyncadd.s32 $0xFFFFF800  }
0x2ed: {  	[spmem:s4] =	stream.indirect.scatter.add.f32 [tilespmem:s15], [sflag:$0x1], $0x10, s29, s17, $0xb8;
	[tilespmem:$0x1AB00] =	vst v63  }
0x2ee: {  	_ =	swait.ge [sflag:s19], $0x800  }
0x2ef: {  	[sflag:s19] =	ssyncset.done $0x0  }
0x2f0: {  	[sflag:s19] =	ssyncadd.s32 $0xFFFFF800  }
0x2f1: {  	[spmem:s4] =	stream.indirect.scatter.add.f32 [tilespmem:s15], [sflag:$0x2], $0x10, s30, s17, $0xb8;
	[tilespmem:$0x1AB00] =	vst v63  }
0x2f2: {  	_ =	swait.ge [sflag:s20], $0x800  }
0x2f3: {  	[sflag:s20] =	ssyncset.done $0x0  }
0x2f4: {  	[sflag:s20] =	ssyncadd.s32 $0xFFFFF800  }
0x2f5: {  	[spmem:s4] =	stream.indirect.scatter.add.f32 [tilespmem:s15], [sflag:$0x3], $0x10, s31, s17, $0xb8;
	[tilespmem:$0x1AB00] =	vst v63  }
0x2f6: {  	_ =	swait.ge [sflag:s21], $0x800  }
0x2f7: {  	[sflag:s21] =	ssyncset.done $0x0  }
0x2f8: {  	[sflag:s21] =	ssyncadd.s32 $0xFFFFF800  }
0x2f9: {  	[spmem:s4] =	stream.indirect.scatter.add.f32 [tilespmem:s15], [sflag:$0x4], $0x10, s2, s17, $0xb8;
	[tilespmem:$0x1AB00] =	vst v63  }
0x2fa: {  	_ =	swait.ge [sflag:s18], $0x800  }
0x2fb: {  	[sflag:s18] =	ssyncset.done $0x0  }
0x2fc: {  	s28 =	simm.s32 $0x19F00;
	[sflag:s18] =	ssyncadd.s32 $0xFFFFF800  }
0x2fd: {  	[spmem:s4] =	stream.indirect.scatter.add.f32 [tilespmem:s15], [sflag:$0x1], $0x10, s28, s17, $0xb8;
	[tilespmem:$0x1AB00] =	vst v63  }
0x2fe: {  	_ =	swait.ge [sflag:s19], $0x800  }
0x2ff: {  	[sflag:s19] =	ssyncset.done $0x0  }
0x300: {  	[sflag:s19] =	ssyncadd.s32 $0xFFFFF800  }
0x301: {  	[spmem:s4] =	stream.indirect.scatter.add.f32 [tilespmem:s15], [sflag:$0x2], $0x10, s1, s17, $0xb8;
	[tilespmem:$0x1AB00] =	vst v63  }
0x302: {  	_ =	swait.ge [sflag:s20], $0x800  }
0x303: {  	[sflag:s20] =	ssyncset.done $0x0  }
0x304: {  	[sflag:s20] =	ssyncadd.s32 $0xFFFFF800  }
0x305: {  	[spmem:s4] =	stream.indirect.scatter.add.f32 [tilespmem:s15], [sflag:$0x3], $0x10, s3, s17, $0xb8;
	[tilespmem:$0x1AB00] =	vst v63  }
0x306: {  	_ =	swait.ge [sflag:s21], $0x800  }
0x307: {  	[sflag:s21] =	ssyncset.done $0x0  }
0x308: {  	[sflag:s21] =	ssyncadd.s32 $0xFFFFF800  }
0x309: {  	[spmem:s4] =	stream.indirect.scatter.add.f32 [tilespmem:s15], [sflag:$0x4], $0x10, s10, s17, $0xb8;
	[tilespmem:$0x1AB00] =	vst v63  }
0x30a: {  	_ =	swait.ge [sflag:s18], $0x800  }
0x30b: {  	[sflag:s18] =	ssyncset.done $0x0  }
0x30c: {  	[sflag:s18] =	ssyncadd.s32 $0xFFFFF800  }
0x30d: {  	[spmem:s4] =	stream.indirect.scatter.add.f32 [tilespmem:s15], [sflag:$0x1], $0x10, s11, s17, $0xb8;
	[tilespmem:$0x1AB00] =	vst v63  }
0x30e: {  	_ =	swait.ge [sflag:s19], $0x800  }
0x30f: {  	[sflag:s19] =	ssyncset.done $0x0  }
0x310: {  	[sflag:s19] =	ssyncadd.s32 $0xFFFFF800  }
0x311: {  	[spmem:s4] =	stream.indirect.scatter.add.f32 [tilespmem:s15], [sflag:$0x2], $0x10, s8, s17, $0xb8;
	[tilespmem:$0x1AB00] =	vst v63  }
0x312: {  	_ =	swait.ge [sflag:s20], $0x800  }
0x313: {  	[sflag:s20] =	ssyncset.done $0x0  }
0x314: {  	[sflag:s20] =	ssyncadd.s32 $0xFFFFF800  }
0x315: {  	[spmem:s4] =	stream.indirect.scatter.add.f32 [tilespmem:s15], [sflag:$0x3], $0x10, s6, s17, $0xb8;
	[tilespmem:$0x1AB00] =	vst v63  }
0x316: {  	_ =	swait.ge [sflag:s21], $0x800  }
0x317: {  	[sflag:s21] =	ssyncset.done $0x0  }
0x318: {  	[sflag:s21] =	ssyncadd.s32 $0xFFFFF800  }
0x319: {  	[spmem:s4] =	stream.indirect.scatter.add.f32 [tilespmem:s15], [sflag:$0x4], $0x10, s7, s17, $0xb8;
	[tilespmem:$0x1AB00] =	vst v63  }
0x31a: {  	_ =	swait.ge [sflag:s18], $0x800  }
0x31b: {  	[sflag:s18] =	ssyncset.done $0x0  }
0x31c: {  	[sflag:s18] =	ssyncadd.s32 $0xFFFFF800  }
0x31d: {  	_ =	swait.ge [sflag:s19], $0x800  }
0x31e: {  	[sflag:s19] =	ssyncset.done $0x0  }
0x31f: {  	[sflag:s19] =	ssyncadd.s32 $0xFFFFF800  }
0x320: {  	_ =	swait.ge [sflag:s20], $0x800  }
0x321: {  	[sflag:s20] =	ssyncset.done $0x0  }
0x322: {  	[sflag:s20] =	ssyncadd.s32 $0xFFFFF800  }
.Ltmp3:
0x323: {  	_ =	swait.ge [sflag:s21], $0x800;
	(pc) =	sbr.rel @!p0 .LBB2_5-.Ltmp3, $4  }
0x324: {  	[sflag:s21] =	ssyncset.done $0x0  }
0x325: {  	[sflag:s21] =	ssyncadd.s32 $0xFFFFF800  }
0x326: {  	[bflag:$0x0] =	sbarrier.arrive $0xFFFF  }
0x327: {  	s12 =	simm.s32 $0x0  }
0x328: {  	s13 =	sld [smem:$0x7FC]  }
0x329: {  	s5 =	sld [smem:$0x7EC]  }
0x32a: {  	s22 =	sld [smem:$0x7FD];
	_ =	sdelay $0x1  }
.Ltmp4:
0x32b: {  	_ = 	snop;
	(pc) =	sbr.rel .LBB2_6-.Ltmp4, $4  }
0x32c: {  	[hbm:s5], [sflag:s13] =	dma.local [spmem:s22], $0x30E0  }
0x32d: {  	_ =	swait.ge [sflag:s14], $0x30E0  }
0x32e: {  	[sflag:s14] =	ssyncset.done $0x0  }
0x32f: {  	p5 =	por $0x0, $0x0;
	s0 =	sld [smem:$0x7E9];
	[sflag:s14] =	ssyncadd.s32 $0xFFFFCF20  }
.LBB2_5:
.Ltmp5:
0x330: {  	(pc) =	sbr.rel @p2 .LBB2_7-.Ltmp5, $4  }
0x331: {  	s9 =	rddreg [dreg:$0x2]  }
0x332: {  	s13 =	sld [smem:$0x7FC]  }
0x333: {  	s22 =	sld [smem:$0x7FD]  }
0x334: {  	p5 =	por p1, p1;
	s0 =	sld [smem:$0x7E9]  }
.LBB2_6:
0x335: {  	s5 =	sld [smem:$0x7F2];
	p6 =	por @p4 $0x1, $0x1  }
0x336: {  	s9 =	sld [smem:$0x7EE];
	p6 =	por @!p4 p3, p3  }
0x337: {  	p5 =	por !p6, !p5  }
0x338: {  	s5 =	sshrl.u32 @p4 s5, $0x3;
	p5 =	por !p5, !p5  }
0x339: {  	[hbm:s9], [sflag:s13] =	dma.local @p4 [spmem:s5], $0x30E0  }
.Ltmp6:
0x33a: {  	s5 =	simm.s32 @p4 $0x5;
	(pc) =	sbr.rel @!p5 .LBB2_8-.Ltmp6, $4  }
.Ltmp7:
0x33b: {  	_ =	swait.ge @p4 [sflag:s5], $0x30E0;
	(pc) =	sbr.rel @p5 .LBB2_7-.Ltmp7, $4  }
0x33c: {  	[sflag:s5] =	ssyncset.done @p4 $0x0  }
0x33d: {  	[sflag:s5] =	ssyncadd.s32 @p4 $0xFFFFCF20  }
0x33e: {  	s9 =	rddreg [dreg:$0x3]  }
0x33f: {  	_ = 	snop  }
.LBB2_9:
0x340: {  	_ =	sfence.sel $0x180000  }
0x341: {  	[bflag:$0x0] =	sbarrier.arrive $0xFFFF  }
0x342: {  	_ =	strace $0x90000047  }
0x343: {  	s0 =	stileid.u32;
	[bflag:$0x2] =	sbarrier.arrive $0xFFFF  }
0x344: {  	p0 =	sne.s32 s0, $0x0;
	s0 =	rddreg [dreg:$0x5]  }
0x345: {  	s0 =	sadd.s32 @!p0 $0x100000, s0  }
0x346: {  	[sflag:s0] =	ssyncadd.tile.s32 @!p0 $0x1;
	_ =	shalt  }
.Lfunc_end2:
_tile_overlayer_lowered:
.L_overlay_start_2:
0x347: {  	(tag) =	ssettag $0x2  }
0x348: {  	s0 =	rddreg [dreg:$0x0];
	s2 =	stileid.u32  }
0x349: {  	s1 =	rddreg [dreg:$0x1];
	p0 =	sne.s32 s2, $0x0  }
0x34a: {  	s3 =	rddreg [dreg:$0x2];
	[bflag:$0x3] =	sbarrier.arrive $0xFFFF;
	s2 =	simm.s32 @!p0 $0x1C05  }
0x34b: {  	[timem:s3], [sflag:s2] =	dma.local @!p0 [hbm:s0], s1  }
0x34c: {  	s0 =	simm.s32 @!p0 $0x5  }
0x34d: {  	_ =	swait.ge @!p0 [sflag:s0], s1  }
0x34e: {  	s1 =	ssub.s32 @!p0 $0x0, s1;
	[sflag:s0] =	ssyncset.done @!p0 $0x0  }
0x34f: {  	[sflag:s0] =	ssyncadd.s32 @!p0 s1  }
0x350: {  	[bflag:$0x3] =	sbarrier.arrive $0xFFFF  }
0x351: {  	_ =	shalt  }

</sc_bundles>
